<compile_context>
chip_gen: v7x
topology: tpu7x:2x2x1
jax: 0.10.2.dev20260603
libtpu: 0.0.44.dev20260713+nightly
codegen_flags: <defaults>
</compile_context>

<pallas_src>
import functools

import jax
import jax.numpy as jnp
from jax import lax
from jax.experimental import pallas as pl
from jax.experimental.pallas import tpu as pltpu
from jax.experimental.pallas import tpu_sc as plsc

H = W = D = 128
HP = WP = DP = 130
NVOX = H * W * D
NPAD = HP * WP * DP
BI, BJ = 4, 8
NBI, NBJ = H // BI, W // BJ
NW = 32
BLOCKS_PW = NBI * NBJ // NW
BV = BI * BJ * D
VREGS = BV // 16
YEXT, XEXT = 16, 20
DPP = 132
ROWW = DPP * 2
STRIPW = XEXT * ROWW
BLK_ALLOC = YEXT * STRIPW + STRIPW + ROWW + 8
UNROLL = 4


def _floor_i32(x):
    t = x.astype(jnp.int32)
    tf = t.astype(jnp.float32)
    return jnp.where(tf > x, t - 1, t)


def _warp_body(tab_hbm, dx_hbm, dy_hbm, dz_hbm, o0_hbm, o1_hbm,
               blk, d0, d1, d2, wx, wy, wz, pk, ov0, ov1,
               fbi, fbv, fbd, sst, sin, sou, sfb):
    wid = lax.axis_index("s") * 2 + lax.axis_index("c")
    iota = lax.iota(jnp.int32, 16)
    zeros = jnp.full((16,), 0, jnp.int32)
    lane_corner = lax.shift_right_logical(iota, 2)
    m_c0 = lane_corner == 0
    m_c1 = lane_corner == 1
    m_c2 = lane_corner == 2
    m_z1 = (iota & 2) != 0
    m_ch1 = (iota & 1) != 0
    m_l15 = iota == 15

    def block_geo(t):
        b = wid * BLOCKS_PW + t
        bi = lax.shift_right_logical(b, 4)
        bj = b & 15
        bi4 = bi * BI
        bj8 = bj * BJ
        ylo = jnp.minimum(jnp.maximum(bi4 - 5, 0), HP - YEXT)
        xlo = jnp.minimum(jnp.maximum(bj8 - 5, 0), WP - XEXT)
        return bi4, bj8, ylo, xlo

    def run_n0(bi4, bj8, di):
        return pl.multiple_of(((bi4 + di) * W + bj8) * D, 8)

    def fire_in(t):
        bi4, bj8, _, _ = block_geo(t)
        for di in range(BI):
            n0 = run_n0(bi4, bj8, di)
            v0 = di * (BJ * D)
            pltpu.async_copy(dx_hbm.at[pl.ds(n0, BJ * D)],
                             d0.at[pl.ds(v0, BJ * D)], sin)
            pltpu.async_copy(dy_hbm.at[pl.ds(n0, BJ * D)],
                             d1.at[pl.ds(v0, BJ * D)], sin)
            pltpu.async_copy(dz_hbm.at[pl.ds(n0, BJ * D)],
                             d2.at[pl.ds(v0, BJ * D)], sin)

    def wait_in(t):
        bi4, bj8, _, _ = block_geo(t)
        for di in range(BI):
            n0 = run_n0(bi4, bj8, di)
            v0 = di * (BJ * D)
            pltpu.make_async_copy(dx_hbm.at[pl.ds(n0, BJ * D)],
                                  d0.at[pl.ds(v0, BJ * D)], sin).wait()
            pltpu.make_async_copy(dy_hbm.at[pl.ds(n0, BJ * D)],
                                  d1.at[pl.ds(v0, BJ * D)], sin).wait()
            pltpu.make_async_copy(dz_hbm.at[pl.ds(n0, BJ * D)],
                                  d2.at[pl.ds(v0, BJ * D)], sin).wait()

    def fire_stage(t):
        _, _, ylo, xlo = block_geo(t)
        for yy in range(YEXT):
            src = pl.multiple_of(((ylo + yy) * WP + xlo) * ROWW, 8)
            pltpu.async_copy(tab_hbm.at[pl.ds(src, STRIPW)],
                             blk.at[pl.ds(yy * STRIPW, STRIPW)], sst)

    def wait_stage(t):
        _, _, ylo, xlo = block_geo(t)
        for yy in range(YEXT):
            src = pl.multiple_of(((ylo + yy) * WP + xlo) * ROWW, 8)
            pltpu.make_async_copy(tab_hbm.at[pl.ds(src, STRIPW)],
                                  blk.at[pl.ds(yy * STRIPW, STRIPW)],
                                  sst).wait()

    def fire_out(t):
        bi4, bj8, _, _ = block_geo(t)
        for di in range(BI):
            n0 = run_n0(bi4, bj8, di)
            v0 = di * (BJ * D)
            pltpu.async_copy(ov0.at[pl.ds(v0, BJ * D)],
                             o0_hbm.at[pl.ds(n0, BJ * D)], sou)
            pltpu.async_copy(ov1.at[pl.ds(v0, BJ * D)],
                             o1_hbm.at[pl.ds(n0, BJ * D)], sou)

    def drain_out(t):
        bi4, bj8, _, _ = block_geo(t)
        for di in range(BI):
            n0 = run_n0(bi4, bj8, di)
            v0 = di * (BJ * D)
            pltpu.make_async_copy(ov0.at[pl.ds(v0, BJ * D)],
                                  o0_hbm.at[pl.ds(n0, BJ * D)], sou).wait()
            pltpu.make_async_copy(ov1.at[pl.ds(v0, BJ * D)],
                                  o1_hbm.at[pl.ds(n0, BJ * D)], sou).wait()

    def pass_a(t):
        bi4, bj8, ylo, xlo = block_geo(t)

        def pa_body(i, bad_acc):
            s = pl.ds(i * 16, 16)
            v = i * 16 + iota
            di = lax.shift_right_logical(v, 10)
            dj = lax.shift_right_logical(v, 7) & 7
            kk = v & 127
            x = (d0[s] + (bj8 + dj).astype(jnp.float32)) + 1.0
            y = (d1[s] + (bi4 + di).astype(jnp.float32)) + 1.0
            z = (d2[s] + kk.astype(jnp.float32)) + 1.0
            x0 = _floor_i32(x)
            y0 = _floor_i32(y)
            z0 = _floor_i32(z)
            x0c = jnp.minimum(jnp.maximum(x0, 0), WP - 1)
            x1c = jnp.minimum(jnp.maximum(x0 + 1, 0), WP - 1)
            y0c = jnp.minimum(jnp.maximum(y0, 0), HP - 1)
            y1c = jnp.minimum(jnp.maximum(y0 + 1, 0), HP - 1)
            z0c = jnp.minimum(jnp.maximum(z0, 0), DP - 1)
            z1c = jnp.minimum(jnp.maximum(z0 + 1, 0), DP - 1)
            wx[s] = x1c.astype(jnp.float32) - x
            wy[s] = y1c.astype(jnp.float32) - y
            wz[s] = z1c.astype(jnp.float32) - z
            mx = x1c - x0c
            my = y1c - y0c
            mz = z1c - z0c
            ylov = zeros + ylo
            yhiv = zeros + (ylo + (YEXT - 1))
            xlov = zeros + xlo
            xhiv = zeros + (xlo + (XEXT - 1))
            b1 = jnp.where(y0c < ylov, 1, 0)
            b2 = jnp.where(y0c + my > yhiv, 1, 0)
            b3 = jnp.where(x0c < xlov, 1, 0)
            b4 = jnp.where(x0c + mx > xhiv, 1, 0)
            badi = (b1 | b2) | (b3 | b4)
            pk[s] = (y0c | (x0c << 8) | (z0c << 16)
                     | (mx << 24) | (my << 25) | (mz << 26) | (badi << 27))
            return bad_acc | badi

        return lax.fori_loop(0, VREGS, pa_body, jnp.zeros((16,), jnp.int32))

    def pass_b(t):
        _, _, ylo, xlo = block_geo(t)

        def pb_body(i, c):
            s = pl.ds(i * 16, 16)
            p = pk[s]
            y0 = p & 255
            x0 = lax.shift_right_logical(p, 8) & 255
            z0 = lax.shift_right_logical(p, 16) & 255
            mx = lax.shift_right_logical(p, 24) & 1
            my = lax.shift_right_logical(p, 25) & 1
            mz = lax.shift_right_logical(p, 26) & 1
            y0l = jnp.minimum(jnp.maximum(y0 - ylo, 0), YEXT - 1)
            x0l = jnp.minimum(jnp.maximum(x0 - xlo, 0), XEXT - 1)
            la = (y0l * XEXT + x0l) * ROWW + (z0 << 1)
            dyo = my * STRIPW
            dxo = mx * ROWW
            zo = mz << 1
            bases = (la, la + dyo, la + dxo, la + dyo + dxo)
            dxw = wx[s]
            dyw = wy[s]
            dzw = wz[s]
            exw = 1.0 - dxw
            eyw = 1.0 - dyw
            ezw = 1.0 - dzw
            wxy = (dxw * dyw, dxw * eyw, exw * dyw, exw * eyw)
            o0 = jnp.full((16,), 0.0, jnp.float32)
            o1 = jnp.full((16,), 0.0, jnp.float32)
            for r in range(4):
                ar = bases[r]
                v00 = plsc.load_gather(blk, [ar])
                v01 = plsc.load_gather(blk, [ar + 1])
                v10 = plsc.load_gather(blk, [ar + zo])
                v11 = plsc.load_gather(blk, [ar + zo + 1])
                w0 = dzw * wxy[r]
                w1 = ezw * wxy[r]
                o0 = o0 + (w0 * v00 + w1 * v10)
                o1 = o1 + (w0 * v01 + w1 * v11)
            ov0[s] = o0
            ov1[s] = o1
            return c

        lax.fori_loop(0, VREGS, pb_body, 0)

    def fallback(t):
        bi4, bj8, _, _ = block_geo(t)

        def scan_vreg(i, c):
            pv = pk[pl.ds(i * 16, 16)]
            vb = lax.shift_right_logical(pv, 27) & 1
            anyb = jnp.max(vb)

            @pl.when(anyb == 1)
            def _():
                def scan_lane(l, c2):
                    v = i * 16 + l
                    pvb = lax.shift_right_logical(
                        plsc.load_gather(pk, [jnp.full((16,), v, jnp.int32)]),
                        27) & 1
                    bsc = jnp.max(pvb)

                    @pl.when(bsc == 1)
                    def _():
                        di = lax.shift_right_logical(v, 10)
                        dj = lax.shift_right_logical(v, 7) & 7
                        kk = v & 127
                        nglob = ((bi4 + di) * W + (bj8 + dj)) * D + kk
                        na = pl.multiple_of(nglob & ~7, 8)
                        off = jnp.full((16,), nglob - na, jnp.int32)
                        pltpu.async_copy(dx_hbm.at[pl.ds(na, 16)],
                                         fbd, sfb).wait()
                        dxs = plsc.load_gather(fbd, [off])
                        pltpu.async_copy(dy_hbm.at[pl.ds(na, 16)],
                                         fbd, sfb).wait()
                        dys = plsc.load_gather(fbd, [off])
                        pltpu.async_copy(dz_hbm.at[pl.ds(na, 16)],
                                         fbd, sfb).wait()
                        dzs = plsc.load_gather(fbd, [off])
                        x = (dxs + (bj8 + dj).astype(jnp.float32)) + 1.0
                        y = (dys + (bi4 + di).astype(jnp.float32)) + 1.0
                        z = (dzs + kk.astype(jnp.float32)) + 1.0
                        x0 = _floor_i32(x)
                        y0 = _floor_i32(y)
                        z0 = _floor_i32(z)
                        x0c = jnp.minimum(jnp.maximum(x0, 0), WP - 1)
                        x1c = jnp.minimum(jnp.maximum(x0 + 1, 0), WP - 1)
                        y0c = jnp.minimum(jnp.maximum(y0, 0), HP - 1)
                        y1c = jnp.minimum(jnp.maximum(y0 + 1, 0), HP - 1)
                        z0c = jnp.minimum(jnp.maximum(z0, 0), DP - 1)
                        z1c = jnp.minimum(jnp.maximum(z0 + 1, 0), DP - 1)
                        dxw = x1c.astype(jnp.float32) - x
                        dyw = y1c.astype(jnp.float32) - y
                        dzw = z1c.astype(jnp.float32) - z
                        ba = (y0c * WP + x0c) * ROWW + (z0c << 1)
                        bb = (y1c * WP + x0c) * ROWW + (z0c << 1)
                        bc = (y0c * WP + x1c) * ROWW + (z0c << 1)
                        bd = (y1c * WP + x1c) * ROWW + (z0c << 1)
                        zo = (z1c - z0c) << 1
                        base = jnp.where(m_c0, ba,
                                         jnp.where(m_c1, bb,
                                                   jnp.where(m_c2, bc, bd)))
                        addr = (base + jnp.where(m_z1, zo, 0)
                                + (iota & 1))
                        fbi[pl.ds(0, 16)] = addr
                        pltpu.async_copy(tab_hbm.at[fbi], fbv, sfb).wait()
                        vals = fbv[pl.ds(0, 16)]
                        exw = 1.0 - dxw
                        eyw = 1.0 - dyw
                        ezw = 1.0 - dzw
                        wxy0 = dxw * dyw
                        wxy1 = dxw * eyw
                        wxy2 = exw * dyw
                        wxy3 = exw * eyw
                        wyx = jnp.where(m_c0, wxy0,
                                        jnp.where(m_c1, wxy1,
                                                  jnp.where(m_c2, wxy2,
                                                            wxy3)))
                        wzv = jnp.where(m_z1, ezw, dzw)
                        prod = wyx * wzv * vals
                        o0c = plsc.cumsum(jnp.where(m_ch1, 0.0, prod))
                        o1c = plsc.cumsum(jnp.where(m_ch1, prod, 0.0))
                        idxv = jnp.full((16,), v, jnp.int32)
                        plsc.store_scatter(ov0, [idxv], o0c, mask=m_l15)
                        plsc.store_scatter(ov1, [idxv], o1c, mask=m_l15)
                    return c2

                lax.fori_loop(0, 16, scan_lane, 0)
            return c

        lax.fori_loop(0, VREGS, scan_vreg, 0)

    fire_in(0)

    def block_body(t, carry):
        fire_stage(t)
        wait_in(t)
        bad_flag = pass_a(t)
        fire_in(jnp.minimum(t + 1, BLOCKS_PW - 1))

        @pl.when(t > 0)
        def _():
            drain_out(t - 1)

        wait_stage(t)
        pass_b(t)

        @pl.when(jnp.max(bad_flag) > 0)
        def _():
            fallback(t)

        fire_out(t)
        return carry

    lax.fori_loop(0, BLOCKS_PW, block_body, 0)
    drain_out(BLOCKS_PW - 1)
    wait_in(BLOCKS_PW - 1)


@jax.jit
def _warp(tab, dxf, dyf, dzf):
    mesh = plsc.VectorSubcoreMesh(core_axis_name="c", subcore_axis_name="s")
    f32 = jnp.float32
    i32 = jnp.int32
    scratch = [
        pltpu.VMEM((BLK_ALLOC,), f32),
        pltpu.VMEM((BV,), f32), pltpu.VMEM((BV,), f32),
        pltpu.VMEM((BV,), f32),
        pltpu.VMEM((BV,), f32), pltpu.VMEM((BV,), f32),
        pltpu.VMEM((BV,), f32),
        pltpu.VMEM((BV,), i32),
        pltpu.VMEM((BV,), f32), pltpu.VMEM((BV,), f32),
        pltpu.VMEM((16,), i32), pltpu.VMEM((16,), f32),
        pltpu.VMEM((16,), f32),
        pltpu.SemaphoreType.DMA, pltpu.SemaphoreType.DMA,
        pltpu.SemaphoreType.DMA, pltpu.SemaphoreType.DMA,
    ]
    run = functools.partial(
        pl.kernel,
        mesh=mesh,
        out_type=[jax.ShapeDtypeStruct((NVOX,), f32),
                  jax.ShapeDtypeStruct((NVOX,), f32)],
        scratch_types=scratch,
        compiler_params=pltpu.CompilerParams(needs_layout_passes=False),
    )(_warp_body)
    return run(tab, dxf, dyf, dzf)


def kernel(I, dx_t, dy_t, dz_t):
    I_pad = jnp.pad(I, ((0, 0), (0, 0), (1, 1), (1, 1), (1, 3)))
    tab = jnp.transpose(I_pad[0], (1, 2, 3, 0)).reshape(-1)
    zpad = jnp.zeros((16,), jnp.float32)
    dxf = jnp.concatenate([dx_t.reshape(-1), zpad])
    dyf = jnp.concatenate([dy_t.reshape(-1), zpad])
    dzf = jnp.concatenate([dz_t.reshape(-1), zpad])
    o0, o1 = _warp(tab, dxf, dyf, dzf)
    return jnp.stack([o0, o1]).reshape(1, 2, H, W, D)

# --- scband reference (transcript-rebuilt; emitter-appended) ---
"""Pipeline reference for scband-spatial-transformer-73297911874148 (READ-ONLY COPY).

The authoritative reference and input builder live on the scoring server;
editing this copy changes nothing except your own understanding.
"""

import jax, jax.numpy as jnp
import numpy as np

B, C, H, W, D = 1, 2, 128, 128, 128

def _meshes():
    x_t = jnp.broadcast_to(jnp.linspace(0.0, W - 1.0, W)[None, :, None], (H, W, D)).astype(jnp.float32)
    y_t = jnp.broadcast_to(jnp.linspace(0.0, H - 1.0, H)[:, None, None], (H, W, D)).astype(jnp.float32)
    z_t = jnp.broadcast_to(jnp.linspace(0.0, D - 1.0, D)[None, None, :], (H, W, D)).astype(jnp.float32)
    return x_t, y_t, z_t

def setup_inputs(seed: int = 0):
    key = jax.random.key(seed)
    k1, k2, k3, k4 = jax.random.split(key, 4)
    I = jax.random.normal(k1, (B, C, H, W, D), dtype=jnp.float32)
    dx_t = jax.random.normal(k2, (B, H, W, D), dtype=jnp.float32)
    dy_t = jax.random.normal(k3, (B, H, W, D), dtype=jnp.float32)
    dz_t = jax.random.normal(k4, (B, H, W, D), dtype=jnp.float32)
    return {"I": I, "dx_t": dx_t, "dy_t": dy_t, "dz_t": dz_t}

def reference(I, dx_t, dy_t, dz_t):
    x_t, y_t, z_t = _meshes()
    bsize = I.shape[0]
    x_new = dx_t + x_t[None]
    y_new = dy_t + y_t[None]
    z_new = dz_t + z_t[None]
    I_pad = jnp.pad(I, ((0, 0), (0, 0), (1, 1), (1, 1), (1, 1)))
    channels = I_pad.shape[1]
    hp, wp, dp = I_pad.shape[2], I_pad.shape[3], I_pad.shape[4]
    oh, ow, od = z_new.shape[1], z_new.shape[2], z_new.shape[3]
    x = jnp.broadcast_to(x_new[:, None], (bsize, channels, oh, ow, od)).reshape(channels, -1) + 1.0
    y = jnp.broadcast_to(y_new[:, None], (bsize, channels, oh, ow, od)).reshape(channels, -1) + 1.0
    z = jnp.broadcast_to(z_new[:, None], (bsize, channels, oh, ow, od)).reshape(channels, -1) + 1.0
    max_x = wp - 1
    max_y = hp - 1
    max_z = dp - 1
    x0 = jnp.floor(x).astype(jnp.int32)
    x1 = x0 + 1
    y0 = jnp.floor(y).astype(jnp.int32)
    y1 = y0 + 1
    z0 = jnp.floor(z).astype(jnp.int32)
    z1 = z0 + 1
    x0 = jnp.clip(x0, 0, max_x)
    x1 = jnp.clip(x1, 0, max_x)
    y0 = jnp.clip(y0, 0, max_y)
    y1 = jnp.clip(y1, 0, max_y)
    z0 = jnp.clip(z0, 0, max_z)
    z1 = jnp.clip(z1, 0, max_z)
    dim3 = dp
    dim2 = dp * wp
    dim1 = dp * wp * hp
    base = jnp.broadcast_to((jnp.arange(channels, dtype=jnp.int32) * dim1)[:, None], (channels, oh * ow * od))
    base_y0 = base + y0 * dim2
    base_y1 = base + y1 * dim2
    idx_a = base_y0 + x0 * dim3 + z0
    idx_b = base_y1 + x0 * dim3 + z0
    idx_c = base_y0 + x1 * dim3 + z0
    idx_d = base_y1 + x1 * dim3 + z0
    idx_e = base_y0 + x0 * dim3 + z1
    idx_f = base_y1 + x0 * dim3 + z1
    idx_g = base_y0 + x1 * dim3 + z1
    idx_h = base_y1 + x1 * dim3 + z1
    im_flat = I_pad.reshape(-1, channels).reshape(-1)
    Ia = jnp.take(im_flat, idx_a.reshape(-1)).reshape(channels, -1)
    Ib = jnp.take(im_flat, idx_b.reshape(-1)).reshape(channels, -1)
    Ic = jnp.take(im_flat, idx_c.reshape(-1)).reshape(channels, -1)
    Id = jnp.take(im_flat, idx_d.reshape(-1)).reshape(channels, -1)
    Ie = jnp.take(im_flat, idx_e.reshape(-1)).reshape(channels, -1)
    If = jnp.take(im_flat, idx_f.reshape(-1)).reshape(channels, -1)
    Ig = jnp.take(im_flat, idx_g.reshape(-1)).reshape(channels, -1)
    Ih = jnp.take(im_flat, idx_h.reshape(-1)).reshape(channels, -1)
    dxw = x1.astype(jnp.float32) - x
    dyw = y1.astype(jnp.float32) - y
    dzw = z1.astype(jnp.float32) - z
    wa = dzw * dxw * dyw
    wb = dzw * dxw * (1 - dyw)
    wc = dzw * (1 - dxw) * dyw
    wd = dzw * (1 - dxw) * (1 - dyw)
    we = (1 - dzw) * dxw * dyw
    wf = (1 - dzw) * dxw * (1 - dyw)
    wg = (1 - dzw) * (1 - dxw) * dyw
    wh = (1 - dzw) * (1 - dxw) * (1 - dyw)
    output = wa * Ia + wb * Ib + wc * Ic + wd * Id + we * Ie + wf * If + wg * Ig + wh * Ih
    return output.reshape(-1, channels, oh, ow, od)

if __name__ == "__main__":
    import jax
    _d = setup_inputs()
    print(jax.jit(kernel)(*tuple(_d.values())))

</pallas_src>

<mosaic_0001>
#map = affine_map<(d0, d1) -> (0)>
module attributes {stable_mosaic.version = 14 : i64} {
  func.func @_warp_body(%arg0: i32, %arg1: i32, %arg2: memref<4461600xf32, #tpu.memory_space<hbm>>, %arg3: memref<2097168xf32, #tpu.memory_space<hbm>>, %arg4: memref<2097168xf32, #tpu.memory_space<hbm>>, %arg5: memref<2097168xf32, #tpu.memory_space<hbm>>, %arg6: memref<2097152xf32, #tpu.memory_space<hbm>>, %arg7: memref<2097152xf32, #tpu.memory_space<hbm>>, %arg8: memref<90032xf32, #tpu.memory_space<vmem>>, %arg9: memref<4096xf32, #tpu.memory_space<vmem>>, %arg10: memref<4096xf32, #tpu.memory_space<vmem>>, %arg11: memref<4096xf32, #tpu.memory_space<vmem>>, %arg12: memref<4096xf32, #tpu.memory_space<vmem>>, %arg13: memref<4096xf32, #tpu.memory_space<vmem>>, %arg14: memref<4096xf32, #tpu.memory_space<vmem>>, %arg15: memref<4096xi32, #tpu.memory_space<vmem>>, %arg16: memref<4096xf32, #tpu.memory_space<vmem>>, %arg17: memref<4096xf32, #tpu.memory_space<vmem>>, %arg18: memref<16xi32, #tpu.memory_space<vmem>>, %arg19: memref<16xf32, #tpu.memory_space<vmem>>, %arg20: memref<16xf32, #tpu.memory_space<vmem>>, %arg21: memref<!tpu.dma_semaphore, #tpu.memory_space<semaphore_mem>>, %arg22: memref<!tpu.dma_semaphore, #tpu.memory_space<semaphore_mem>>, %arg23: memref<!tpu.dma_semaphore, #tpu.memory_space<semaphore_mem>>, %arg24: memref<!tpu.dma_semaphore, #tpu.memory_space<semaphore_mem>>) attributes {dimension_semantics = [#tpu.dimension_semantics<core_parallel>, #tpu.dimension_semantics<subcore_parallel>], iteration_bounds = array<i64: 2, 16>, scalar_prefetch = 0 : i64, scratch_operands = 17 : i64, tpu.core_type = #tpu.core_type<sc_vector_subcore>, window_params = [{transform_indices = #map}, {transform_indices = #map}, {transform_indices = #map}, {transform_indices = #map}, {transform_indices = #map}, {transform_indices = #map}]} {
    %mul3A = arith.constant 2 : i32
    %mul3A_0 = arith.muli %arg1, %mul3A : i32
    %add3A = arith.addi %mul3A_0, %arg0 : i32
    %iota3A = tpu.iota {dimensions = array<i32: 0>} : vector<16xi32>
    %broadcast_in_dim3A = arith.constant 0 : i32
    %broadcast_in_dim3A_1 = vector.broadcast %broadcast_in_dim3A : i32 to vector<16xi32>
    %shift_right_logical3A = arith.constant 2 : i32
    %shift_right_logical3A_2 = vector.broadcast %shift_right_logical3A : i32 to vector<16xi32>
    %shift_right_logical3A_3 = arith.shrui %iota3A, %shift_right_logical3A_2 : vector<16xi32>
    %eq3A = arith.constant 0 : i32
    %eq3A_4 = vector.broadcast %eq3A : i32 to vector<16xi32>
    %eq3A_5 = arith.cmpi eq, %shift_right_logical3A_3, %eq3A_4 : vector<16xi32>
    %eq3A_6 = arith.constant 1 : i32
    %eq3A_7 = vector.broadcast %eq3A_6 : i32 to vector<16xi32>
    %eq3A_8 = arith.cmpi eq, %shift_right_logical3A_3, %eq3A_7 : vector<16xi32>
    %eq3A_9 = arith.constant 2 : i32
    %eq3A_10 = vector.broadcast %eq3A_9 : i32 to vector<16xi32>
    %eq3A_11 = arith.cmpi eq, %shift_right_logical3A_3, %eq3A_10 : vector<16xi32>
    %and3A = arith.constant 2 : i32
    %and3A_12 = vector.broadcast %and3A : i32 to vector<16xi32>
    %and3A_13 = arith.andi %iota3A, %and3A_12 : vector<16xi32>
    %ne3A = arith.constant 0 : i32
    %ne3A_14 = vector.broadcast %ne3A : i32 to vector<16xi32>
    %ne3A_15 = arith.cmpi ne, %and3A_13, %ne3A_14 : vector<16xi32>
    %and3A_16 = arith.constant 1 : i32
    %and3A_17 = vector.broadcast %and3A_16 : i32 to vector<16xi32>
    %and3A_18 = arith.andi %iota3A, %and3A_17 : vector<16xi32>
    %ne3A_19 = arith.constant 0 : i32
    %ne3A_20 = vector.broadcast %ne3A_19 : i32 to vector<16xi32>
    %ne3A_21 = arith.cmpi ne, %and3A_18, %ne3A_20 : vector<16xi32>
    %eq3A_22 = arith.constant 15 : i32
    %eq3A_23 = vector.broadcast %eq3A_22 : i32 to vector<16xi32>
    %eq3A_24 = arith.cmpi eq, %iota3A, %eq3A_23 : vector<16xi32>
    %mul3A_25 = arith.constant 16 : i32
    %mul3A_26 = arith.muli %add3A, %mul3A_25 : i32
    %add3A_27 = arith.constant 0 : i32
    %add3A_28 = arith.addi %mul3A_26, %add3A_27 : i32
    %shift_right_logical3A_29 = arith.constant 4 : i32
    %shift_right_logical3A_30 = arith.shrui %add3A_28, %shift_right_logical3A_29 : i32
    %and3A_31 = arith.constant 15 : i32
    %and3A_32 = arith.andi %add3A_28, %and3A_31 : i32
    %mul3A_33 = arith.constant 4 : i32
    %mul3A_34 = arith.muli %shift_right_logical3A_30, %mul3A_33 : i32
    %mul3A_35 = arith.constant 8 : i32
    %mul3A_36 = arith.muli %and3A_32, %mul3A_35 : i32
    %sub3A = arith.constant 5 : i32
    %sub3A_37 = arith.subi %mul3A_34, %sub3A : i32
    %max3A = arith.constant 0 : i32
    %max3A_38 = arith.maxsi %sub3A_37, %max3A : i32
    %min3A = arith.constant 114 : i32
    %min3A_39 = arith.minsi %max3A_38, %min3A : i32
    %sub3A_40 = arith.constant 5 : i32
    %sub3A_41 = arith.subi %mul3A_36, %sub3A_40 : i32
    %max3A_42 = arith.constant 0 : i32
    %max3A_43 = arith.maxsi %sub3A_41, %max3A_42 : i32
    %min3A_44 = arith.constant 110 : i32
    %min3A_45 = arith.minsi %max3A_43, %min3A_44 : i32
    %add3A_46 = arith.constant 0 : i32
    %add3A_47 = arith.addi %mul3A_34, %add3A_46 : i32
    %mul3A_48 = arith.constant 128 : i32
    %mul3A_49 = arith.muli %add3A_47, %mul3A_48 : i32
    %add3A_50 = arith.addi %mul3A_49, %mul3A_36 : i32
    %mul3A_51 = arith.constant 128 : i32
    %mul3A_52 = arith.muli %add3A_50, %mul3A_51 : i32
    %multiple_of3A = tpu.assume_multiple %mul3A_52, 8 : i32
    %dma_start3A = arith.constant 0 : i32
    %dma_start3A_53 = tpu.memref_slice %arg9[%dma_start3A] : memref<4096xf32, #tpu.memory_space<vmem>> -> memref<1024xf32, #tpu.memory_space<vmem>>
    %dma_start3A_54 = tpu.memref_slice %arg3[%multiple_of3A] : memref<2097168xf32, #tpu.memory_space<hbm>> -> memref<1024xf32, #tpu.memory_space<hbm>>
    %dma_start3A_55 = arith.constant 0 : i32
    %dma_start3A_56 = tpu.memref_slice %arg9[%dma_start3A_55] : memref<4096xf32, #tpu.memory_space<vmem>> -> memref<1024xf32, #tpu.memory_space<vmem>>
    %dma_start3A_57 = tpu.memref_slice %arg3[%multiple_of3A] : memref<2097168xf32, #tpu.memory_space<hbm>> -> memref<1024xf32, #tpu.memory_space<hbm>>
    tpu.enqueue_dma source(%dma_start3A_57 : memref<1024xf32, #tpu.memory_space<hbm>>) target(%dma_start3A_56 : memref<1024xf32, #tpu.memory_space<vmem>>) target_semaphore(%arg22 : memref<!tpu.dma_semaphore, #tpu.memory_space<semaphore_mem>>)
    %dma_start3A_58 = arith.constant 0 : i32
    %dma_start3A_59 = tpu.memref_slice %arg10[%dma_start3A_58] : memref<4096xf32, #tpu.memory_space<vmem>> -> memref<1024xf32, #tpu.memory_space<vmem>>
    %dma_start3A_60 = tpu.memref_slice %arg4[%multiple_of3A] : memref<2097168xf32, #tpu.memory_space<hbm>> -> memref<1024xf32, #tpu.memory_space<hbm>>
    %dma_start3A_61 = arith.constant 0 : i32
    %dma_start3A_62 = tpu.memref_slice %arg10[%dma_start3A_61] : memref<4096xf32, #tpu.memory_space<vmem>> -> memref<1024xf32, #tpu.memory_space<vmem>>
    %dma_start3A_63 = tpu.memref_slice %arg4[%multiple_of3A] : memref<2097168xf32, #tpu.memory_space<hbm>> -> memref<1024xf32, #tpu.memory_space<hbm>>
    tpu.enqueue_dma source(%dma_start3A_63 : memref<1024xf32, #tpu.memory_space<hbm>>) target(%dma_start3A_62 : memref<1024xf32, #tpu.memory_space<vmem>>) target_semaphore(%arg22 : memref<!tpu.dma_semaphore, #tpu.memory_space<semaphore_mem>>)
    %dma_start3A_64 = arith.constant 0 : i32
    %dma_start3A_65 = tpu.memref_slice %arg11[%dma_start3A_64] : memref<4096xf32, #tpu.memory_space<vmem>> -> memref<1024xf32, #tpu.memory_space<vmem>>
    %dma_start3A_66 = tpu.memref_slice %arg5[%multiple_of3A] : memref<2097168xf32, #tpu.memory_space<hbm>> -> memref<1024xf32, #tpu.memory_space<hbm>>
    %dma_start3A_67 = arith.constant 0 : i32
    %dma_start3A_68 = tpu.memref_slice %arg11[%dma_start3A_67] : memref<4096xf32, #tpu.memory_space<vmem>> -> memref<1024xf32, #tpu.memory_space<vmem>>
    %dma_start3A_69 = tpu.memref_slice %arg5[%multiple_of3A] : memref<2097168xf32, #tpu.memory_space<hbm>> -> memref<1024xf32, #tpu.memory_space<hbm>>
    tpu.enqueue_dma source(%dma_start3A_69 : memref<1024xf32, #tpu.memory_space<hbm>>) target(%dma_start3A_68 : memref<1024xf32, #tpu.memory_space<vmem>>) target_semaphore(%arg22 : memref<!tpu.dma_semaphore, #tpu.memory_space<semaphore_mem>>)
    %add3A_70 = arith.constant 1 : i32
    %add3A_71 = arith.addi %mul3A_34, %add3A_70 : i32
    %mul3A_72 = arith.constant 128 : i32
    %mul3A_73 = arith.muli %add3A_71, %mul3A_72 : i32
    %add3A_74 = arith.addi %mul3A_73, %mul3A_36 : i32
    %mul3A_75 = arith.constant 128 : i32
    %mul3A_76 = arith.muli %add3A_74, %mul3A_75 : i32
    %multiple_of3A_77 = tpu.assume_multiple %mul3A_76, 8 : i32
    %dma_start3A_78 = arith.constant 1024 : i32
    %dma_start3A_79 = tpu.memref_slice %arg9[%dma_start3A_78] : memref<4096xf32, #tpu.memory_space<vmem>> -> memref<1024xf32, #tpu.memory_space<vmem>>
    %dma_start3A_80 = tpu.memref_slice %arg3[%multiple_of3A_77] : memref<2097168xf32, #tpu.memory_space<hbm>> -> memref<1024xf32, #tpu.memory_space<hbm>>
    %dma_start3A_81 = arith.constant 1024 : i32
    %dma_start3A_82 = tpu.memref_slice %arg9[%dma_start3A_81] : memref<4096xf32, #tpu.memory_space<vmem>> -> memref<1024xf32, #tpu.memory_space<vmem>>
    %dma_start3A_83 = tpu.memref_slice %arg3[%multiple_of3A_77] : memref<2097168xf32, #tpu.memory_space<hbm>> -> memref<1024xf32, #tpu.memory_space<hbm>>
    tpu.enqueue_dma source(%dma_start3A_83 : memref<1024xf32, #tpu.memory_space<hbm>>) target(%dma_start3A_82 : memref<1024xf32, #tpu.memory_space<vmem>>) target_semaphore(%arg22 : memref<!tpu.dma_semaphore, #tpu.memory_space<semaphore_mem>>)
    %dma_start3A_84 = arith.constant 1024 : i32
    %dma_start3A_85 = tpu.memref_slice %arg10[%dma_start3A_84] : memref<4096xf32, #tpu.memory_space<vmem>> -> memref<1024xf32, #tpu.memory_space<vmem>>
    %dma_start3A_86 = tpu.memref_slice %arg4[%multiple_of3A_77] : memref<2097168xf32, #tpu.memory_space<hbm>> -> memref<1024xf32, #tpu.memory_space<hbm>>
    %dma_start3A_87 = arith.constant 1024 : i32
    %dma_start3A_88 = tpu.memref_slice %arg10[%dma_start3A_87] : memref<4096xf32, #tpu.memory_space<vmem>> -> memref<1024xf32, #tpu.memory_space<vmem>>
    %dma_start3A_89 = tpu.memref_slice %arg4[%multiple_of3A_77] : memref<2097168xf32, #tpu.memory_space<hbm>> -> memref<1024xf32, #tpu.memory_space<hbm>>
    tpu.enqueue_dma source(%dma_start3A_89 : memref<1024xf32, #tpu.memory_space<hbm>>) target(%dma_start3A_88 : memref<1024xf32, #tpu.memory_space<vmem>>) target_semaphore(%arg22 : memref<!tpu.dma_semaphore, #tpu.memory_space<semaphore_mem>>)
    %dma_start3A_90 = arith.constant 1024 : i32
    %dma_start3A_91 = tpu.memref_slice %arg11[%dma_start3A_90] : memref<4096xf32, #tpu.memory_space<vmem>> -> memref<1024xf32, #tpu.memory_space<vmem>>
    %dma_start3A_92 = tpu.memref_slice %arg5[%multiple_of3A_77] : memref<2097168xf32, #tpu.memory_space<hbm>> -> memref<1024xf32, #tpu.memory_space<hbm>>
    %dma_start3A_93 = arith.constant 1024 : i32
    %dma_start3A_94 = tpu.memref_slice %arg11[%dma_start3A_93] : memref<4096xf32, #tpu.memory_space<vmem>> -> memref<1024xf32, #tpu.memory_space<vmem>>
    %dma_start3A_95 = tpu.memref_slice %arg5[%multiple_of3A_77] : memref<2097168xf32, #tpu.memory_space<hbm>> -> memref<1024xf32, #tpu.memory_space<hbm>>
    tpu.enqueue_dma source(%dma_start3A_95 : memref<1024xf32, #tpu.memory_space<hbm>>) target(%dma_start3A_94 : memref<1024xf32, #tpu.memory_space<vmem>>) target_semaphore(%arg22 : memref<!tpu.dma_semaphore, #tpu.memory_space<semaphore_mem>>)
    %add3A_96 = arith.constant 2 : i32
    %add3A_97 = arith.addi %mul3A_34, %add3A_96 : i32
    %mul3A_98 = arith.constant 128 : i32
    %mul3A_99 = arith.muli %add3A_97, %mul3A_98 : i32
    %add3A_100 = arith.addi %mul3A_99, %mul3A_36 : i32
    %mul3A_101 = arith.constant 128 : i32
    %mul3A_102 = arith.muli %add3A_100, %mul3A_101 : i32
    %multiple_of3A_103 = tpu.assume_multiple %mul3A_102, 8 : i32
    %dma_start3A_104 = arith.constant 2048 : i32
    %dma_start3A_105 = tpu.memref_slice %arg9[%dma_start3A_104] : memref<4096xf32, #tpu.memory_space<vmem>> -> memref<1024xf32, #tpu.memory_space<vmem>>
    %dma_start3A_106 = tpu.memref_slice %arg3[%multiple_of3A_103] : memref<2097168xf32, #tpu.memory_space<hbm>> -> memref<1024xf32, #tpu.memory_space<hbm>>
    %dma_start3A_107 = arith.constant 2048 : i32
    %dma_start3A_108 = tpu.memref_slice %arg9[%dma_start3A_107] : memref<4096xf32, #tpu.memory_space<vmem>> -> memref<1024xf32, #tpu.memory_space<vmem>>
    %dma_start3A_109 = tpu.memref_slice %arg3[%multiple_of3A_103] : memref<2097168xf32, #tpu.memory_space<hbm>> -> memref<1024xf32, #tpu.memory_space<hbm>>
    tpu.enqueue_dma source(%dma_start3A_109 : memref<1024xf32, #tpu.memory_space<hbm>>) target(%dma_start3A_108 : memref<1024xf32, #tpu.memory_space<vmem>>) target_semaphore(%arg22 : memref<!tpu.dma_semaphore, #tpu.memory_space<semaphore_mem>>)
    %dma_start3A_110 = arith.constant 2048 : i32
    %dma_start3A_111 = tpu.memref_slice %arg10[%dma_start3A_110] : memref<4096xf32, #tpu.memory_space<vmem>> -> memref<1024xf32, #tpu.memory_space<vmem>>
    %dma_start3A_112 = tpu.memref_slice %arg4[%multiple_of3A_103] : memref<2097168xf32, #tpu.memory_space<hbm>> -> memref<1024xf32, #tpu.memory_space<hbm>>
    %dma_start3A_113 = arith.constant 2048 : i32
    %dma_start3A_114 = tpu.memref_slice %arg10[%dma_start3A_113] : memref<4096xf32, #tpu.memory_space<vmem>> -> memref<1024xf32, #tpu.memory_space<vmem>>
    %dma_start3A_115 = tpu.memref_slice %arg4[%multiple_of3A_103] : memref<2097168xf32, #tpu.memory_space<hbm>> -> memref<1024xf32, #tpu.memory_space<hbm>>
    tpu.enqueue_dma source(%dma_start3A_115 : memref<1024xf32, #tpu.memory_space<hbm>>) target(%dma_start3A_114 : memref<1024xf32, #tpu.memory_space<vmem>>) target_semaphore(%arg22 : memref<!tpu.dma_semaphore, #tpu.memory_space<semaphore_mem>>)
    %dma_start3A_116 = arith.constant 2048 : i32
    %dma_start3A_117 = tpu.memref_slice %arg11[%dma_start3A_116] : memref<4096xf32, #tpu.memory_space<vmem>> -> memref<1024xf32, #tpu.memory_space<vmem>>
    %dma_start3A_118 = tpu.memref_slice %arg5[%multiple_of3A_103] : memref<2097168xf32, #tpu.memory_space<hbm>> -> memref<1024xf32, #tpu.memory_space<hbm>>
    %dma_start3A_119 = arith.constant 2048 : i32
    %dma_start3A_120 = tpu.memref_slice %arg11[%dma_start3A_119] : memref<4096xf32, #tpu.memory_space<vmem>> -> memref<1024xf32, #tpu.memory_space<vmem>>
    %dma_start3A_121 = tpu.memref_slice %arg5[%multiple_of3A_103] : memref<2097168xf32, #tpu.memory_space<hbm>> -> memref<1024xf32, #tpu.memory_space<hbm>>
    tpu.enqueue_dma source(%dma_start3A_121 : memref<1024xf32, #tpu.memory_space<hbm>>) target(%dma_start3A_120 : memref<1024xf32, #tpu.memory_space<vmem>>) target_semaphore(%arg22 : memref<!tpu.dma_semaphore, #tpu.memory_space<semaphore_mem>>)
    %add3A_122 = arith.constant 3 : i32
    %add3A_123 = arith.addi %mul3A_34, %add3A_122 : i32
    %mul3A_124 = arith.constant 128 : i32
    %mul3A_125 = arith.muli %add3A_123, %mul3A_124 : i32
    %add3A_126 = arith.addi %mul3A_125, %mul3A_36 : i32
    %mul3A_127 = arith.constant 128 : i32
    %mul3A_128 = arith.muli %add3A_126, %mul3A_127 : i32
    %multiple_of3A_129 = tpu.assume_multiple %mul3A_128, 8 : i32
    %dma_start3A_130 = arith.constant 3072 : i32
    %dma_start3A_131 = tpu.memref_slice %arg9[%dma_start3A_130] : memref<4096xf32, #tpu.memory_space<vmem>> -> memref<1024xf32, #tpu.memory_space<vmem>>
    %dma_start3A_132 = tpu.memref_slice %arg3[%multiple_of3A_129] : memref<2097168xf32, #tpu.memory_space<hbm>> -> memref<1024xf32, #tpu.memory_space<hbm>>
    %dma_start3A_133 = arith.constant 3072 : i32
    %dma_start3A_134 = tpu.memref_slice %arg9[%dma_start3A_133] : memref<4096xf32, #tpu.memory_space<vmem>> -> memref<1024xf32, #tpu.memory_space<vmem>>
    %dma_start3A_135 = tpu.memref_slice %arg3[%multiple_of3A_129] : memref<2097168xf32, #tpu.memory_space<hbm>> -> memref<1024xf32, #tpu.memory_space<hbm>>
    tpu.enqueue_dma source(%dma_start3A_135 : memref<1024xf32, #tpu.memory_space<hbm>>) target(%dma_start3A_134 : memref<1024xf32, #tpu.memory_space<vmem>>) target_semaphore(%arg22 : memref<!tpu.dma_semaphore, #tpu.memory_space<semaphore_mem>>)
    %dma_start3A_136 = arith.constant 3072 : i32
    %dma_start3A_137 = tpu.memref_slice %arg10[%dma_start3A_136] : memref<4096xf32, #tpu.memory_space<vmem>> -> memref<1024xf32, #tpu.memory_space<vmem>>
    %dma_start3A_138 = tpu.memref_slice %arg4[%multiple_of3A_129] : memref<2097168xf32, #tpu.memory_space<hbm>> -> memref<1024xf32, #tpu.memory_space<hbm>>
    %dma_start3A_139 = arith.constant 3072 : i32
    %dma_start3A_140 = tpu.memref_slice %arg10[%dma_start3A_139] : memref<4096xf32, #tpu.memory_space<vmem>> -> memref<1024xf32, #tpu.memory_space<vmem>>
    %dma_start3A_141 = tpu.memref_slice %arg4[%multiple_of3A_129] : memref<2097168xf32, #tpu.memory_space<hbm>> -> memref<1024xf32, #tpu.memory_space<hbm>>
    tpu.enqueue_dma source(%dma_start3A_141 : memref<1024xf32, #tpu.memory_space<hbm>>) target(%dma_start3A_140 : memref<1024xf32, #tpu.memory_space<vmem>>) target_semaphore(%arg22 : memref<!tpu.dma_semaphore, #tpu.memory_space<semaphore_mem>>)
    %dma_start3A_142 = arith.constant 3072 : i32
    %dma_start3A_143 = tpu.memref_slice %arg11[%dma_start3A_142] : memref<4096xf32, #tpu.memory_space<vmem>> -> memref<1024xf32, #tpu.memory_space<vmem>>
    %dma_start3A_144 = tpu.memref_slice %arg5[%multiple_of3A_129] : memref<2097168xf32, #tpu.memory_space<hbm>> -> memref<1024xf32, #tpu.memory_space<hbm>>
    %dma_start3A_145 = arith.constant 3072 : i32
    %dma_start3A_146 = tpu.memref_slice %arg11[%dma_start3A_145] : memref<4096xf32, #tpu.memory_space<vmem>> -> memref<1024xf32, #tpu.memory_space<vmem>>
    %dma_start3A_147 = tpu.memref_slice %arg5[%multiple_of3A_129] : memref<2097168xf32, #tpu.memory_space<hbm>> -> memref<1024xf32, #tpu.memory_space<hbm>>
    tpu.enqueue_dma source(%dma_start3A_147 : memref<1024xf32, #tpu.memory_space<hbm>>) target(%dma_start3A_146 : memref<1024xf32, #tpu.memory_space<vmem>>) target_semaphore(%arg22 : memref<!tpu.dma_semaphore, #tpu.memory_space<semaphore_mem>>)
    %scan3A = arith.constant 0 : i32
    %scan3A_148 = arith.constant 0 : i32
    %scan3A_149 = arith.constant 16 : i32
    %scan3A_150 = arith.addi %scan3A_148, %scan3A_149 : i32
    %scan3A_151 = arith.constant 1 : i32
    scf.for %scan3A_384 = %scan3A_148 to %scan3A_150 step %scan3A_151  : i32 {
      %mul3A_385 = arith.constant 16 : i32
      %mul3A_386 = arith.muli %add3A, %mul3A_385 : i32
      %add3A_387 = arith.addi %mul3A_386, %scan3A_384 : i32
      %shift_right_logical3A_388 = arith.constant 4 : i32
      %shift_right_logical3A_389 = arith.shrui %add3A_387, %shift_right_logical3A_388 : i32
      %and3A_390 = arith.constant 15 : i32
      %and3A_391 = arith.andi %add3A_387, %and3A_390 : i32
      %mul3A_392 = arith.constant 4 : i32
      %mul3A_393 = arith.muli %shift_right_logical3A_389, %mul3A_392 : i32
      %mul3A_394 = arith.constant 8 : i32
      %mul3A_395 = arith.muli %and3A_391, %mul3A_394 : i32
      %sub3A_396 = arith.constant 5 : i32
      %sub3A_397 = arith.subi %mul3A_393, %sub3A_396 : i32
      %max3A_398 = arith.constant 0 : i32
      %max3A_399 = arith.maxsi %sub3A_397, %max3A_398 : i32
      %min3A_400 = arith.constant 114 : i32
      %min3A_401 = arith.minsi %max3A_399, %min3A_400 : i32
      %sub3A_402 = arith.constant 5 : i32
      %sub3A_403 = arith.subi %mul3A_395, %sub3A_402 : i32
      %max3A_404 = arith.constant 0 : i32
      %max3A_405 = arith.maxsi %sub3A_403, %max3A_404 : i32
      %min3A_406 = arith.constant 110 : i32
      %min3A_407 = arith.minsi %max3A_405, %min3A_406 : i32
      %add3A_408 = arith.constant 0 : i32
      %add3A_409 = arith.addi %min3A_401, %add3A_408 : i32
      %mul3A_410 = arith.constant 130 : i32
      %mul3A_411 = arith.muli %add3A_409, %mul3A_410 : i32
      %add3A_412 = arith.addi %mul3A_411, %min3A_407 : i32
      %mul3A_413 = arith.constant 264 : i32
      %mul3A_414 = arith.muli %add3A_412, %mul3A_413 : i32
      %multiple_of3A_415 = tpu.assume_multiple %mul3A_414, 8 : i32
      %dma_start3A_416 = arith.constant 0 : i32
      %dma_start3A_417 = tpu.memref_slice %arg8[%dma_start3A_416] : memref<90032xf32, #tpu.memory_space<vmem>> -> memref<5280xf32, #tpu.memory_space<vmem>>
      %dma_start3A_418 = tpu.memref_slice %arg2[%multiple_of3A_415] : memref<4461600xf32, #tpu.memory_space<hbm>> -> memref<5280xf32, #tpu.memory_space<hbm>>
      %dma_start3A_419 = arith.constant 0 : i32
      %dma_start3A_420 = tpu.memref_slice %arg8[%dma_start3A_419] : memref<90032xf32, #tpu.memory_space<vmem>> -> memref<5280xf32, #tpu.memory_space<vmem>>
      %dma_start3A_421 = tpu.memref_slice %arg2[%multiple_of3A_415] : memref<4461600xf32, #tpu.memory_space<hbm>> -> memref<5280xf32, #tpu.memory_space<hbm>>
      tpu.enqueue_dma source(%dma_start3A_421 : memref<5280xf32, #tpu.memory_space<hbm>>) target(%dma_start3A_420 : memref<5280xf32, #tpu.memory_space<vmem>>) target_semaphore(%arg21 : memref<!tpu.dma_semaphore, #tpu.memory_space<semaphore_mem>>)
      %add3A_422 = arith.constant 1 : i32
      %add3A_423 = arith.addi %min3A_401, %add3A_422 : i32
      %mul3A_424 = arith.constant 130 : i32
      %mul3A_425 = arith.muli %add3A_423, %mul3A_424 : i32
      %add3A_426 = arith.addi %mul3A_425, %min3A_407 : i32
      %mul3A_427 = arith.constant 264 : i32
      %mul3A_428 = arith.muli %add3A_426, %mul3A_427 : i32
      %multiple_of3A_429 = tpu.assume_multiple %mul3A_428, 8 : i32
      %dma_start3A_430 = arith.constant 5280 : i32
      %dma_start3A_431 = tpu.memref_slice %arg8[%dma_start3A_430] : memref<90032xf32, #tpu.memory_space<vmem>> -> memref<5280xf32, #tpu.memory_space<vmem>>
      %dma_start3A_432 = tpu.memref_slice %arg2[%multiple_of3A_429] : memref<4461600xf32, #tpu.memory_space<hbm>> -> memref<5280xf32, #tpu.memory_space<hbm>>
      %dma_start3A_433 = arith.constant 5280 : i32
      %dma_start3A_434 = tpu.memref_slice %arg8[%dma_start3A_433] : memref<90032xf32, #tpu.memory_space<vmem>> -> memref<5280xf32, #tpu.memory_space<vmem>>
      %dma_start3A_435 = tpu.memref_slice %arg2[%multiple_of3A_429] : memref<4461600xf32, #tpu.memory_space<hbm>> -> memref<5280xf32, #tpu.memory_space<hbm>>
      tpu.enqueue_dma source(%dma_start3A_435 : memref<5280xf32, #tpu.memory_space<hbm>>) target(%dma_start3A_434 : memref<5280xf32, #tpu.memory_space<vmem>>) target_semaphore(%arg21 : memref<!tpu.dma_semaphore, #tpu.memory_space<semaphore_mem>>)
      %add3A_436 = arith.constant 2 : i32
      %add3A_437 = arith.addi %min3A_401, %add3A_436 : i32
      %mul3A_438 = arith.constant 130 : i32
      %mul3A_439 = arith.muli %add3A_437, %mul3A_438 : i32
      %add3A_440 = arith.addi %mul3A_439, %min3A_407 : i32
      %mul3A_441 = arith.constant 264 : i32
      %mul3A_442 = arith.muli %add3A_440, %mul3A_441 : i32
      %multiple_of3A_443 = tpu.assume_multiple %mul3A_442, 8 : i32
      %dma_start3A_444 = arith.constant 10560 : i32
      %dma_start3A_445 = tpu.memref_slice %arg8[%dma_start3A_444] : memref<90032xf32, #tpu.memory_space<vmem>> -> memref<5280xf32, #tpu.memory_space<vmem>>
      %dma_start3A_446 = tpu.memref_slice %arg2[%multiple_of3A_443] : memref<4461600xf32, #tpu.memory_space<hbm>> -> memref<5280xf32, #tpu.memory_space<hbm>>
      %dma_start3A_447 = arith.constant 10560 : i32
      %dma_start3A_448 = tpu.memref_slice %arg8[%dma_start3A_447] : memref<90032xf32, #tpu.memory_space<vmem>> -> memref<5280xf32, #tpu.memory_space<vmem>>
      %dma_start3A_449 = tpu.memref_slice %arg2[%multiple_of3A_443] : memref<4461600xf32, #tpu.memory_space<hbm>> -> memref<5280xf32, #tpu.memory_space<hbm>>
      tpu.enqueue_dma source(%dma_start3A_449 : memref<5280xf32, #tpu.memory_space<hbm>>) target(%dma_start3A_448 : memref<5280xf32, #tpu.memory_space<vmem>>) target_semaphore(%arg21 : memref<!tpu.dma_semaphore, #tpu.memory_space<semaphore_mem>>)
      %add3A_450 = arith.constant 3 : i32
      %add3A_451 = arith.addi %min3A_401, %add3A_450 : i32
      %mul3A_452 = arith.constant 130 : i32
      %mul3A_453 = arith.muli %add3A_451, %mul3A_452 : i32
      %add3A_454 = arith.addi %mul3A_453, %min3A_407 : i32
      %mul3A_455 = arith.constant 264 : i32
      %mul3A_456 = arith.muli %add3A_454, %mul3A_455 : i32
      %multiple_of3A_457 = tpu.assume_multiple %mul3A_456, 8 : i32
      %dma_start3A_458 = arith.constant 15840 : i32
      %dma_start3A_459 = tpu.memref_slice %arg8[%dma_start3A_458] : memref<90032xf32, #tpu.memory_space<vmem>> -> memref<5280xf32, #tpu.memory_space<vmem>>
      %dma_start3A_460 = tpu.memref_slice %arg2[%multiple_of3A_457] : memref<4461600xf32, #tpu.memory_space<hbm>> -> memref<5280xf32, #tpu.memory_space<hbm>>
      %dma_start3A_461 = arith.constant 15840 : i32
      %dma_start3A_462 = tpu.memref_slice %arg8[%dma_start3A_461] : memref<90032xf32, #tpu.memory_space<vmem>> -> memref<5280xf32, #tpu.memory_space<vmem>>
      %dma_start3A_463 = tpu.memref_slice %arg2[%multiple_of3A_457] : memref<4461600xf32, #tpu.memory_space<hbm>> -> memref<5280xf32, #tpu.memory_space<hbm>>
      tpu.enqueue_dma source(%dma_start3A_463 : memref<5280xf32, #tpu.memory_space<hbm>>) target(%dma_start3A_462 : memref<5280xf32, #tpu.memory_space<vmem>>) target_semaphore(%arg21 : memref<!tpu.dma_semaphore, #tpu.memory_space<semaphore_mem>>)
      %add3A_464 = arith.constant 4 : i32
      %add3A_465 = arith.addi %min3A_401, %add3A_464 : i32
      %mul3A_466 = arith.constant 130 : i32
      %mul3A_467 = arith.muli %add3A_465, %mul3A_466 : i32
      %add3A_468 = arith.addi %mul3A_467, %min3A_407 : i32
      %mul3A_469 = arith.constant 264 : i32
      %mul3A_470 = arith.muli %add3A_468, %mul3A_469 : i32
      %multiple_of3A_471 = tpu.assume_multiple %mul3A_470, 8 : i32
      %dma_start3A_472 = arith.constant 21120 : i32
      %dma_start3A_473 = tpu.memref_slice %arg8[%dma_start3A_472] : memref<90032xf32, #tpu.memory_space<vmem>> -> memref<5280xf32, #tpu.memory_space<vmem>>
      %dma_start3A_474 = tpu.memref_slice %arg2[%multiple_of3A_471] : memref<4461600xf32, #tpu.memory_space<hbm>> -> memref<5280xf32, #tpu.memory_space<hbm>>
      %dma_start3A_475 = arith.constant 21120 : i32
      %dma_start3A_476 = tpu.memref_slice %arg8[%dma_start3A_475] : memref<90032xf32, #tpu.memory_space<vmem>> -> memref<5280xf32, #tpu.memory_space<vmem>>
      %dma_start3A_477 = tpu.memref_slice %arg2[%multiple_of3A_471] : memref<4461600xf32, #tpu.memory_space<hbm>> -> memref<5280xf32, #tpu.memory_space<hbm>>
      tpu.enqueue_dma source(%dma_start3A_477 : memref<5280xf32, #tpu.memory_space<hbm>>) target(%dma_start3A_476 : memref<5280xf32, #tpu.memory_space<vmem>>) target_semaphore(%arg21 : memref<!tpu.dma_semaphore, #tpu.memory_space<semaphore_mem>>)
      %add3A_478 = arith.constant 5 : i32
      %add3A_479 = arith.addi %min3A_401, %add3A_478 : i32
      %mul3A_480 = arith.constant 130 : i32
      %mul3A_481 = arith.muli %add3A_479, %mul3A_480 : i32
      %add3A_482 = arith.addi %mul3A_481, %min3A_407 : i32
      %mul3A_483 = arith.constant 264 : i32
      %mul3A_484 = arith.muli %add3A_482, %mul3A_483 : i32
      %multiple_of3A_485 = tpu.assume_multiple %mul3A_484, 8 : i32
      %dma_start3A_486 = arith.constant 26400 : i32
      %dma_start3A_487 = tpu.memref_slice %arg8[%dma_start3A_486] : memref<90032xf32, #tpu.memory_space<vmem>> -> memref<5280xf32, #tpu.memory_space<vmem>>
      %dma_start3A_488 = tpu.memref_slice %arg2[%multiple_of3A_485] : memref<4461600xf32, #tpu.memory_space<hbm>> -> memref<5280xf32, #tpu.memory_space<hbm>>
      %dma_start3A_489 = arith.constant 26400 : i32
      %dma_start3A_490 = tpu.memref_slice %arg8[%dma_start3A_489] : memref<90032xf32, #tpu.memory_space<vmem>> -> memref<5280xf32, #tpu.memory_space<vmem>>
      %dma_start3A_491 = tpu.memref_slice %arg2[%multiple_of3A_485] : memref<4461600xf32, #tpu.memory_space<hbm>> -> memref<5280xf32, #tpu.memory_space<hbm>>
      tpu.enqueue_dma source(%dma_start3A_491 : memref<5280xf32, #tpu.memory_space<hbm>>) target(%dma_start3A_490 : memref<5280xf32, #tpu.memory_space<vmem>>) target_semaphore(%arg21 : memref<!tpu.dma_semaphore, #tpu.memory_space<semaphore_mem>>)
      %add3A_492 = arith.constant 6 : i32
      %add3A_493 = arith.addi %min3A_401, %add3A_492 : i32
      %mul3A_494 = arith.constant 130 : i32
      %mul3A_495 = arith.muli %add3A_493, %mul3A_494 : i32
      %add3A_496 = arith.addi %mul3A_495, %min3A_407 : i32
      %mul3A_497 = arith.constant 264 : i32
      %mul3A_498 = arith.muli %add3A_496, %mul3A_497 : i32
      %multiple_of3A_499 = tpu.assume_multiple %mul3A_498, 8 : i32
      %dma_start3A_500 = arith.constant 31680 : i32
      %dma_start3A_501 = tpu.memref_slice %arg8[%dma_start3A_500] : memref<90032xf32, #tpu.memory_space<vmem>> -> memref<5280xf32, #tpu.memory_space<vmem>>
      %dma_start3A_502 = tpu.memref_slice %arg2[%multiple_of3A_499] : memref<4461600xf32, #tpu.memory_space<hbm>> -> memref<5280xf32, #tpu.memory_space<hbm>>
      %dma_start3A_503 = arith.constant 31680 : i32
      %dma_start3A_504 = tpu.memref_slice %arg8[%dma_start3A_503] : memref<90032xf32, #tpu.memory_space<vmem>> -> memref<5280xf32, #tpu.memory_space<vmem>>
      %dma_start3A_505 = tpu.memref_slice %arg2[%multiple_of3A_499] : memref<4461600xf32, #tpu.memory_space<hbm>> -> memref<5280xf32, #tpu.memory_space<hbm>>
      tpu.enqueue_dma source(%dma_start3A_505 : memref<5280xf32, #tpu.memory_space<hbm>>) target(%dma_start3A_504 : memref<5280xf32, #tpu.memory_space<vmem>>) target_semaphore(%arg21 : memref<!tpu.dma_semaphore, #tpu.memory_space<semaphore_mem>>)
      %add3A_506 = arith.constant 7 : i32
      %add3A_507 = arith.addi %min3A_401, %add3A_506 : i32
      %mul3A_508 = arith.constant 130 : i32
      %mul3A_509 = arith.muli %add3A_507, %mul3A_508 : i32
      %add3A_510 = arith.addi %mul3A_509, %min3A_407 : i32
      %mul3A_511 = arith.constant 264 : i32
      %mul3A_512 = arith.muli %add3A_510, %mul3A_511 : i32
      %multiple_of3A_513 = tpu.assume_multiple %mul3A_512, 8 : i32
      %dma_start3A_514 = arith.constant 36960 : i32
      %dma_start3A_515 = tpu.memref_slice %arg8[%dma_start3A_514] : memref<90032xf32, #tpu.memory_space<vmem>> -> memref<5280xf32, #tpu.memory_space<vmem>>
      %dma_start3A_516 = tpu.memref_slice %arg2[%multiple_of3A_513] : memref<4461600xf32, #tpu.memory_space<hbm>> -> memref<5280xf32, #tpu.memory_space<hbm>>
      %dma_start3A_517 = arith.constant 36960 : i32
      %dma_start3A_518 = tpu.memref_slice %arg8[%dma_start3A_517] : memref<90032xf32, #tpu.memory_space<vmem>> -> memref<5280xf32, #tpu.memory_space<vmem>>
      %dma_start3A_519 = tpu.memref_slice %arg2[%multiple_of3A_513] : memref<4461600xf32, #tpu.memory_space<hbm>> -> memref<5280xf32, #tpu.memory_space<hbm>>
      tpu.enqueue_dma source(%dma_start3A_519 : memref<5280xf32, #tpu.memory_space<hbm>>) target(%dma_start3A_518 : memref<5280xf32, #tpu.memory_space<vmem>>) target_semaphore(%arg21 : memref<!tpu.dma_semaphore, #tpu.memory_space<semaphore_mem>>)
      %add3A_520 = arith.constant 8 : i32
      %add3A_521 = arith.addi %min3A_401, %add3A_520 : i32
      %mul3A_522 = arith.constant 130 : i32
      %mul3A_523 = arith.muli %add3A_521, %mul3A_522 : i32
      %add3A_524 = arith.addi %mul3A_523, %min3A_407 : i32
      %mul3A_525 = arith.constant 264 : i32
      %mul3A_526 = arith.muli %add3A_524, %mul3A_525 : i32
      %multiple_of3A_527 = tpu.assume_multiple %mul3A_526, 8 : i32
      %dma_start3A_528 = arith.constant 42240 : i32
      %dma_start3A_529 = tpu.memref_slice %arg8[%dma_start3A_528] : memref<90032xf32, #tpu.memory_space<vmem>> -> memref<5280xf32, #tpu.memory_space<vmem>>
      %dma_start3A_530 = tpu.memref_slice %arg2[%multiple_of3A_527] : memref<4461600xf32, #tpu.memory_space<hbm>> -> memref<5280xf32, #tpu.memory_space<hbm>>
      %dma_start3A_531 = arith.constant 42240 : i32
      %dma_start3A_532 = tpu.memref_slice %arg8[%dma_start3A_531] : memref<90032xf32, #tpu.memory_space<vmem>> -> memref<5280xf32, #tpu.memory_space<vmem>>
      %dma_start3A_533 = tpu.memref_slice %arg2[%multiple_of3A_527] : memref<4461600xf32, #tpu.memory_space<hbm>> -> memref<5280xf32, #tpu.memory_space<hbm>>
      tpu.enqueue_dma source(%dma_start3A_533 : memref<5280xf32, #tpu.memory_space<hbm>>) target(%dma_start3A_532 : memref<5280xf32, #tpu.memory_space<vmem>>) target_semaphore(%arg21 : memref<!tpu.dma_semaphore, #tpu.memory_space<semaphore_mem>>)
      %add3A_534 = arith.constant 9 : i32
      %add3A_535 = arith.addi %min3A_401, %add3A_534 : i32
      %mul3A_536 = arith.constant 130 : i32
      %mul3A_537 = arith.muli %add3A_535, %mul3A_536 : i32
      %add3A_538 = arith.addi %mul3A_537, %min3A_407 : i32
      %mul3A_539 = arith.constant 264 : i32
      %mul3A_540 = arith.muli %add3A_538, %mul3A_539 : i32
      %multiple_of3A_541 = tpu.assume_multiple %mul3A_540, 8 : i32
      %dma_start3A_542 = arith.constant 47520 : i32
      %dma_start3A_543 = tpu.memref_slice %arg8[%dma_start3A_542] : memref<90032xf32, #tpu.memory_space<vmem>> -> memref<5280xf32, #tpu.memory_space<vmem>>
      %dma_start3A_544 = tpu.memref_slice %arg2[%multiple_of3A_541] : memref<4461600xf32, #tpu.memory_space<hbm>> -> memref<5280xf32, #tpu.memory_space<hbm>>
      %dma_start3A_545 = arith.constant 47520 : i32
      %dma_start3A_546 = tpu.memref_slice %arg8[%dma_start3A_545] : memref<90032xf32, #tpu.memory_space<vmem>> -> memref<5280xf32, #tpu.memory_space<vmem>>
      %dma_start3A_547 = tpu.memref_slice %arg2[%multiple_of3A_541] : memref<4461600xf32, #tpu.memory_space<hbm>> -> memref<5280xf32, #tpu.memory_space<hbm>>
      tpu.enqueue_dma source(%dma_start3A_547 : memref<5280xf32, #tpu.memory_space<hbm>>) target(%dma_start3A_546 : memref<5280xf32, #tpu.memory_space<vmem>>) target_semaphore(%arg21 : memref<!tpu.dma_semaphore, #tpu.memory_space<semaphore_mem>>)
      %add3A_548 = arith.constant 10 : i32
      %add3A_549 = arith.addi %min3A_401, %add3A_548 : i32
      %mul3A_550 = arith.constant 130 : i32
      %mul3A_551 = arith.muli %add3A_549, %mul3A_550 : i32
      %add3A_552 = arith.addi %mul3A_551, %min3A_407 : i32
      %mul3A_553 = arith.constant 264 : i32
      %mul3A_554 = arith.muli %add3A_552, %mul3A_553 : i32
      %multiple_of3A_555 = tpu.assume_multiple %mul3A_554, 8 : i32
      %dma_start3A_556 = arith.constant 52800 : i32
      %dma_start3A_557 = tpu.memref_slice %arg8[%dma_start3A_556] : memref<90032xf32, #tpu.memory_space<vmem>> -> memref<5280xf32, #tpu.memory_space<vmem>>
      %dma_start3A_558 = tpu.memref_slice %arg2[%multiple_of3A_555] : memref<4461600xf32, #tpu.memory_space<hbm>> -> memref<5280xf32, #tpu.memory_space<hbm>>
      %dma_start3A_559 = arith.constant 52800 : i32
      %dma_start3A_560 = tpu.memref_slice %arg8[%dma_start3A_559] : memref<90032xf32, #tpu.memory_space<vmem>> -> memref<5280xf32, #tpu.memory_space<vmem>>
      %dma_start3A_561 = tpu.memref_slice %arg2[%multiple_of3A_555] : memref<4461600xf32, #tpu.memory_space<hbm>> -> memref<5280xf32, #tpu.memory_space<hbm>>
      tpu.enqueue_dma source(%dma_start3A_561 : memref<5280xf32, #tpu.memory_space<hbm>>) target(%dma_start3A_560 : memref<5280xf32, #tpu.memory_space<vmem>>) target_semaphore(%arg21 : memref<!tpu.dma_semaphore, #tpu.memory_space<semaphore_mem>>)
      %add3A_562 = arith.constant 11 : i32
      %add3A_563 = arith.addi %min3A_401, %add3A_562 : i32
      %mul3A_564 = arith.constant 130 : i32
      %mul3A_565 = arith.muli %add3A_563, %mul3A_564 : i32
      %add3A_566 = arith.addi %mul3A_565, %min3A_407 : i32
      %mul3A_567 = arith.constant 264 : i32
      %mul3A_568 = arith.muli %add3A_566, %mul3A_567 : i32
      %multiple_of3A_569 = tpu.assume_multiple %mul3A_568, 8 : i32
      %dma_start3A_570 = arith.constant 58080 : i32
      %dma_start3A_571 = tpu.memref_slice %arg8[%dma_start3A_570] : memref<90032xf32, #tpu.memory_space<vmem>> -> memref<5280xf32, #tpu.memory_space<vmem>>
      %dma_start3A_572 = tpu.memref_slice %arg2[%multiple_of3A_569] : memref<4461600xf32, #tpu.memory_space<hbm>> -> memref<5280xf32, #tpu.memory_space<hbm>>
      %dma_start3A_573 = arith.constant 58080 : i32
      %dma_start3A_574 = tpu.memref_slice %arg8[%dma_start3A_573] : memref<90032xf32, #tpu.memory_space<vmem>> -> memref<5280xf32, #tpu.memory_space<vmem>>
      %dma_start3A_575 = tpu.memref_slice %arg2[%multiple_of3A_569] : memref<4461600xf32, #tpu.memory_space<hbm>> -> memref<5280xf32, #tpu.memory_space<hbm>>
      tpu.enqueue_dma source(%dma_start3A_575 : memref<5280xf32, #tpu.memory_space<hbm>>) target(%dma_start3A_574 : memref<5280xf32, #tpu.memory_space<vmem>>) target_semaphore(%arg21 : memref<!tpu.dma_semaphore, #tpu.memory_space<semaphore_mem>>)
      %add3A_576 = arith.constant 12 : i32
      %add3A_577 = arith.addi %min3A_401, %add3A_576 : i32
      %mul3A_578 = arith.constant 130 : i32
      %mul3A_579 = arith.muli %add3A_577, %mul3A_578 : i32
      %add3A_580 = arith.addi %mul3A_579, %min3A_407 : i32
      %mul3A_581 = arith.constant 264 : i32
      %mul3A_582 = arith.muli %add3A_580, %mul3A_581 : i32
      %multiple_of3A_583 = tpu.assume_multiple %mul3A_582, 8 : i32
      %dma_start3A_584 = arith.constant 63360 : i32
      %dma_start3A_585 = tpu.memref_slice %arg8[%dma_start3A_584] : memref<90032xf32, #tpu.memory_space<vmem>> -> memref<5280xf32, #tpu.memory_space<vmem>>
      %dma_start3A_586 = tpu.memref_slice %arg2[%multiple_of3A_583] : memref<4461600xf32, #tpu.memory_space<hbm>> -> memref<5280xf32, #tpu.memory_space<hbm>>
      %dma_start3A_587 = arith.constant 63360 : i32
      %dma_start3A_588 = tpu.memref_slice %arg8[%dma_start3A_587] : memref<90032xf32, #tpu.memory_space<vmem>> -> memref<5280xf32, #tpu.memory_space<vmem>>
      %dma_start3A_589 = tpu.memref_slice %arg2[%multiple_of3A_583] : memref<4461600xf32, #tpu.memory_space<hbm>> -> memref<5280xf32, #tpu.memory_space<hbm>>
      tpu.enqueue_dma source(%dma_start3A_589 : memref<5280xf32, #tpu.memory_space<hbm>>) target(%dma_start3A_588 : memref<5280xf32, #tpu.memory_space<vmem>>) target_semaphore(%arg21 : memref<!tpu.dma_semaphore, #tpu.memory_space<semaphore_mem>>)
      %add3A_590 = arith.constant 13 : i32
      %add3A_591 = arith.addi %min3A_401, %add3A_590 : i32
      %mul3A_592 = arith.constant 130 : i32
      %mul3A_593 = arith.muli %add3A_591, %mul3A_592 : i32
      %add3A_594 = arith.addi %mul3A_593, %min3A_407 : i32
      %mul3A_595 = arith.constant 264 : i32
      %mul3A_596 = arith.muli %add3A_594, %mul3A_595 : i32
      %multiple_of3A_597 = tpu.assume_multiple %mul3A_596, 8 : i32
      %dma_start3A_598 = arith.constant 68640 : i32
      %dma_start3A_599 = tpu.memref_slice %arg8[%dma_start3A_598] : memref<90032xf32, #tpu.memory_space<vmem>> -> memref<5280xf32, #tpu.memory_space<vmem>>
      %dma_start3A_600 = tpu.memref_slice %arg2[%multiple_of3A_597] : memref<4461600xf32, #tpu.memory_space<hbm>> -> memref<5280xf32, #tpu.memory_space<hbm>>
      %dma_start3A_601 = arith.constant 68640 : i32
      %dma_start3A_602 = tpu.memref_slice %arg8[%dma_start3A_601] : memref<90032xf32, #tpu.memory_space<vmem>> -> memref<5280xf32, #tpu.memory_space<vmem>>
      %dma_start3A_603 = tpu.memref_slice %arg2[%multiple_of3A_597] : memref<4461600xf32, #tpu.memory_space<hbm>> -> memref<5280xf32, #tpu.memory_space<hbm>>
      tpu.enqueue_dma source(%dma_start3A_603 : memref<5280xf32, #tpu.memory_space<hbm>>) target(%dma_start3A_602 : memref<5280xf32, #tpu.memory_space<vmem>>) target_semaphore(%arg21 : memref<!tpu.dma_semaphore, #tpu.memory_space<semaphore_mem>>)
      %add3A_604 = arith.constant 14 : i32
      %add3A_605 = arith.addi %min3A_401, %add3A_604 : i32
      %mul3A_606 = arith.constant 130 : i32
      %mul3A_607 = arith.muli %add3A_605, %mul3A_606 : i32
      %add3A_608 = arith.addi %mul3A_607, %min3A_407 : i32
      %mul3A_609 = arith.constant 264 : i32
      %mul3A_610 = arith.muli %add3A_608, %mul3A_609 : i32
      %multiple_of3A_611 = tpu.assume_multiple %mul3A_610, 8 : i32
      %dma_start3A_612 = arith.constant 73920 : i32
      %dma_start3A_613 = tpu.memref_slice %arg8[%dma_start3A_612] : memref<90032xf32, #tpu.memory_space<vmem>> -> memref<5280xf32, #tpu.memory_space<vmem>>
      %dma_start3A_614 = tpu.memref_slice %arg2[%multiple_of3A_611] : memref<4461600xf32, #tpu.memory_space<hbm>> -> memref<5280xf32, #tpu.memory_space<hbm>>
      %dma_start3A_615 = arith.constant 73920 : i32
      %dma_start3A_616 = tpu.memref_slice %arg8[%dma_start3A_615] : memref<90032xf32, #tpu.memory_space<vmem>> -> memref<5280xf32, #tpu.memory_space<vmem>>
      %dma_start3A_617 = tpu.memref_slice %arg2[%multiple_of3A_611] : memref<4461600xf32, #tpu.memory_space<hbm>> -> memref<5280xf32, #tpu.memory_space<hbm>>
      tpu.enqueue_dma source(%dma_start3A_617 : memref<5280xf32, #tpu.memory_space<hbm>>) target(%dma_start3A_616 : memref<5280xf32, #tpu.memory_space<vmem>>) target_semaphore(%arg21 : memref<!tpu.dma_semaphore, #tpu.memory_space<semaphore_mem>>)
      %add3A_618 = arith.constant 15 : i32
      %add3A_619 = arith.addi %min3A_401, %add3A_618 : i32
      %mul3A_620 = arith.constant 130 : i32
      %mul3A_621 = arith.muli %add3A_619, %mul3A_620 : i32
      %add3A_622 = arith.addi %mul3A_621, %min3A_407 : i32
      %mul3A_623 = arith.constant 264 : i32
      %mul3A_624 = arith.muli %add3A_622, %mul3A_623 : i32
      %multiple_of3A_625 = tpu.assume_multiple %mul3A_624, 8 : i32
      %dma_start3A_626 = arith.constant 79200 : i32
      %dma_start3A_627 = tpu.memref_slice %arg8[%dma_start3A_626] : memref<90032xf32, #tpu.memory_space<vmem>> -> memref<5280xf32, #tpu.memory_space<vmem>>
      %dma_start3A_628 = tpu.memref_slice %arg2[%multiple_of3A_625] : memref<4461600xf32, #tpu.memory_space<hbm>> -> memref<5280xf32, #tpu.memory_space<hbm>>
      %dma_start3A_629 = arith.constant 79200 : i32
      %dma_start3A_630 = tpu.memref_slice %arg8[%dma_start3A_629] : memref<90032xf32, #tpu.memory_space<vmem>> -> memref<5280xf32, #tpu.memory_space<vmem>>
      %dma_start3A_631 = tpu.memref_slice %arg2[%multiple_of3A_625] : memref<4461600xf32, #tpu.memory_space<hbm>> -> memref<5280xf32, #tpu.memory_space<hbm>>
      tpu.enqueue_dma source(%dma_start3A_631 : memref<5280xf32, #tpu.memory_space<hbm>>) target(%dma_start3A_630 : memref<5280xf32, #tpu.memory_space<vmem>>) target_semaphore(%arg21 : memref<!tpu.dma_semaphore, #tpu.memory_space<semaphore_mem>>)
      %mul3A_632 = arith.constant 16 : i32
      %mul3A_633 = arith.muli %add3A, %mul3A_632 : i32
      %add3A_634 = arith.addi %mul3A_633, %scan3A_384 : i32
      %shift_right_logical3A_635 = arith.constant 4 : i32
      %shift_right_logical3A_636 = arith.shrui %add3A_634, %shift_right_logical3A_635 : i32
      %and3A_637 = arith.constant 15 : i32
      %and3A_638 = arith.andi %add3A_634, %and3A_637 : i32
      %mul3A_639 = arith.constant 4 : i32
      %mul3A_640 = arith.muli %shift_right_logical3A_636, %mul3A_639 : i32
      %mul3A_641 = arith.constant 8 : i32
      %mul3A_642 = arith.muli %and3A_638, %mul3A_641 : i32
      %sub3A_643 = arith.constant 5 : i32
      %sub3A_644 = arith.subi %mul3A_640, %sub3A_643 : i32
      %max3A_645 = arith.constant 0 : i32
      %max3A_646 = arith.maxsi %sub3A_644, %max3A_645 : i32
      %min3A_647 = arith.constant 114 : i32
      %min3A_648 = arith.minsi %max3A_646, %min3A_647 : i32
      %sub3A_649 = arith.constant 5 : i32
      %sub3A_650 = arith.subi %mul3A_642, %sub3A_649 : i32
      %max3A_651 = arith.constant 0 : i32
      %max3A_652 = arith.maxsi %sub3A_650, %max3A_651 : i32
      %min3A_653 = arith.constant 110 : i32
      %min3A_654 = arith.minsi %max3A_652, %min3A_653 : i32
      %add3A_655 = arith.constant 0 : i32
      %add3A_656 = arith.addi %mul3A_640, %add3A_655 : i32
      %mul3A_657 = arith.constant 128 : i32
      %mul3A_658 = arith.muli %add3A_656, %mul3A_657 : i32
      %add3A_659 = arith.addi %mul3A_658, %mul3A_642 : i32
      %mul3A_660 = arith.constant 128 : i32
      %mul3A_661 = arith.muli %add3A_659, %mul3A_660 : i32
      %multiple_of3A_662 = tpu.assume_multiple %mul3A_661, 8 : i32
      %dma_wait3A_663 = arith.constant 0 : i32
      %dma_wait3A_664 = tpu.memref_slice %arg9[%dma_wait3A_663] : memref<4096xf32, #tpu.memory_space<vmem>> -> memref<1024xf32, #tpu.memory_space<vmem>>
      %dma_wait3A_665 = tpu.memref_slice %arg3[%multiple_of3A_662] : memref<2097168xf32, #tpu.memory_space<hbm>> -> memref<1024xf32, #tpu.memory_space<hbm>>
      %dma_wait3A_666 = arith.constant 0 : i32
      %dma_wait3A_667 = tpu.memref_slice %arg9[%dma_wait3A_666] : memref<4096xf32, #tpu.memory_space<vmem>> -> memref<1024xf32, #tpu.memory_space<vmem>>
      %dma_wait3A_668 = tpu.memref_slice %arg3[%multiple_of3A_662] : memref<2097168xf32, #tpu.memory_space<hbm>> -> memref<1024xf32, #tpu.memory_space<hbm>>
      tpu.wait_dma2 semaphore(%arg22 : memref<!tpu.dma_semaphore, #tpu.memory_space<semaphore_mem>>) src(%dma_wait3A_668 : memref<1024xf32, #tpu.memory_space<hbm>>) dst(%dma_wait3A_667 : memref<1024xf32, #tpu.memory_space<vmem>>)
      %dma_wait3A_669 = arith.constant 0 : i32
      %dma_wait3A_670 = tpu.memref_slice %arg10[%dma_wait3A_669] : memref<4096xf32, #tpu.memory_space<vmem>> -> memref<1024xf32, #tpu.memory_space<vmem>>
      %dma_wait3A_671 = tpu.memref_slice %arg4[%multiple_of3A_662] : memref<2097168xf32, #tpu.memory_space<hbm>> -> memref<1024xf32, #tpu.memory_space<hbm>>
      %dma_wait3A_672 = arith.constant 0 : i32
      %dma_wait3A_673 = tpu.memref_slice %arg10[%dma_wait3A_672] : memref<4096xf32, #tpu.memory_space<vmem>> -> memref<1024xf32, #tpu.memory_space<vmem>>
      %dma_wait3A_674 = tpu.memref_slice %arg4[%multiple_of3A_662] : memref<2097168xf32, #tpu.memory_space<hbm>> -> memref<1024xf32, #tpu.memory_space<hbm>>
      tpu.wait_dma2 semaphore(%arg22 : memref<!tpu.dma_semaphore, #tpu.memory_space<semaphore_mem>>) src(%dma_wait3A_674 : memref<1024xf32, #tpu.memory_space<hbm>>) dst(%dma_wait3A_673 : memref<1024xf32, #tpu.memory_space<vmem>>)
      %dma_wait3A_675 = arith.constant 0 : i32
      %dma_wait3A_676 = tpu.memref_slice %arg11[%dma_wait3A_675] : memref<4096xf32, #tpu.memory_space<vmem>> -> memref<1024xf32, #tpu.memory_space<vmem>>
      %dma_wait3A_677 = tpu.memref_slice %arg5[%multiple_of3A_662] : memref<2097168xf32, #tpu.memory_space<hbm>> -> memref<1024xf32, #tpu.memory_space<hbm>>
      %dma_wait3A_678 = arith.constant 0 : i32
      %dma_wait3A_679 = tpu.memref_slice %arg11[%dma_wait3A_678] : memref<4096xf32, #tpu.memory_space<vmem>> -> memref<1024xf32, #tpu.memory_space<vmem>>
      %dma_wait3A_680 = tpu.memref_slice %arg5[%multiple_of3A_662] : memref<2097168xf32, #tpu.memory_space<hbm>> -> memref<1024xf32, #tpu.memory_space<hbm>>
      tpu.wait_dma2 semaphore(%arg22 : memref<!tpu.dma_semaphore, #tpu.memory_space<semaphore_mem>>) src(%dma_wait3A_680 : memref<1024xf32, #tpu.memory_space<hbm>>) dst(%dma_wait3A_679 : memref<1024xf32, #tpu.memory_space<vmem>>)
      %add3A_681 = arith.constant 1 : i32
      %add3A_682 = arith.addi %mul3A_640, %add3A_681 : i32
      %mul3A_683 = arith.constant 128 : i32
      %mul3A_684 = arith.muli %add3A_682, %mul3A_683 : i32
      %add3A_685 = arith.addi %mul3A_684, %mul3A_642 : i32
      %mul3A_686 = arith.constant 128 : i32
      %mul3A_687 = arith.muli %add3A_685, %mul3A_686 : i32
      %multiple_of3A_688 = tpu.assume_multiple %mul3A_687, 8 : i32
      %dma_wait3A_689 = arith.constant 1024 : i32
      %dma_wait3A_690 = tpu.memref_slice %arg9[%dma_wait3A_689] : memref<4096xf32, #tpu.memory_space<vmem>> -> memref<1024xf32, #tpu.memory_space<vmem>>
      %dma_wait3A_691 = tpu.memref_slice %arg3[%multiple_of3A_688] : memref<2097168xf32, #tpu.memory_space<hbm>> -> memref<1024xf32, #tpu.memory_space<hbm>>
      %dma_wait3A_692 = arith.constant 1024 : i32
      %dma_wait3A_693 = tpu.memref_slice %arg9[%dma_wait3A_692] : memref<4096xf32, #tpu.memory_space<vmem>> -> memref<1024xf32, #tpu.memory_space<vmem>>
      %dma_wait3A_694 = tpu.memref_slice %arg3[%multiple_of3A_688] : memref<2097168xf32, #tpu.memory_space<hbm>> -> memref<1024xf32, #tpu.memory_space<hbm>>
      tpu.wait_dma2 semaphore(%arg22 : memref<!tpu.dma_semaphore, #tpu.memory_space<semaphore_mem>>) src(%dma_wait3A_694 : memref<1024xf32, #tpu.memory_space<hbm>>) dst(%dma_wait3A_693 : memref<1024xf32, #tpu.memory_space<vmem>>)
      %dma_wait3A_695 = arith.constant 1024 : i32
      %dma_wait3A_696 = tpu.memref_slice %arg10[%dma_wait3A_695] : memref<4096xf32, #tpu.memory_space<vmem>> -> memref<1024xf32, #tpu.memory_space<vmem>>
      %dma_wait3A_697 = tpu.memref_slice %arg4[%multiple_of3A_688] : memref<2097168xf32, #tpu.memory_space<hbm>> -> memref<1024xf32, #tpu.memory_space<hbm>>
      %dma_wait3A_698 = arith.constant 1024 : i32
      %dma_wait3A_699 = tpu.memref_slice %arg10[%dma_wait3A_698] : memref<4096xf32, #tpu.memory_space<vmem>> -> memref<1024xf32, #tpu.memory_space<vmem>>
      %dma_wait3A_700 = tpu.memref_slice %arg4[%multiple_of3A_688] : memref<2097168xf32, #tpu.memory_space<hbm>> -> memref<1024xf32, #tpu.memory_space<hbm>>
      tpu.wait_dma2 semaphore(%arg22 : memref<!tpu.dma_semaphore, #tpu.memory_space<semaphore_mem>>) src(%dma_wait3A_700 : memref<1024xf32, #tpu.memory_space<hbm>>) dst(%dma_wait3A_699 : memref<1024xf32, #tpu.memory_space<vmem>>)
      %dma_wait3A_701 = arith.constant 1024 : i32
      %dma_wait3A_702 = tpu.memref_slice %arg11[%dma_wait3A_701] : memref<4096xf32, #tpu.memory_space<vmem>> -> memref<1024xf32, #tpu.memory_space<vmem>>
      %dma_wait3A_703 = tpu.memref_slice %arg5[%multiple_of3A_688] : memref<2097168xf32, #tpu.memory_space<hbm>> -> memref<1024xf32, #tpu.memory_space<hbm>>
      %dma_wait3A_704 = arith.constant 1024 : i32
      %dma_wait3A_705 = tpu.memref_slice %arg11[%dma_wait3A_704] : memref<4096xf32, #tpu.memory_space<vmem>> -> memref<1024xf32, #tpu.memory_space<vmem>>
      %dma_wait3A_706 = tpu.memref_slice %arg5[%multiple_of3A_688] : memref<2097168xf32, #tpu.memory_space<hbm>> -> memref<1024xf32, #tpu.memory_space<hbm>>
      tpu.wait_dma2 semaphore(%arg22 : memref<!tpu.dma_semaphore, #tpu.memory_space<semaphore_mem>>) src(%dma_wait3A_706 : memref<1024xf32, #tpu.memory_space<hbm>>) dst(%dma_wait3A_705 : memref<1024xf32, #tpu.memory_space<vmem>>)
      %add3A_707 = arith.constant 2 : i32
      %add3A_708 = arith.addi %mul3A_640, %add3A_707 : i32
      %mul3A_709 = arith.constant 128 : i32
      %mul3A_710 = arith.muli %add3A_708, %mul3A_709 : i32
      %add3A_711 = arith.addi %mul3A_710, %mul3A_642 : i32
      %mul3A_712 = arith.constant 128 : i32
      %mul3A_713 = arith.muli %add3A_711, %mul3A_712 : i32
      %multiple_of3A_714 = tpu.assume_multiple %mul3A_713, 8 : i32
      %dma_wait3A_715 = arith.constant 2048 : i32
      %dma_wait3A_716 = tpu.memref_slice %arg9[%dma_wait3A_715] : memref<4096xf32, #tpu.memory_space<vmem>> -> memref<1024xf32, #tpu.memory_space<vmem>>
      %dma_wait3A_717 = tpu.memref_slice %arg3[%multiple_of3A_714] : memref<2097168xf32, #tpu.memory_space<hbm>> -> memref<1024xf32, #tpu.memory_space<hbm>>
      %dma_wait3A_718 = arith.constant 2048 : i32
      %dma_wait3A_719 = tpu.memref_slice %arg9[%dma_wait3A_718] : memref<4096xf32, #tpu.memory_space<vmem>> -> memref<1024xf32, #tpu.memory_space<vmem>>
      %dma_wait3A_720 = tpu.memref_slice %arg3[%multiple_of3A_714] : memref<2097168xf32, #tpu.memory_space<hbm>> -> memref<1024xf32, #tpu.memory_space<hbm>>
      tpu.wait_dma2 semaphore(%arg22 : memref<!tpu.dma_semaphore, #tpu.memory_space<semaphore_mem>>) src(%dma_wait3A_720 : memref<1024xf32, #tpu.memory_space<hbm>>) dst(%dma_wait3A_719 : memref<1024xf32, #tpu.memory_space<vmem>>)
      %dma_wait3A_721 = arith.constant 2048 : i32
      %dma_wait3A_722 = tpu.memref_slice %arg10[%dma_wait3A_721] : memref<4096xf32, #tpu.memory_space<vmem>> -> memref<1024xf32, #tpu.memory_space<vmem>>
      %dma_wait3A_723 = tpu.memref_slice %arg4[%multiple_of3A_714] : memref<2097168xf32, #tpu.memory_space<hbm>> -> memref<1024xf32, #tpu.memory_space<hbm>>
      %dma_wait3A_724 = arith.constant 2048 : i32
      %dma_wait3A_725 = tpu.memref_slice %arg10[%dma_wait3A_724] : memref<4096xf32, #tpu.memory_space<vmem>> -> memref<1024xf32, #tpu.memory_space<vmem>>
      %dma_wait3A_726 = tpu.memref_slice %arg4[%multiple_of3A_714] : memref<2097168xf32, #tpu.memory_space<hbm>> -> memref<1024xf32, #tpu.memory_space<hbm>>
      tpu.wait_dma2 semaphore(%arg22 : memref<!tpu.dma_semaphore, #tpu.memory_space<semaphore_mem>>) src(%dma_wait3A_726 : memref<1024xf32, #tpu.memory_space<hbm>>) dst(%dma_wait3A_725 : memref<1024xf32, #tpu.memory_space<vmem>>)
      %dma_wait3A_727 = arith.constant 2048 : i32
      %dma_wait3A_728 = tpu.memref_slice %arg11[%dma_wait3A_727] : memref<4096xf32, #tpu.memory_space<vmem>> -> memref<1024xf32, #tpu.memory_space<vmem>>
      %dma_wait3A_729 = tpu.memref_slice %arg5[%multiple_of3A_714] : memref<2097168xf32, #tpu.memory_space<hbm>> -> memref<1024xf32, #tpu.memory_space<hbm>>
      %dma_wait3A_730 = arith.constant 2048 : i32
      %dma_wait3A_731 = tpu.memref_slice %arg11[%dma_wait3A_730] : memref<4096xf32, #tpu.memory_space<vmem>> -> memref<1024xf32, #tpu.memory_space<vmem>>
      %dma_wait3A_732 = tpu.memref_slice %arg5[%multiple_of3A_714] : memref<2097168xf32, #tpu.memory_space<hbm>> -> memref<1024xf32, #tpu.memory_space<hbm>>
      tpu.wait_dma2 semaphore(%arg22 : memref<!tpu.dma_semaphore, #tpu.memory_space<semaphore_mem>>) src(%dma_wait3A_732 : memref<1024xf32, #tpu.memory_space<hbm>>) dst(%dma_wait3A_731 : memref<1024xf32, #tpu.memory_space<vmem>>)
      %add3A_733 = arith.constant 3 : i32
      %add3A_734 = arith.addi %mul3A_640, %add3A_733 : i32
      %mul3A_735 = arith.constant 128 : i32
      %mul3A_736 = arith.muli %add3A_734, %mul3A_735 : i32
      %add3A_737 = arith.addi %mul3A_736, %mul3A_642 : i32
      %mul3A_738 = arith.constant 128 : i32
      %mul3A_739 = arith.muli %add3A_737, %mul3A_738 : i32
      %multiple_of3A_740 = tpu.assume_multiple %mul3A_739, 8 : i32
      %dma_wait3A_741 = arith.constant 3072 : i32
      %dma_wait3A_742 = tpu.memref_slice %arg9[%dma_wait3A_741] : memref<4096xf32, #tpu.memory_space<vmem>> -> memref<1024xf32, #tpu.memory_space<vmem>>
      %dma_wait3A_743 = tpu.memref_slice %arg3[%multiple_of3A_740] : memref<2097168xf32, #tpu.memory_space<hbm>> -> memref<1024xf32, #tpu.memory_space<hbm>>
      %dma_wait3A_744 = arith.constant 3072 : i32
      %dma_wait3A_745 = tpu.memref_slice %arg9[%dma_wait3A_744] : memref<4096xf32, #tpu.memory_space<vmem>> -> memref<1024xf32, #tpu.memory_space<vmem>>
      %dma_wait3A_746 = tpu.memref_slice %arg3[%multiple_of3A_740] : memref<2097168xf32, #tpu.memory_space<hbm>> -> memref<1024xf32, #tpu.memory_space<hbm>>
      tpu.wait_dma2 semaphore(%arg22 : memref<!tpu.dma_semaphore, #tpu.memory_space<semaphore_mem>>) src(%dma_wait3A_746 : memref<1024xf32, #tpu.memory_space<hbm>>) dst(%dma_wait3A_745 : memref<1024xf32, #tpu.memory_space<vmem>>)
      %dma_wait3A_747 = arith.constant 3072 : i32
      %dma_wait3A_748 = tpu.memref_slice %arg10[%dma_wait3A_747] : memref<4096xf32, #tpu.memory_space<vmem>> -> memref<1024xf32, #tpu.memory_space<vmem>>
      %dma_wait3A_749 = tpu.memref_slice %arg4[%multiple_of3A_740] : memref<2097168xf32, #tpu.memory_space<hbm>> -> memref<1024xf32, #tpu.memory_space<hbm>>
      %dma_wait3A_750 = arith.constant 3072 : i32
      %dma_wait3A_751 = tpu.memref_slice %arg10[%dma_wait3A_750] : memref<4096xf32, #tpu.memory_space<vmem>> -> memref<1024xf32, #tpu.memory_space<vmem>>
      %dma_wait3A_752 = tpu.memref_slice %arg4[%multiple_of3A_740] : memref<2097168xf32, #tpu.memory_space<hbm>> -> memref<1024xf32, #tpu.memory_space<hbm>>
      tpu.wait_dma2 semaphore(%arg22 : memref<!tpu.dma_semaphore, #tpu.memory_space<semaphore_mem>>) src(%dma_wait3A_752 : memref<1024xf32, #tpu.memory_space<hbm>>) dst(%dma_wait3A_751 : memref<1024xf32, #tpu.memory_space<vmem>>)
      %dma_wait3A_753 = arith.constant 3072 : i32
      %dma_wait3A_754 = tpu.memref_slice %arg11[%dma_wait3A_753] : memref<4096xf32, #tpu.memory_space<vmem>> -> memref<1024xf32, #tpu.memory_space<vmem>>
      %dma_wait3A_755 = tpu.memref_slice %arg5[%multiple_of3A_740] : memref<2097168xf32, #tpu.memory_space<hbm>> -> memref<1024xf32, #tpu.memory_space<hbm>>
      %dma_wait3A_756 = arith.constant 3072 : i32
      %dma_wait3A_757 = tpu.memref_slice %arg11[%dma_wait3A_756] : memref<4096xf32, #tpu.memory_space<vmem>> -> memref<1024xf32, #tpu.memory_space<vmem>>
      %dma_wait3A_758 = tpu.memref_slice %arg5[%multiple_of3A_740] : memref<2097168xf32, #tpu.memory_space<hbm>> -> memref<1024xf32, #tpu.memory_space<hbm>>
      tpu.wait_dma2 semaphore(%arg22 : memref<!tpu.dma_semaphore, #tpu.memory_space<semaphore_mem>>) src(%dma_wait3A_758 : memref<1024xf32, #tpu.memory_space<hbm>>) dst(%dma_wait3A_757 : memref<1024xf32, #tpu.memory_space<vmem>>)
      %mul3A_759 = arith.constant 16 : i32
      %mul3A_760 = arith.muli %add3A, %mul3A_759 : i32
      %add3A_761 = arith.addi %mul3A_760, %scan3A_384 : i32
      %shift_right_logical3A_762 = arith.constant 4 : i32
      %shift_right_logical3A_763 = arith.shrui %add3A_761, %shift_right_logical3A_762 : i32
      %and3A_764 = arith.constant 15 : i32
      %and3A_765 = arith.andi %add3A_761, %and3A_764 : i32
      %mul3A_766 = arith.constant 4 : i32
      %mul3A_767 = arith.muli %shift_right_logical3A_763, %mul3A_766 : i32
      %mul3A_768 = arith.constant 8 : i32
      %mul3A_769 = arith.muli %and3A_765, %mul3A_768 : i32
      %sub3A_770 = arith.constant 5 : i32
      %sub3A_771 = arith.subi %mul3A_767, %sub3A_770 : i32
      %max3A_772 = arith.constant 0 : i32
      %max3A_773 = arith.maxsi %sub3A_771, %max3A_772 : i32
      %min3A_774 = arith.constant 114 : i32
      %min3A_775 = arith.minsi %max3A_773, %min3A_774 : i32
      %sub3A_776 = arith.constant 5 : i32
      %sub3A_777 = arith.subi %mul3A_769, %sub3A_776 : i32
      %max3A_778 = arith.constant 0 : i32
      %max3A_779 = arith.maxsi %sub3A_777, %max3A_778 : i32
      %min3A_780 = arith.constant 110 : i32
      %min3A_781 = arith.minsi %max3A_779, %min3A_780 : i32
      %broadcast_in_dim3A_782 = arith.constant 0 : i32
      %broadcast_in_dim3A_783 = vector.broadcast %broadcast_in_dim3A_782 : i32 to vector<16xi32>
      %scan3A_784 = arith.constant 0 : i32
      %scan3A_785 = arith.constant 256 : i32
      %scan3A_786 = arith.addi %scan3A_784, %scan3A_785 : i32
      %scan3A_787 = arith.constant 1 : i32
      %scan3A_788 = scf.for %scan3A_1314 = %scan3A_784 to %scan3A_786 step %scan3A_787 iter_args(%scan3A_1315 = %broadcast_in_dim3A_783) -> (vector<16xi32>)  : i32 {
        %mul3A_1316 = arith.constant 16 : i32
        %mul3A_1317 = arith.muli %scan3A_1314, %mul3A_1316 : i32
        %mul3A_1318 = arith.constant 16 : i32
        %mul3A_1319 = arith.muli %scan3A_1314, %mul3A_1318 : i32
        %add3A_1320 = vector.broadcast %mul3A_1319 : i32 to vector<16xi32>
        %add3A_1321 = arith.addi %add3A_1320, %iota3A : vector<16xi32>
        %shift_right_logical3A_1322 = arith.constant 10 : i32
        %shift_right_logical3A_1323 = vector.broadcast %shift_right_logical3A_1322 : i32 to vector<16xi32>
        %shift_right_logical3A_1324 = arith.shrui %add3A_1321, %shift_right_logical3A_1323 : vector<16xi32>
        %shift_right_logical3A_1325 = arith.constant 7 : i32
        %shift_right_logical3A_1326 = vector.broadcast %shift_right_logical3A_1325 : i32 to vector<16xi32>
        %shift_right_logical3A_1327 = arith.shrui %add3A_1321, %shift_right_logical3A_1326 : vector<16xi32>
        %and3A_1328 = arith.constant 7 : i32
        %and3A_1329 = vector.broadcast %and3A_1328 : i32 to vector<16xi32>
        %and3A_1330 = arith.andi %shift_right_logical3A_1327, %and3A_1329 : vector<16xi32>
        %and3A_1331 = arith.constant 127 : i32
        %and3A_1332 = vector.broadcast %and3A_1331 : i32 to vector<16xi32>
        %and3A_1333 = arith.andi %add3A_1321, %and3A_1332 : vector<16xi32>
        %get3A = arith.index_cast %mul3A_1317 : i32 to index
        %get3A_1334 = tpu.vector_load %arg9[%get3A] {strides = array<i32>} : memref<4096xf32, #tpu.memory_space<vmem>>, vector<16xf32>,
        %add3A_1335 = vector.broadcast %mul3A_769 : i32 to vector<16xi32>
        %add3A_1336 = arith.addi %add3A_1335, %and3A_1330 : vector<16xi32>
        %convert_element_type3A_1337 = arith.sitofp %add3A_1336 : vector<16xi32> to vector<16xf32>
        %add3A_1338 = arith.addf %get3A_1334, %convert_element_type3A_1337 : vector<16xf32>
        %add3A_1339 = arith.constant 1.000000e+00 : f32
        %add3A_1340 = vector.broadcast %add3A_1339 : f32 to vector<16xf32>
        %add3A_1341 = arith.addf %add3A_1338, %add3A_1340 : vector<16xf32>
        %get3A_1342 = arith.index_cast %mul3A_1317 : i32 to index
        %get3A_1343 = tpu.vector_load %arg10[%get3A_1342] {strides = array<i32>} : memref<4096xf32, #tpu.memory_space<vmem>>, vector<16xf32>,
        %add3A_1344 = vector.broadcast %mul3A_767 : i32 to vector<16xi32>
        %add3A_1345 = arith.addi %add3A_1344, %shift_right_logical3A_1324 : vector<16xi32>
        %convert_element_type3A_1346 = arith.sitofp %add3A_1345 : vector<16xi32> to vector<16xf32>
        %add3A_1347 = arith.addf %get3A_1343, %convert_element_type3A_1346 : vector<16xf32>
        %add3A_1348 = arith.constant 1.000000e+00 : f32
        %add3A_1349 = vector.broadcast %add3A_1348 : f32 to vector<16xf32>
        %add3A_1350 = arith.addf %add3A_1347, %add3A_1349 : vector<16xf32>
        %get3A_1351 = arith.index_cast %mul3A_1317 : i32 to index
        %get3A_1352 = tpu.vector_load %arg11[%get3A_1351] {strides = array<i32>} : memref<4096xf32, #tpu.memory_space<vmem>>, vector<16xf32>,
        %convert_element_type3A_1353 = arith.sitofp %and3A_1333 : vector<16xi32> to vector<16xf32>
        %add3A_1354 = arith.addf %get3A_1352, %convert_element_type3A_1353 : vector<16xf32>
        %add3A_1355 = arith.constant 1.000000e+00 : f32
        %add3A_1356 = vector.broadcast %add3A_1355 : f32 to vector<16xf32>
        %add3A_1357 = arith.addf %add3A_1354, %add3A_1356 : vector<16xf32>
        %convert_element_type3A_1358 = arith.fptosi %add3A_1341 : vector<16xf32> to vector<16xi32>
        %convert_element_type3A_1359 = arith.sitofp %convert_element_type3A_1358 : vector<16xi32> to vector<16xf32>
        %gt3A_1360 = arith.cmpf ogt, %convert_element_type3A_1359, %add3A_1341 : vector<16xf32>
        %sub3A_1361 = arith.constant 1 : i32
        %sub3A_1362 = vector.broadcast %sub3A_1361 : i32 to vector<16xi32>
        %sub3A_1363 = arith.subi %convert_element_type3A_1358, %sub3A_1362 : vector<16xi32>
        %select_n3A = arith.select %gt3A_1360, %sub3A_1363, %convert_element_type3A_1358 : vector<16xi1>, vector<16xi32>
        %convert_element_type3A_1364 = arith.fptosi %add3A_1350 : vector<16xf32> to vector<16xi32>
        %convert_element_type3A_1365 = arith.sitofp %convert_element_type3A_1364 : vector<16xi32> to vector<16xf32>
        %gt3A_1366 = arith.cmpf ogt, %convert_element_type3A_1365, %add3A_1350 : vector<16xf32>
        %sub3A_1367 = arith.constant 1 : i32
        %sub3A_1368 = vector.broadcast %sub3A_1367 : i32 to vector<16xi32>
        %sub3A_1369 = arith.subi %convert_element_type3A_1364, %sub3A_1368 : vector<16xi32>
        %select_n3A_1370 = arith.select %gt3A_1366, %sub3A_1369, %convert_element_type3A_1364 : vector<16xi1>, vector<16xi32>
        %convert_element_type3A_1371 = arith.fptosi %add3A_1357 : vector<16xf32> to vector<16xi32>
        %convert_element_type3A_1372 = arith.sitofp %convert_element_type3A_1371 : vector<16xi32> to vector<16xf32>
        %gt3A_1373 = arith.cmpf ogt, %convert_element_type3A_1372, %add3A_1357 : vector<16xf32>
        %sub3A_1374 = arith.constant 1 : i32
        %sub3A_1375 = vector.broadcast %sub3A_1374 : i32 to vector<16xi32>
        %sub3A_1376 = arith.subi %convert_element_type3A_1371, %sub3A_1375 : vector<16xi32>
        %select_n3A_1377 = arith.select %gt3A_1373, %sub3A_1376, %convert_element_type3A_1371 : vector<16xi1>, vector<16xi32>
        %max3A_1378 = arith.constant 0 : i32
        %max3A_1379 = vector.broadcast %max3A_1378 : i32 to vector<16xi32>
        %max3A_1380 = arith.maxsi %select_n3A, %max3A_1379 : vector<16xi32>
        %min3A_1381 = arith.constant 129 : i32
        %min3A_1382 = vector.broadcast %min3A_1381 : i32 to vector<16xi32>
        %min3A_1383 = arith.minsi %max3A_1380, %min3A_1382 : vector<16xi32>
        %add3A_1384 = arith.constant 1 : i32
        %add3A_1385 = vector.broadcast %add3A_1384 : i32 to vector<16xi32>
        %add3A_1386 = arith.addi %select_n3A, %add3A_1385 : vector<16xi32>
        %max3A_1387 = arith.constant 0 : i32
        %max3A_1388 = vector.broadcast %max3A_1387 : i32 to vector<16xi32>
        %max3A_1389 = arith.maxsi %add3A_1386, %max3A_1388 : vector<16xi32>
        %min3A_1390 = arith.constant 129 : i32
        %min3A_1391 = vector.broadcast %min3A_1390 : i32 to vector<16xi32>
        %min3A_1392 = arith.minsi %max3A_1389, %min3A_1391 : vector<16xi32>
        %max3A_1393 = arith.constant 0 : i32
        %max3A_1394 = vector.broadcast %max3A_1393 : i32 to vector<16xi32>
        %max3A_1395 = arith.maxsi %select_n3A_1370, %max3A_1394 : vector<16xi32>
        %min3A_1396 = arith.constant 129 : i32
        %min3A_1397 = vector.broadcast %min3A_1396 : i32 to vector<16xi32>
        %min3A_1398 = arith.minsi %max3A_1395, %min3A_1397 : vector<16xi32>
        %add3A_1399 = arith.constant 1 : i32
        %add3A_1400 = vector.broadcast %add3A_1399 : i32 to vector<16xi32>
        %add3A_1401 = arith.addi %select_n3A_1370, %add3A_1400 : vector<16xi32>
        %max3A_1402 = arith.constant 0 : i32
        %max3A_1403 = vector.broadcast %max3A_1402 : i32 to vector<16xi32>
        %max3A_1404 = arith.maxsi %add3A_1401, %max3A_1403 : vector<16xi32>
        %min3A_1405 = arith.constant 129 : i32
        %min3A_1406 = vector.broadcast %min3A_1405 : i32 to vector<16xi32>
        %min3A_1407 = arith.minsi %max3A_1404, %min3A_1406 : vector<16xi32>
        %max3A_1408 = arith.constant 0 : i32
        %max3A_1409 = vector.broadcast %max3A_1408 : i32 to vector<16xi32>
        %max3A_1410 = arith.maxsi %select_n3A_1377, %max3A_1409 : vector<16xi32>
        %min3A_1411 = arith.constant 129 : i32
        %min3A_1412 = vector.broadcast %min3A_1411 : i32 to vector<16xi32>
        %min3A_1413 = arith.minsi %max3A_1410, %min3A_1412 : vector<16xi32>
        %add3A_1414 = arith.constant 1 : i32
        %add3A_1415 = vector.broadcast %add3A_1414 : i32 to vector<16xi32>
        %add3A_1416 = arith.addi %select_n3A_1377, %add3A_1415 : vector<16xi32>
        %max3A_1417 = arith.constant 0 : i32
        %max3A_1418 = vector.broadcast %max3A_1417 : i32 to vector<16xi32>
        %max3A_1419 = arith.maxsi %add3A_1416, %max3A_1418 : vector<16xi32>
        %min3A_1420 = arith.constant 129 : i32
        %min3A_1421 = vector.broadcast %min3A_1420 : i32 to vector<16xi32>
        %min3A_1422 = arith.minsi %max3A_1419, %min3A_1421 : vector<16xi32>
        %convert_element_type3A_1423 = arith.sitofp %min3A_1392 : vector<16xi32> to vector<16xf32>
        %sub3A_1424 = arith.subf %convert_element_type3A_1423, %add3A_1341 : vector<16xf32>
        %swap3A = arith.index_cast %mul3A_1317 : i32 to index
        %swap3A_1425 = tpu.vector_load %arg12[%swap3A] {strides = array<i32>} : memref<4096xf32, #tpu.memory_space<vmem>>, vector<16xf32>,
        tpu.vector_store %arg12[%swap3A], %sub3A_1424 {strides = array<i32>} : memref<4096xf32, #tpu.memory_space<vmem>>, vector<16xf32>,
        %convert_element_type3A_1426 = arith.sitofp %min3A_1407 : vector<16xi32> to vector<16xf32>
        %sub3A_1427 = arith.subf %convert_element_type3A_1426, %add3A_1350 : vector<16xf32>
        %swap3A_1428 = arith.index_cast %mul3A_1317 : i32 to index
        %swap3A_1429 = tpu.vector_load %arg13[%swap3A_1428] {strides = array<i32>} : memref<4096xf32, #tpu.memory_space<vmem>>, vector<16xf32>,
        tpu.vector_store %arg13[%swap3A_1428], %sub3A_1427 {strides = array<i32>} : memref<4096xf32, #tpu.memory_space<vmem>>, vector<16xf32>,
        %convert_element_type3A_1430 = arith.sitofp %min3A_1422 : vector<16xi32> to vector<16xf32>
        %sub3A_1431 = arith.subf %convert_element_type3A_1430, %add3A_1357 : vector<16xf32>
        %swap3A_1432 = arith.index_cast %mul3A_1317 : i32 to index
        %swap3A_1433 = tpu.vector_load %arg14[%swap3A_1432] {strides = array<i32>} : memref<4096xf32, #tpu.memory_space<vmem>>, vector<16xf32>,
        tpu.vector_store %arg14[%swap3A_1432], %sub3A_1431 {strides = array<i32>} : memref<4096xf32, #tpu.memory_space<vmem>>, vector<16xf32>,
        %sub3A_1434 = arith.subi %min3A_1392, %min3A_1383 : vector<16xi32>
        %sub3A_1435 = arith.subi %min3A_1407, %min3A_1398 : vector<16xi32>
        %sub3A_1436 = arith.subi %min3A_1422, %min3A_1413 : vector<16xi32>
        %add3A_1437 = vector.broadcast %min3A_775 : i32 to vector<16xi32>
        %add3A_1438 = arith.addi %broadcast_in_dim3A_1, %add3A_1437 : vector<16xi32>
        %add3A_1439 = arith.constant 15 : i32
        %add3A_1440 = arith.addi %min3A_775, %add3A_1439 : i32
        %add3A_1441 = vector.broadcast %add3A_1440 : i32 to vector<16xi32>
        %add3A_1442 = arith.addi %broadcast_in_dim3A_1, %add3A_1441 : vector<16xi32>
        %add3A_1443 = vector.broadcast %min3A_781 : i32 to vector<16xi32>
        %add3A_1444 = arith.addi %broadcast_in_dim3A_1, %add3A_1443 : vector<16xi32>
        %add3A_1445 = arith.constant 19 : i32
        %add3A_1446 = arith.addi %min3A_781, %add3A_1445 : i32
        %add3A_1447 = vector.broadcast %add3A_1446 : i32 to vector<16xi32>
        %add3A_1448 = arith.addi %broadcast_in_dim3A_1, %add3A_1447 : vector<16xi32>
        %lt3A = arith.cmpi slt, %min3A_1398, %add3A_1438 : vector<16xi32>
        %jit3A = arith.constant 1 : i32
        %jit3A_1449 = arith.constant 0 : i32
        %broadcast_in_dim3A_1450 = vector.broadcast %jit3A : i32 to vector<16xi32>
        %broadcast_in_dim3A_1451 = vector.broadcast %jit3A_1449 : i32 to vector<16xi32>
        %select_n3A_1452 = arith.select %lt3A, %broadcast_in_dim3A_1450, %broadcast_in_dim3A_1451 : vector<16xi1>, vector<16xi32>
        %add3A_1453 = arith.addi %min3A_1398, %sub3A_1435 : vector<16xi32>
        %gt3A_1454 = arith.cmpi sgt, %add3A_1453, %add3A_1442 : vector<16xi32>
        %jit3A_1455 = arith.constant 1 : i32
        %jit3A_1456 = arith.constant 0 : i32
        %broadcast_in_dim3A_1457 = vector.broadcast %jit3A_1455 : i32 to vector<16xi32>
        %broadcast_in_dim3A_1458 = vector.broadcast %jit3A_1456 : i32 to vector<16xi32>
        %select_n3A_1459 = arith.select %gt3A_1454, %broadcast_in_dim3A_1457, %broadcast_in_dim3A_1458 : vector<16xi1>, vector<16xi32>
        %lt3A_1460 = arith.cmpi slt, %min3A_1383, %add3A_1444 : vector<16xi32>
        %jit3A_1461 = arith.constant 1 : i32
        %jit3A_1462 = arith.constant 0 : i32
        %broadcast_in_dim3A_1463 = vector.broadcast %jit3A_1461 : i32 to vector<16xi32>
        %broadcast_in_dim3A_1464 = vector.broadcast %jit3A_1462 : i32 to vector<16xi32>
        %select_n3A_1465 = arith.select %lt3A_1460, %broadcast_in_dim3A_1463, %broadcast_in_dim3A_1464 : vector<16xi1>, vector<16xi32>
        %add3A_1466 = arith.addi %min3A_1383, %sub3A_1434 : vector<16xi32>
        %gt3A_1467 = arith.cmpi sgt, %add3A_1466, %add3A_1448 : vector<16xi32>
        %jit3A_1468 = arith.constant 1 : i32
        %jit3A_1469 = arith.constant 0 : i32
        %broadcast_in_dim3A_1470 = vector.broadcast %jit3A_1468 : i32 to vector<16xi32>
        %broadcast_in_dim3A_1471 = vector.broadcast %jit3A_1469 : i32 to vector<16xi32>
        %select_n3A_1472 = arith.select %gt3A_1467, %broadcast_in_dim3A_1470, %broadcast_in_dim3A_1471 : vector<16xi1>, vector<16xi32>
        %or3A = arith.ori %select_n3A_1452, %select_n3A_1459 : vector<16xi32>
        %or3A_1473 = arith.ori %select_n3A_1465, %select_n3A_1472 : vector<16xi32>
        %or3A_1474 = arith.ori %or3A, %or3A_1473 : vector<16xi32>
        %shift_left3A = arith.constant 8 : i32
        %shift_left3A_1475 = vector.broadcast %shift_left3A : i32 to vector<16xi32>
        %shift_left3A_1476 = arith.shli %min3A_1383, %shift_left3A_1475 : vector<16xi32>
        %or3A_1477 = arith.ori %min3A_1398, %shift_left3A_1476 : vector<16xi32>
        %shift_left3A_1478 = arith.constant 16 : i32
        %shift_left3A_1479 = vector.broadcast %shift_left3A_1478 : i32 to vector<16xi32>
        %shift_left3A_1480 = arith.shli %min3A_1413, %shift_left3A_1479 : vector<16xi32>
        %or3A_1481 = arith.ori %or3A_1477, %shift_left3A_1480 : vector<16xi32>
        %shift_left3A_1482 = arith.constant 24 : i32
        %shift_left3A_1483 = vector.broadcast %shift_left3A_1482 : i32 to vector<16xi32>
        %shift_left3A_1484 = arith.shli %sub3A_1434, %shift_left3A_1483 : vector<16xi32>
        %or3A_1485 = arith.ori %or3A_1481, %shift_left3A_1484 : vector<16xi32>
        %shift_left3A_1486 = arith.constant 25 : i32
        %shift_left3A_1487 = vector.broadcast %shift_left3A_1486 : i32 to vector<16xi32>
        %shift_left3A_1488 = arith.shli %sub3A_1435, %shift_left3A_1487 : vector<16xi32>
        %or3A_1489 = arith.ori %or3A_1485, %shift_left3A_1488 : vector<16xi32>
        %shift_left3A_1490 = arith.constant 26 : i32
        %shift_left3A_1491 = vector.broadcast %shift_left3A_1490 : i32 to vector<16xi32>
        %shift_left3A_1492 = arith.shli %sub3A_1436, %shift_left3A_1491 : vector<16xi32>
        %or3A_1493 = arith.ori %or3A_1489, %shift_left3A_1492 : vector<16xi32>
        %shift_left3A_1494 = arith.constant 27 : i32
        %shift_left3A_1495 = vector.broadcast %shift_left3A_1494 : i32 to vector<16xi32>
        %shift_left3A_1496 = arith.shli %or3A_1474, %shift_left3A_1495 : vector<16xi32>
        %or3A_1497 = arith.ori %or3A_1493, %shift_left3A_1496 : vector<16xi32>
        %swap3A_1498 = arith.index_cast %mul3A_1317 : i32 to index
        %swap3A_1499 = tpu.vector_load %arg15[%swap3A_1498] {strides = array<i32>} : memref<4096xi32, #tpu.memory_space<vmem>>, vector<16xi32>,
        tpu.vector_store %arg15[%swap3A_1498], %or3A_1497 {strides = array<i32>} : memref<4096xi32, #tpu.memory_space<vmem>>, vector<16xi32>,
        %or3A_1500 = arith.ori %scan3A_1315, %or3A_1474 : vector<16xi32>
        scf.yield %or3A_1500 : vector<16xi32>
      }
      %scan3A_789 = arith.constant 256 : i32
      %add3A_790 = arith.constant 1 : i32
      %add3A_791 = arith.addi %scan3A_384, %add3A_790 : i32
      %min3A_792 = arith.constant 15 : i32
      %min3A_793 = arith.minsi %add3A_791, %min3A_792 : i32
      %mul3A_794 = arith.constant 16 : i32
      %mul3A_795 = arith.muli %add3A, %mul3A_794 : i32
      %add3A_796 = arith.addi %mul3A_795, %min3A_793 : i32
      %shift_right_logical3A_797 = arith.constant 4 : i32
      %shift_right_logical3A_798 = arith.shrui %add3A_796, %shift_right_logical3A_797 : i32
      %and3A_799 = arith.constant 15 : i32
      %and3A_800 = arith.andi %add3A_796, %and3A_799 : i32
      %mul3A_801 = arith.constant 4 : i32
      %mul3A_802 = arith.muli %shift_right_logical3A_798, %mul3A_801 : i32
      %mul3A_803 = arith.constant 8 : i32
      %mul3A_804 = arith.muli %and3A_800, %mul3A_803 : i32
      %sub3A_805 = arith.constant 5 : i32
      %sub3A_806 = arith.subi %mul3A_802, %sub3A_805 : i32
      %max3A_807 = arith.constant 0 : i32
      %max3A_808 = arith.maxsi %sub3A_806, %max3A_807 : i32
      %min3A_809 = arith.constant 114 : i32
      %min3A_810 = arith.minsi %max3A_808, %min3A_809 : i32
      %sub3A_811 = arith.constant 5 : i32
      %sub3A_812 = arith.subi %mul3A_804, %sub3A_811 : i32
      %max3A_813 = arith.constant 0 : i32
      %max3A_814 = arith.maxsi %sub3A_812, %max3A_813 : i32
      %min3A_815 = arith.constant 110 : i32
      %min3A_816 = arith.minsi %max3A_814, %min3A_815 : i32
      %add3A_817 = arith.constant 0 : i32
      %add3A_818 = arith.addi %mul3A_802, %add3A_817 : i32
      %mul3A_819 = arith.constant 128 : i32
      %mul3A_820 = arith.muli %add3A_818, %mul3A_819 : i32
      %add3A_821 = arith.addi %mul3A_820, %mul3A_804 : i32
      %mul3A_822 = arith.constant 128 : i32
      %mul3A_823 = arith.muli %add3A_821, %mul3A_822 : i32
      %multiple_of3A_824 = tpu.assume_multiple %mul3A_823, 8 : i32
      %dma_start3A_825 = arith.constant 0 : i32
      %dma_start3A_826 = tpu.memref_slice %arg9[%dma_start3A_825] : memref<4096xf32, #tpu.memory_space<vmem>> -> memref<1024xf32, #tpu.memory_space<vmem>>
      %dma_start3A_827 = tpu.memref_slice %arg3[%multiple_of3A_824] : memref<2097168xf32, #tpu.memory_space<hbm>> -> memref<1024xf32, #tpu.memory_space<hbm>>
      %dma_start3A_828 = arith.constant 0 : i32
      %dma_start3A_829 = tpu.memref_slice %arg9[%dma_start3A_828] : memref<4096xf32, #tpu.memory_space<vmem>> -> memref<1024xf32, #tpu.memory_space<vmem>>
      %dma_start3A_830 = tpu.memref_slice %arg3[%multiple_of3A_824] : memref<2097168xf32, #tpu.memory_space<hbm>> -> memref<1024xf32, #tpu.memory_space<hbm>>
      tpu.enqueue_dma source(%dma_start3A_830 : memref<1024xf32, #tpu.memory_space<hbm>>) target(%dma_start3A_829 : memref<1024xf32, #tpu.memory_space<vmem>>) target_semaphore(%arg22 : memref<!tpu.dma_semaphore, #tpu.memory_space<semaphore_mem>>)
      %dma_start3A_831 = arith.constant 0 : i32
      %dma_start3A_832 = tpu.memref_slice %arg10[%dma_start3A_831] : memref<4096xf32, #tpu.memory_space<vmem>> -> memref<1024xf32, #tpu.memory_space<vmem>>
      %dma_start3A_833 = tpu.memref_slice %arg4[%multiple_of3A_824] : memref<2097168xf32, #tpu.memory_space<hbm>> -> memref<1024xf32, #tpu.memory_space<hbm>>
      %dma_start3A_834 = arith.constant 0 : i32
      %dma_start3A_835 = tpu.memref_slice %arg10[%dma_start3A_834] : memref<4096xf32, #tpu.memory_space<vmem>> -> memref<1024xf32, #tpu.memory_space<vmem>>
      %dma_start3A_836 = tpu.memref_slice %arg4[%multiple_of3A_824] : memref<2097168xf32, #tpu.memory_space<hbm>> -> memref<1024xf32, #tpu.memory_space<hbm>>
      tpu.enqueue_dma source(%dma_start3A_836 : memref<1024xf32, #tpu.memory_space<hbm>>) target(%dma_start3A_835 : memref<1024xf32, #tpu.memory_space<vmem>>) target_semaphore(%arg22 : memref<!tpu.dma_semaphore, #tpu.memory_space<semaphore_mem>>)
      %dma_start3A_837 = arith.constant 0 : i32
      %dma_start3A_838 = tpu.memref_slice %arg11[%dma_start3A_837] : memref<4096xf32, #tpu.memory_space<vmem>> -> memref<1024xf32, #tpu.memory_space<vmem>>
      %dma_start3A_839 = tpu.memref_slice %arg5[%multiple_of3A_824] : memref<2097168xf32, #tpu.memory_space<hbm>> -> memref<1024xf32, #tpu.memory_space<hbm>>
      %dma_start3A_840 = arith.constant 0 : i32
      %dma_start3A_841 = tpu.memref_slice %arg11[%dma_start3A_840] : memref<4096xf32, #tpu.memory_space<vmem>> -> memref<1024xf32, #tpu.memory_space<vmem>>
      %dma_start3A_842 = tpu.memref_slice %arg5[%multiple_of3A_824] : memref<2097168xf32, #tpu.memory_space<hbm>> -> memref<1024xf32, #tpu.memory_space<hbm>>
      tpu.enqueue_dma source(%dma_start3A_842 : memref<1024xf32, #tpu.memory_space<hbm>>) target(%dma_start3A_841 : memref<1024xf32, #tpu.memory_space<vmem>>) target_semaphore(%arg22 : memref<!tpu.dma_semaphore, #tpu.memory_space<semaphore_mem>>)
      %add3A_843 = arith.constant 1 : i32
      %add3A_844 = arith.addi %mul3A_802, %add3A_843 : i32
      %mul3A_845 = arith.constant 128 : i32
      %mul3A_846 = arith.muli %add3A_844, %mul3A_845 : i32
      %add3A_847 = arith.addi %mul3A_846, %mul3A_804 : i32
      %mul3A_848 = arith.constant 128 : i32
      %mul3A_849 = arith.muli %add3A_847, %mul3A_848 : i32
      %multiple_of3A_850 = tpu.assume_multiple %mul3A_849, 8 : i32
      %dma_start3A_851 = arith.constant 1024 : i32
      %dma_start3A_852 = tpu.memref_slice %arg9[%dma_start3A_851] : memref<4096xf32, #tpu.memory_space<vmem>> -> memref<1024xf32, #tpu.memory_space<vmem>>
      %dma_start3A_853 = tpu.memref_slice %arg3[%multiple_of3A_850] : memref<2097168xf32, #tpu.memory_space<hbm>> -> memref<1024xf32, #tpu.memory_space<hbm>>
      %dma_start3A_854 = arith.constant 1024 : i32
      %dma_start3A_855 = tpu.memref_slice %arg9[%dma_start3A_854] : memref<4096xf32, #tpu.memory_space<vmem>> -> memref<1024xf32, #tpu.memory_space<vmem>>
      %dma_start3A_856 = tpu.memref_slice %arg3[%multiple_of3A_850] : memref<2097168xf32, #tpu.memory_space<hbm>> -> memref<1024xf32, #tpu.memory_space<hbm>>
      tpu.enqueue_dma source(%dma_start3A_856 : memref<1024xf32, #tpu.memory_space<hbm>>) target(%dma_start3A_855 : memref<1024xf32, #tpu.memory_space<vmem>>) target_semaphore(%arg22 : memref<!tpu.dma_semaphore, #tpu.memory_space<semaphore_mem>>)
      %dma_start3A_857 = arith.constant 1024 : i32
      %dma_start3A_858 = tpu.memref_slice %arg10[%dma_start3A_857] : memref<4096xf32, #tpu.memory_space<vmem>> -> memref<1024xf32, #tpu.memory_space<vmem>>
      %dma_start3A_859 = tpu.memref_slice %arg4[%multiple_of3A_850] : memref<2097168xf32, #tpu.memory_space<hbm>> -> memref<1024xf32, #tpu.memory_space<hbm>>
      %dma_start3A_860 = arith.constant 1024 : i32
      %dma_start3A_861 = tpu.memref_slice %arg10[%dma_start3A_860] : memref<4096xf32, #tpu.memory_space<vmem>> -> memref<1024xf32, #tpu.memory_space<vmem>>
      %dma_start3A_862 = tpu.memref_slice %arg4[%multiple_of3A_850] : memref<2097168xf32, #tpu.memory_space<hbm>> -> memref<1024xf32, #tpu.memory_space<hbm>>
      tpu.enqueue_dma source(%dma_start3A_862 : memref<1024xf32, #tpu.memory_space<hbm>>) target(%dma_start3A_861 : memref<1024xf32, #tpu.memory_space<vmem>>) target_semaphore(%arg22 : memref<!tpu.dma_semaphore, #tpu.memory_space<semaphore_mem>>)
      %dma_start3A_863 = arith.constant 1024 : i32
      %dma_start3A_864 = tpu.memref_slice %arg11[%dma_start3A_863] : memref<4096xf32, #tpu.memory_space<vmem>> -> memref<1024xf32, #tpu.memory_space<vmem>>
      %dma_start3A_865 = tpu.memref_slice %arg5[%multiple_of3A_850] : memref<2097168xf32, #tpu.memory_space<hbm>> -> memref<1024xf32, #tpu.memory_space<hbm>>
      %dma_start3A_866 = arith.constant 1024 : i32
      %dma_start3A_867 = tpu.memref_slice %arg11[%dma_start3A_866] : memref<4096xf32, #tpu.memory_space<vmem>> -> memref<1024xf32, #tpu.memory_space<vmem>>
      %dma_start3A_868 = tpu.memref_slice %arg5[%multiple_of3A_850] : memref<2097168xf32, #tpu.memory_space<hbm>> -> memref<1024xf32, #tpu.memory_space<hbm>>
      tpu.enqueue_dma source(%dma_start3A_868 : memref<1024xf32, #tpu.memory_space<hbm>>) target(%dma_start3A_867 : memref<1024xf32, #tpu.memory_space<vmem>>) target_semaphore(%arg22 : memref<!tpu.dma_semaphore, #tpu.memory_space<semaphore_mem>>)
      %add3A_869 = arith.constant 2 : i32
      %add3A_870 = arith.addi %mul3A_802, %add3A_869 : i32
      %mul3A_871 = arith.constant 128 : i32
      %mul3A_872 = arith.muli %add3A_870, %mul3A_871 : i32
      %add3A_873 = arith.addi %mul3A_872, %mul3A_804 : i32
      %mul3A_874 = arith.constant 128 : i32
      %mul3A_875 = arith.muli %add3A_873, %mul3A_874 : i32
      %multiple_of3A_876 = tpu.assume_multiple %mul3A_875, 8 : i32
      %dma_start3A_877 = arith.constant 2048 : i32
      %dma_start3A_878 = tpu.memref_slice %arg9[%dma_start3A_877] : memref<4096xf32, #tpu.memory_space<vmem>> -> memref<1024xf32, #tpu.memory_space<vmem>>
      %dma_start3A_879 = tpu.memref_slice %arg3[%multiple_of3A_876] : memref<2097168xf32, #tpu.memory_space<hbm>> -> memref<1024xf32, #tpu.memory_space<hbm>>
      %dma_start3A_880 = arith.constant 2048 : i32
      %dma_start3A_881 = tpu.memref_slice %arg9[%dma_start3A_880] : memref<4096xf32, #tpu.memory_space<vmem>> -> memref<1024xf32, #tpu.memory_space<vmem>>
      %dma_start3A_882 = tpu.memref_slice %arg3[%multiple_of3A_876] : memref<2097168xf32, #tpu.memory_space<hbm>> -> memref<1024xf32, #tpu.memory_space<hbm>>
      tpu.enqueue_dma source(%dma_start3A_882 : memref<1024xf32, #tpu.memory_space<hbm>>) target(%dma_start3A_881 : memref<1024xf32, #tpu.memory_space<vmem>>) target_semaphore(%arg22 : memref<!tpu.dma_semaphore, #tpu.memory_space<semaphore_mem>>)
      %dma_start3A_883 = arith.constant 2048 : i32
      %dma_start3A_884 = tpu.memref_slice %arg10[%dma_start3A_883] : memref<4096xf32, #tpu.memory_space<vmem>> -> memref<1024xf32, #tpu.memory_space<vmem>>
      %dma_start3A_885 = tpu.memref_slice %arg4[%multiple_of3A_876] : memref<2097168xf32, #tpu.memory_space<hbm>> -> memref<1024xf32, #tpu.memory_space<hbm>>
      %dma_start3A_886 = arith.constant 2048 : i32
      %dma_start3A_887 = tpu.memref_slice %arg10[%dma_start3A_886] : memref<4096xf32, #tpu.memory_space<vmem>> -> memref<1024xf32, #tpu.memory_space<vmem>>
      %dma_start3A_888 = tpu.memref_slice %arg4[%multiple_of3A_876] : memref<2097168xf32, #tpu.memory_space<hbm>> -> memref<1024xf32, #tpu.memory_space<hbm>>
      tpu.enqueue_dma source(%dma_start3A_888 : memref<1024xf32, #tpu.memory_space<hbm>>) target(%dma_start3A_887 : memref<1024xf32, #tpu.memory_space<vmem>>) target_semaphore(%arg22 : memref<!tpu.dma_semaphore, #tpu.memory_space<semaphore_mem>>)
      %dma_start3A_889 = arith.constant 2048 : i32
      %dma_start3A_890 = tpu.memref_slice %arg11[%dma_start3A_889] : memref<4096xf32, #tpu.memory_space<vmem>> -> memref<1024xf32, #tpu.memory_space<vmem>>
      %dma_start3A_891 = tpu.memref_slice %arg5[%multiple_of3A_876] : memref<2097168xf32, #tpu.memory_space<hbm>> -> memref<1024xf32, #tpu.memory_space<hbm>>
      %dma_start3A_892 = arith.constant 2048 : i32
      %dma_start3A_893 = tpu.memref_slice %arg11[%dma_start3A_892] : memref<4096xf32, #tpu.memory_space<vmem>> -> memref<1024xf32, #tpu.memory_space<vmem>>
      %dma_start3A_894 = tpu.memref_slice %arg5[%multiple_of3A_876] : memref<2097168xf32, #tpu.memory_space<hbm>> -> memref<1024xf32, #tpu.memory_space<hbm>>
      tpu.enqueue_dma source(%dma_start3A_894 : memref<1024xf32, #tpu.memory_space<hbm>>) target(%dma_start3A_893 : memref<1024xf32, #tpu.memory_space<vmem>>) target_semaphore(%arg22 : memref<!tpu.dma_semaphore, #tpu.memory_space<semaphore_mem>>)
      %add3A_895 = arith.constant 3 : i32
      %add3A_896 = arith.addi %mul3A_802, %add3A_895 : i32
      %mul3A_897 = arith.constant 128 : i32
      %mul3A_898 = arith.muli %add3A_896, %mul3A_897 : i32
      %add3A_899 = arith.addi %mul3A_898, %mul3A_804 : i32
      %mul3A_900 = arith.constant 128 : i32
      %mul3A_901 = arith.muli %add3A_899, %mul3A_900 : i32
      %multiple_of3A_902 = tpu.assume_multiple %mul3A_901, 8 : i32
      %dma_start3A_903 = arith.constant 3072 : i32
      %dma_start3A_904 = tpu.memref_slice %arg9[%dma_start3A_903] : memref<4096xf32, #tpu.memory_space<vmem>> -> memref<1024xf32, #tpu.memory_space<vmem>>
      %dma_start3A_905 = tpu.memref_slice %arg3[%multiple_of3A_902] : memref<2097168xf32, #tpu.memory_space<hbm>> -> memref<1024xf32, #tpu.memory_space<hbm>>
      %dma_start3A_906 = arith.constant 3072 : i32
      %dma_start3A_907 = tpu.memref_slice %arg9[%dma_start3A_906] : memref<4096xf32, #tpu.memory_space<vmem>> -> memref<1024xf32, #tpu.memory_space<vmem>>
      %dma_start3A_908 = tpu.memref_slice %arg3[%multiple_of3A_902] : memref<2097168xf32, #tpu.memory_space<hbm>> -> memref<1024xf32, #tpu.memory_space<hbm>>
      tpu.enqueue_dma source(%dma_start3A_908 : memref<1024xf32, #tpu.memory_space<hbm>>) target(%dma_start3A_907 : memref<1024xf32, #tpu.memory_space<vmem>>) target_semaphore(%arg22 : memref<!tpu.dma_semaphore, #tpu.memory_space<semaphore_mem>>)
      %dma_start3A_909 = arith.constant 3072 : i32
      %dma_start3A_910 = tpu.memref_slice %arg10[%dma_start3A_909] : memref<4096xf32, #tpu.memory_space<vmem>> -> memref<1024xf32, #tpu.memory_space<vmem>>
      %dma_start3A_911 = tpu.memref_slice %arg4[%multiple_of3A_902] : memref<2097168xf32, #tpu.memory_space<hbm>> -> memref<1024xf32, #tpu.memory_space<hbm>>
      %dma_start3A_912 = arith.constant 3072 : i32
      %dma_start3A_913 = tpu.memref_slice %arg10[%dma_start3A_912] : memref<4096xf32, #tpu.memory_space<vmem>> -> memref<1024xf32, #tpu.memory_space<vmem>>
      %dma_start3A_914 = tpu.memref_slice %arg4[%multiple_of3A_902] : memref<2097168xf32, #tpu.memory_space<hbm>> -> memref<1024xf32, #tpu.memory_space<hbm>>
      tpu.enqueue_dma source(%dma_start3A_914 : memref<1024xf32, #tpu.memory_space<hbm>>) target(%dma_start3A_913 : memref<1024xf32, #tpu.memory_space<vmem>>) target_semaphore(%arg22 : memref<!tpu.dma_semaphore, #tpu.memory_space<semaphore_mem>>)
      %dma_start3A_915 = arith.constant 3072 : i32
      %dma_start3A_916 = tpu.memref_slice %arg11[%dma_start3A_915] : memref<4096xf32, #tpu.memory_space<vmem>> -> memref<1024xf32, #tpu.memory_space<vmem>>
      %dma_start3A_917 = tpu.memref_slice %arg5[%multiple_of3A_902] : memref<2097168xf32, #tpu.memory_space<hbm>> -> memref<1024xf32, #tpu.memory_space<hbm>>
      %dma_start3A_918 = arith.constant 3072 : i32
      %dma_start3A_919 = tpu.memref_slice %arg11[%dma_start3A_918] : memref<4096xf32, #tpu.memory_space<vmem>> -> memref<1024xf32, #tpu.memory_space<vmem>>
      %dma_start3A_920 = tpu.memref_slice %arg5[%multiple_of3A_902] : memref<2097168xf32, #tpu.memory_space<hbm>> -> memref<1024xf32, #tpu.memory_space<hbm>>
      tpu.enqueue_dma source(%dma_start3A_920 : memref<1024xf32, #tpu.memory_space<hbm>>) target(%dma_start3A_919 : memref<1024xf32, #tpu.memory_space<vmem>>) target_semaphore(%arg22 : memref<!tpu.dma_semaphore, #tpu.memory_space<semaphore_mem>>)
      %gt3A = arith.constant 0 : i32
      %gt3A_921 = arith.cmpi sgt, %scan3A_384, %gt3A : i32
      %convert_element_type3A = arith.extui %gt3A_921 : i1 to i32
      %cond3A = arith.constant 0 : i32
      %cond3A_922 = arith.cmpi ne, %convert_element_type3A, %cond3A : i32
      scf.if %cond3A_922 {
        %sub3A_1314 = arith.constant 1 : i32
        %sub3A_1315 = arith.subi %scan3A_384, %sub3A_1314 : i32
        %mul3A_1316 = arith.constant 16 : i32
        %mul3A_1317 = arith.muli %add3A, %mul3A_1316 : i32
        %add3A_1318 = arith.addi %mul3A_1317, %sub3A_1315 : i32
        %shift_right_logical3A_1319 = arith.constant 4 : i32
        %shift_right_logical3A_1320 = arith.shrui %add3A_1318, %shift_right_logical3A_1319 : i32
        %and3A_1321 = arith.constant 15 : i32
        %and3A_1322 = arith.andi %add3A_1318, %and3A_1321 : i32
        %mul3A_1323 = arith.constant 4 : i32
        %mul3A_1324 = arith.muli %shift_right_logical3A_1320, %mul3A_1323 : i32
        %mul3A_1325 = arith.constant 8 : i32
        %mul3A_1326 = arith.muli %and3A_1322, %mul3A_1325 : i32
        %sub3A_1327 = arith.constant 5 : i32
        %sub3A_1328 = arith.subi %mul3A_1324, %sub3A_1327 : i32
        %max3A_1329 = arith.constant 0 : i32
        %max3A_1330 = arith.maxsi %sub3A_1328, %max3A_1329 : i32
        %min3A_1331 = arith.constant 114 : i32
        %min3A_1332 = arith.minsi %max3A_1330, %min3A_1331 : i32
        %sub3A_1333 = arith.constant 5 : i32
        %sub3A_1334 = arith.subi %mul3A_1326, %sub3A_1333 : i32
        %max3A_1335 = arith.constant 0 : i32
        %max3A_1336 = arith.maxsi %sub3A_1334, %max3A_1335 : i32
        %min3A_1337 = arith.constant 110 : i32
        %min3A_1338 = arith.minsi %max3A_1336, %min3A_1337 : i32
        %add3A_1339 = arith.constant 0 : i32
        %add3A_1340 = arith.addi %mul3A_1324, %add3A_1339 : i32
        %mul3A_1341 = arith.constant 128 : i32
        %mul3A_1342 = arith.muli %add3A_1340, %mul3A_1341 : i32
        %add3A_1343 = arith.addi %mul3A_1342, %mul3A_1326 : i32
        %mul3A_1344 = arith.constant 128 : i32
        %mul3A_1345 = arith.muli %add3A_1343, %mul3A_1344 : i32
        %multiple_of3A_1346 = tpu.assume_multiple %mul3A_1345, 8 : i32
        %dma_wait3A_1347 = arith.constant 0 : i32
        %dma_wait3A_1348 = tpu.memref_slice %arg16[%dma_wait3A_1347] : memref<4096xf32, #tpu.memory_space<vmem>> -> memref<1024xf32, #tpu.memory_space<vmem>>
        %dma_wait3A_1349 = tpu.memref_slice %arg6[%multiple_of3A_1346] : memref<2097152xf32, #tpu.memory_space<hbm>> -> memref<1024xf32, #tpu.memory_space<hbm>>
        %dma_wait3A_1350 = tpu.memref_slice %arg6[%multiple_of3A_1346] : memref<2097152xf32, #tpu.memory_space<hbm>> -> memref<1024xf32, #tpu.memory_space<hbm>>
        %dma_wait3A_1351 = arith.constant 0 : i32
        %dma_wait3A_1352 = tpu.memref_slice %arg16[%dma_wait3A_1351] : memref<4096xf32, #tpu.memory_space<vmem>> -> memref<1024xf32, #tpu.memory_space<vmem>>
        tpu.wait_dma2 semaphore(%arg23 : memref<!tpu.dma_semaphore, #tpu.memory_space<semaphore_mem>>) src(%dma_wait3A_1352 : memref<1024xf32, #tpu.memory_space<vmem>>) dst(%dma_wait3A_1350 : memref<1024xf32, #tpu.memory_space<hbm>>)
        %dma_wait3A_1353 = arith.constant 0 : i32
        %dma_wait3A_1354 = tpu.memref_slice %arg17[%dma_wait3A_1353] : memref<4096xf32, #tpu.memory_space<vmem>> -> memref<1024xf32, #tpu.memory_space<vmem>>
        %dma_wait3A_1355 = tpu.memref_slice %arg7[%multiple_of3A_1346] : memref<2097152xf32, #tpu.memory_space<hbm>> -> memref<1024xf32, #tpu.memory_space<hbm>>
        %dma_wait3A_1356 = tpu.memref_slice %arg7[%multiple_of3A_1346] : memref<2097152xf32, #tpu.memory_space<hbm>> -> memref<1024xf32, #tpu.memory_space<hbm>>
        %dma_wait3A_1357 = arith.constant 0 : i32
        %dma_wait3A_1358 = tpu.memref_slice %arg17[%dma_wait3A_1357] : memref<4096xf32, #tpu.memory_space<vmem>> -> memref<1024xf32, #tpu.memory_space<vmem>>
        tpu.wait_dma2 semaphore(%arg23 : memref<!tpu.dma_semaphore, #tpu.memory_space<semaphore_mem>>) src(%dma_wait3A_1358 : memref<1024xf32, #tpu.memory_space<vmem>>) dst(%dma_wait3A_1356 : memref<1024xf32, #tpu.memory_space<hbm>>)
        %add3A_1359 = arith.constant 1 : i32
        %add3A_1360 = arith.addi %mul3A_1324, %add3A_1359 : i32
        %mul3A_1361 = arith.constant 128 : i32
        %mul3A_1362 = arith.muli %add3A_1360, %mul3A_1361 : i32
        %add3A_1363 = arith.addi %mul3A_1362, %mul3A_1326 : i32
        %mul3A_1364 = arith.constant 128 : i32
        %mul3A_1365 = arith.muli %add3A_1363, %mul3A_1364 : i32
        %multiple_of3A_1366 = tpu.assume_multiple %mul3A_1365, 8 : i32
        %dma_wait3A_1367 = arith.constant 1024 : i32
        %dma_wait3A_1368 = tpu.memref_slice %arg16[%dma_wait3A_1367] : memref<4096xf32, #tpu.memory_space<vmem>> -> memref<1024xf32, #tpu.memory_space<vmem>>
        %dma_wait3A_1369 = tpu.memref_slice %arg6[%multiple_of3A_1366] : memref<2097152xf32, #tpu.memory_space<hbm>> -> memref<1024xf32, #tpu.memory_space<hbm>>
        %dma_wait3A_1370 = tpu.memref_slice %arg6[%multiple_of3A_1366] : memref<2097152xf32, #tpu.memory_space<hbm>> -> memref<1024xf32, #tpu.memory_space<hbm>>
        %dma_wait3A_1371 = arith.constant 1024 : i32
        %dma_wait3A_1372 = tpu.memref_slice %arg16[%dma_wait3A_1371] : memref<4096xf32, #tpu.memory_space<vmem>> -> memref<1024xf32, #tpu.memory_space<vmem>>
        tpu.wait_dma2 semaphore(%arg23 : memref<!tpu.dma_semaphore, #tpu.memory_space<semaphore_mem>>) src(%dma_wait3A_1372 : memref<1024xf32, #tpu.memory_space<vmem>>) dst(%dma_wait3A_1370 : memref<1024xf32, #tpu.memory_space<hbm>>)
        %dma_wait3A_1373 = arith.constant 1024 : i32
        %dma_wait3A_1374 = tpu.memref_slice %arg17[%dma_wait3A_1373] : memref<4096xf32, #tpu.memory_space<vmem>> -> memref<1024xf32, #tpu.memory_space<vmem>>
        %dma_wait3A_1375 = tpu.memref_slice %arg7[%multiple_of3A_1366] : memref<2097152xf32, #tpu.memory_space<hbm>> -> memref<1024xf32, #tpu.memory_space<hbm>>
        %dma_wait3A_1376 = tpu.memref_slice %arg7[%multiple_of3A_1366] : memref<2097152xf32, #tpu.memory_space<hbm>> -> memref<1024xf32, #tpu.memory_space<hbm>>
        %dma_wait3A_1377 = arith.constant 1024 : i32
        %dma_wait3A_1378 = tpu.memref_slice %arg17[%dma_wait3A_1377] : memref<4096xf32, #tpu.memory_space<vmem>> -> memref<1024xf32, #tpu.memory_space<vmem>>
        tpu.wait_dma2 semaphore(%arg23 : memref<!tpu.dma_semaphore, #tpu.memory_space<semaphore_mem>>) src(%dma_wait3A_1378 : memref<1024xf32, #tpu.memory_space<vmem>>) dst(%dma_wait3A_1376 : memref<1024xf32, #tpu.memory_space<hbm>>)
        %add3A_1379 = arith.constant 2 : i32
        %add3A_1380 = arith.addi %mul3A_1324, %add3A_1379 : i32
        %mul3A_1381 = arith.constant 128 : i32
        %mul3A_1382 = arith.muli %add3A_1380, %mul3A_1381 : i32
        %add3A_1383 = arith.addi %mul3A_1382, %mul3A_1326 : i32
        %mul3A_1384 = arith.constant 128 : i32
        %mul3A_1385 = arith.muli %add3A_1383, %mul3A_1384 : i32
        %multiple_of3A_1386 = tpu.assume_multiple %mul3A_1385, 8 : i32
        %dma_wait3A_1387 = arith.constant 2048 : i32
        %dma_wait3A_1388 = tpu.memref_slice %arg16[%dma_wait3A_1387] : memref<4096xf32, #tpu.memory_space<vmem>> -> memref<1024xf32, #tpu.memory_space<vmem>>
        %dma_wait3A_1389 = tpu.memref_slice %arg6[%multiple_of3A_1386] : memref<2097152xf32, #tpu.memory_space<hbm>> -> memref<1024xf32, #tpu.memory_space<hbm>>
        %dma_wait3A_1390 = tpu.memref_slice %arg6[%multiple_of3A_1386] : memref<2097152xf32, #tpu.memory_space<hbm>> -> memref<1024xf32, #tpu.memory_space<hbm>>
        %dma_wait3A_1391 = arith.constant 2048 : i32
        %dma_wait3A_1392 = tpu.memref_slice %arg16[%dma_wait3A_1391] : memref<4096xf32, #tpu.memory_space<vmem>> -> memref<1024xf32, #tpu.memory_space<vmem>>
        tpu.wait_dma2 semaphore(%arg23 : memref<!tpu.dma_semaphore, #tpu.memory_space<semaphore_mem>>) src(%dma_wait3A_1392 : memref<1024xf32, #tpu.memory_space<vmem>>) dst(%dma_wait3A_1390 : memref<1024xf32, #tpu.memory_space<hbm>>)
        %dma_wait3A_1393 = arith.constant 2048 : i32
        %dma_wait3A_1394 = tpu.memref_slice %arg17[%dma_wait3A_1393] : memref<4096xf32, #tpu.memory_space<vmem>> -> memref<1024xf32, #tpu.memory_space<vmem>>
        %dma_wait3A_1395 = tpu.memref_slice %arg7[%multiple_of3A_1386] : memref<2097152xf32, #tpu.memory_space<hbm>> -> memref<1024xf32, #tpu.memory_space<hbm>>
        %dma_wait3A_1396 = tpu.memref_slice %arg7[%multiple_of3A_1386] : memref<2097152xf32, #tpu.memory_space<hbm>> -> memref<1024xf32, #tpu.memory_space<hbm>>
        %dma_wait3A_1397 = arith.constant 2048 : i32
        %dma_wait3A_1398 = tpu.memref_slice %arg17[%dma_wait3A_1397] : memref<4096xf32, #tpu.memory_space<vmem>> -> memref<1024xf32, #tpu.memory_space<vmem>>
        tpu.wait_dma2 semaphore(%arg23 : memref<!tpu.dma_semaphore, #tpu.memory_space<semaphore_mem>>) src(%dma_wait3A_1398 : memref<1024xf32, #tpu.memory_space<vmem>>) dst(%dma_wait3A_1396 : memref<1024xf32, #tpu.memory_space<hbm>>)
        %add3A_1399 = arith.constant 3 : i32
        %add3A_1400 = arith.addi %mul3A_1324, %add3A_1399 : i32
        %mul3A_1401 = arith.constant 128 : i32
        %mul3A_1402 = arith.muli %add3A_1400, %mul3A_1401 : i32
        %add3A_1403 = arith.addi %mul3A_1402, %mul3A_1326 : i32
        %mul3A_1404 = arith.constant 128 : i32
        %mul3A_1405 = arith.muli %add3A_1403, %mul3A_1404 : i32
        %multiple_of3A_1406 = tpu.assume_multiple %mul3A_1405, 8 : i32
        %dma_wait3A_1407 = arith.constant 3072 : i32
        %dma_wait3A_1408 = tpu.memref_slice %arg16[%dma_wait3A_1407] : memref<4096xf32, #tpu.memory_space<vmem>> -> memref<1024xf32, #tpu.memory_space<vmem>>
        %dma_wait3A_1409 = tpu.memref_slice %arg6[%multiple_of3A_1406] : memref<2097152xf32, #tpu.memory_space<hbm>> -> memref<1024xf32, #tpu.memory_space<hbm>>
        %dma_wait3A_1410 = tpu.memref_slice %arg6[%multiple_of3A_1406] : memref<2097152xf32, #tpu.memory_space<hbm>> -> memref<1024xf32, #tpu.memory_space<hbm>>
        %dma_wait3A_1411 = arith.constant 3072 : i32
        %dma_wait3A_1412 = tpu.memref_slice %arg16[%dma_wait3A_1411] : memref<4096xf32, #tpu.memory_space<vmem>> -> memref<1024xf32, #tpu.memory_space<vmem>>
        tpu.wait_dma2 semaphore(%arg23 : memref<!tpu.dma_semaphore, #tpu.memory_space<semaphore_mem>>) src(%dma_wait3A_1412 : memref<1024xf32, #tpu.memory_space<vmem>>) dst(%dma_wait3A_1410 : memref<1024xf32, #tpu.memory_space<hbm>>)
        %dma_wait3A_1413 = arith.constant 3072 : i32
        %dma_wait3A_1414 = tpu.memref_slice %arg17[%dma_wait3A_1413] : memref<4096xf32, #tpu.memory_space<vmem>> -> memref<1024xf32, #tpu.memory_space<vmem>>
        %dma_wait3A_1415 = tpu.memref_slice %arg7[%multiple_of3A_1406] : memref<2097152xf32, #tpu.memory_space<hbm>> -> memref<1024xf32, #tpu.memory_space<hbm>>
        %dma_wait3A_1416 = tpu.memref_slice %arg7[%multiple_of3A_1406] : memref<2097152xf32, #tpu.memory_space<hbm>> -> memref<1024xf32, #tpu.memory_space<hbm>>
        %dma_wait3A_1417 = arith.constant 3072 : i32
        %dma_wait3A_1418 = tpu.memref_slice %arg17[%dma_wait3A_1417] : memref<4096xf32, #tpu.memory_space<vmem>> -> memref<1024xf32, #tpu.memory_space<vmem>>
        tpu.wait_dma2 semaphore(%arg23 : memref<!tpu.dma_semaphore, #tpu.memory_space<semaphore_mem>>) src(%dma_wait3A_1418 : memref<1024xf32, #tpu.memory_space<vmem>>) dst(%dma_wait3A_1416 : memref<1024xf32, #tpu.memory_space<hbm>>)
      } else {
      }
      %mul3A_923 = arith.constant 16 : i32
      %mul3A_924 = arith.muli %add3A, %mul3A_923 : i32
      %add3A_925 = arith.addi %mul3A_924, %scan3A_384 : i32
      %shift_right_logical3A_926 = arith.constant 4 : i32
      %shift_right_logical3A_927 = arith.shrui %add3A_925, %shift_right_logical3A_926 : i32
      %and3A_928 = arith.constant 15 : i32
      %and3A_929 = arith.andi %add3A_925, %and3A_928 : i32
      %mul3A_930 = arith.constant 4 : i32
      %mul3A_931 = arith.muli %shift_right_logical3A_927, %mul3A_930 : i32
      %mul3A_932 = arith.constant 8 : i32
      %mul3A_933 = arith.muli %and3A_929, %mul3A_932 : i32
      %sub3A_934 = arith.constant 5 : i32
      %sub3A_935 = arith.subi %mul3A_931, %sub3A_934 : i32
      %max3A_936 = arith.constant 0 : i32
      %max3A_937 = arith.maxsi %sub3A_935, %max3A_936 : i32
      %min3A_938 = arith.constant 114 : i32
      %min3A_939 = arith.minsi %max3A_937, %min3A_938 : i32
      %sub3A_940 = arith.constant 5 : i32
      %sub3A_941 = arith.subi %mul3A_933, %sub3A_940 : i32
      %max3A_942 = arith.constant 0 : i32
      %max3A_943 = arith.maxsi %sub3A_941, %max3A_942 : i32
      %min3A_944 = arith.constant 110 : i32
      %min3A_945 = arith.minsi %max3A_943, %min3A_944 : i32
      %add3A_946 = arith.constant 0 : i32
      %add3A_947 = arith.addi %min3A_939, %add3A_946 : i32
      %mul3A_948 = arith.constant 130 : i32
      %mul3A_949 = arith.muli %add3A_947, %mul3A_948 : i32
      %add3A_950 = arith.addi %mul3A_949, %min3A_945 : i32
      %mul3A_951 = arith.constant 264 : i32
      %mul3A_952 = arith.muli %add3A_950, %mul3A_951 : i32
      %multiple_of3A_953 = tpu.assume_multiple %mul3A_952, 8 : i32
      %dma_wait3A_954 = arith.constant 0 : i32
      %dma_wait3A_955 = tpu.memref_slice %arg8[%dma_wait3A_954] : memref<90032xf32, #tpu.memory_space<vmem>> -> memref<5280xf32, #tpu.memory_space<vmem>>
      %dma_wait3A_956 = tpu.memref_slice %arg2[%multiple_of3A_953] : memref<4461600xf32, #tpu.memory_space<hbm>> -> memref<5280xf32, #tpu.memory_space<hbm>>
      %dma_wait3A_957 = arith.constant 0 : i32
      %dma_wait3A_958 = tpu.memref_slice %arg8[%dma_wait3A_957] : memref<90032xf32, #tpu.memory_space<vmem>> -> memref<5280xf32, #tpu.memory_space<vmem>>
      %dma_wait3A_959 = tpu.memref_slice %arg2[%multiple_of3A_953] : memref<4461600xf32, #tpu.memory_space<hbm>> -> memref<5280xf32, #tpu.memory_space<hbm>>
      tpu.wait_dma2 semaphore(%arg21 : memref<!tpu.dma_semaphore, #tpu.memory_space<semaphore_mem>>) src(%dma_wait3A_959 : memref<5280xf32, #tpu.memory_space<hbm>>) dst(%dma_wait3A_958 : memref<5280xf32, #tpu.memory_space<vmem>>)
      %add3A_960 = arith.constant 1 : i32
      %add3A_961 = arith.addi %min3A_939, %add3A_960 : i32
      %mul3A_962 = arith.constant 130 : i32
      %mul3A_963 = arith.muli %add3A_961, %mul3A_962 : i32
      %add3A_964 = arith.addi %mul3A_963, %min3A_945 : i32
      %mul3A_965 = arith.constant 264 : i32
      %mul3A_966 = arith.muli %add3A_964, %mul3A_965 : i32
      %multiple_of3A_967 = tpu.assume_multiple %mul3A_966, 8 : i32
      %dma_wait3A_968 = arith.constant 5280 : i32
      %dma_wait3A_969 = tpu.memref_slice %arg8[%dma_wait3A_968] : memref<90032xf32, #tpu.memory_space<vmem>> -> memref<5280xf32, #tpu.memory_space<vmem>>
      %dma_wait3A_970 = tpu.memref_slice %arg2[%multiple_of3A_967] : memref<4461600xf32, #tpu.memory_space<hbm>> -> memref<5280xf32, #tpu.memory_space<hbm>>
      %dma_wait3A_971 = arith.constant 5280 : i32
      %dma_wait3A_972 = tpu.memref_slice %arg8[%dma_wait3A_971] : memref<90032xf32, #tpu.memory_space<vmem>> -> memref<5280xf32, #tpu.memory_space<vmem>>
      %dma_wait3A_973 = tpu.memref_slice %arg2[%multiple_of3A_967] : memref<4461600xf32, #tpu.memory_space<hbm>> -> memref<5280xf32, #tpu.memory_space<hbm>>
      tpu.wait_dma2 semaphore(%arg21 : memref<!tpu.dma_semaphore, #tpu.memory_space<semaphore_mem>>) src(%dma_wait3A_973 : memref<5280xf32, #tpu.memory_space<hbm>>) dst(%dma_wait3A_972 : memref<5280xf32, #tpu.memory_space<vmem>>)
      %add3A_974 = arith.constant 2 : i32
      %add3A_975 = arith.addi %min3A_939, %add3A_974 : i32
      %mul3A_976 = arith.constant 130 : i32
      %mul3A_977 = arith.muli %add3A_975, %mul3A_976 : i32
      %add3A_978 = arith.addi %mul3A_977, %min3A_945 : i32
      %mul3A_979 = arith.constant 264 : i32
      %mul3A_980 = arith.muli %add3A_978, %mul3A_979 : i32
      %multiple_of3A_981 = tpu.assume_multiple %mul3A_980, 8 : i32
      %dma_wait3A_982 = arith.constant 10560 : i32
      %dma_wait3A_983 = tpu.memref_slice %arg8[%dma_wait3A_982] : memref<90032xf32, #tpu.memory_space<vmem>> -> memref<5280xf32, #tpu.memory_space<vmem>>
      %dma_wait3A_984 = tpu.memref_slice %arg2[%multiple_of3A_981] : memref<4461600xf32, #tpu.memory_space<hbm>> -> memref<5280xf32, #tpu.memory_space<hbm>>
      %dma_wait3A_985 = arith.constant 10560 : i32
      %dma_wait3A_986 = tpu.memref_slice %arg8[%dma_wait3A_985] : memref<90032xf32, #tpu.memory_space<vmem>> -> memref<5280xf32, #tpu.memory_space<vmem>>
      %dma_wait3A_987 = tpu.memref_slice %arg2[%multiple_of3A_981] : memref<4461600xf32, #tpu.memory_space<hbm>> -> memref<5280xf32, #tpu.memory_space<hbm>>
      tpu.wait_dma2 semaphore(%arg21 : memref<!tpu.dma_semaphore, #tpu.memory_space<semaphore_mem>>) src(%dma_wait3A_987 : memref<5280xf32, #tpu.memory_space<hbm>>) dst(%dma_wait3A_986 : memref<5280xf32, #tpu.memory_space<vmem>>)
      %add3A_988 = arith.constant 3 : i32
      %add3A_989 = arith.addi %min3A_939, %add3A_988 : i32
      %mul3A_990 = arith.constant 130 : i32
      %mul3A_991 = arith.muli %add3A_989, %mul3A_990 : i32
      %add3A_992 = arith.addi %mul3A_991, %min3A_945 : i32
      %mul3A_993 = arith.constant 264 : i32
      %mul3A_994 = arith.muli %add3A_992, %mul3A_993 : i32
      %multiple_of3A_995 = tpu.assume_multiple %mul3A_994, 8 : i32
      %dma_wait3A_996 = arith.constant 15840 : i32
      %dma_wait3A_997 = tpu.memref_slice %arg8[%dma_wait3A_996] : memref<90032xf32, #tpu.memory_space<vmem>> -> memref<5280xf32, #tpu.memory_space<vmem>>
      %dma_wait3A_998 = tpu.memref_slice %arg2[%multiple_of3A_995] : memref<4461600xf32, #tpu.memory_space<hbm>> -> memref<5280xf32, #tpu.memory_space<hbm>>
      %dma_wait3A_999 = arith.constant 15840 : i32
      %dma_wait3A_1000 = tpu.memref_slice %arg8[%dma_wait3A_999] : memref<90032xf32, #tpu.memory_space<vmem>> -> memref<5280xf32, #tpu.memory_space<vmem>>
      %dma_wait3A_1001 = tpu.memref_slice %arg2[%multiple_of3A_995] : memref<4461600xf32, #tpu.memory_space<hbm>> -> memref<5280xf32, #tpu.memory_space<hbm>>
      tpu.wait_dma2 semaphore(%arg21 : memref<!tpu.dma_semaphore, #tpu.memory_space<semaphore_mem>>) src(%dma_wait3A_1001 : memref<5280xf32, #tpu.memory_space<hbm>>) dst(%dma_wait3A_1000 : memref<5280xf32, #tpu.memory_space<vmem>>)
      %add3A_1002 = arith.constant 4 : i32
      %add3A_1003 = arith.addi %min3A_939, %add3A_1002 : i32
      %mul3A_1004 = arith.constant 130 : i32
      %mul3A_1005 = arith.muli %add3A_1003, %mul3A_1004 : i32
      %add3A_1006 = arith.addi %mul3A_1005, %min3A_945 : i32
      %mul3A_1007 = arith.constant 264 : i32
      %mul3A_1008 = arith.muli %add3A_1006, %mul3A_1007 : i32
      %multiple_of3A_1009 = tpu.assume_multiple %mul3A_1008, 8 : i32
      %dma_wait3A_1010 = arith.constant 21120 : i32
      %dma_wait3A_1011 = tpu.memref_slice %arg8[%dma_wait3A_1010] : memref<90032xf32, #tpu.memory_space<vmem>> -> memref<5280xf32, #tpu.memory_space<vmem>>
      %dma_wait3A_1012 = tpu.memref_slice %arg2[%multiple_of3A_1009] : memref<4461600xf32, #tpu.memory_space<hbm>> -> memref<5280xf32, #tpu.memory_space<hbm>>
      %dma_wait3A_1013 = arith.constant 21120 : i32
      %dma_wait3A_1014 = tpu.memref_slice %arg8[%dma_wait3A_1013] : memref<90032xf32, #tpu.memory_space<vmem>> -> memref<5280xf32, #tpu.memory_space<vmem>>
      %dma_wait3A_1015 = tpu.memref_slice %arg2[%multiple_of3A_1009] : memref<4461600xf32, #tpu.memory_space<hbm>> -> memref<5280xf32, #tpu.memory_space<hbm>>
      tpu.wait_dma2 semaphore(%arg21 : memref<!tpu.dma_semaphore, #tpu.memory_space<semaphore_mem>>) src(%dma_wait3A_1015 : memref<5280xf32, #tpu.memory_space<hbm>>) dst(%dma_wait3A_1014 : memref<5280xf32, #tpu.memory_space<vmem>>)
      %add3A_1016 = arith.constant 5 : i32
      %add3A_1017 = arith.addi %min3A_939, %add3A_1016 : i32
      %mul3A_1018 = arith.constant 130 : i32
      %mul3A_1019 = arith.muli %add3A_1017, %mul3A_1018 : i32
      %add3A_1020 = arith.addi %mul3A_1019, %min3A_945 : i32
      %mul3A_1021 = arith.constant 264 : i32
      %mul3A_1022 = arith.muli %add3A_1020, %mul3A_1021 : i32
      %multiple_of3A_1023 = tpu.assume_multiple %mul3A_1022, 8 : i32
      %dma_wait3A_1024 = arith.constant 26400 : i32
      %dma_wait3A_1025 = tpu.memref_slice %arg8[%dma_wait3A_1024] : memref<90032xf32, #tpu.memory_space<vmem>> -> memref<5280xf32, #tpu.memory_space<vmem>>
      %dma_wait3A_1026 = tpu.memref_slice %arg2[%multiple_of3A_1023] : memref<4461600xf32, #tpu.memory_space<hbm>> -> memref<5280xf32, #tpu.memory_space<hbm>>
      %dma_wait3A_1027 = arith.constant 26400 : i32
      %dma_wait3A_1028 = tpu.memref_slice %arg8[%dma_wait3A_1027] : memref<90032xf32, #tpu.memory_space<vmem>> -> memref<5280xf32, #tpu.memory_space<vmem>>
      %dma_wait3A_1029 = tpu.memref_slice %arg2[%multiple_of3A_1023] : memref<4461600xf32, #tpu.memory_space<hbm>> -> memref<5280xf32, #tpu.memory_space<hbm>>
      tpu.wait_dma2 semaphore(%arg21 : memref<!tpu.dma_semaphore, #tpu.memory_space<semaphore_mem>>) src(%dma_wait3A_1029 : memref<5280xf32, #tpu.memory_space<hbm>>) dst(%dma_wait3A_1028 : memref<5280xf32, #tpu.memory_space<vmem>>)
      %add3A_1030 = arith.constant 6 : i32
      %add3A_1031 = arith.addi %min3A_939, %add3A_1030 : i32
      %mul3A_1032 = arith.constant 130 : i32
      %mul3A_1033 = arith.muli %add3A_1031, %mul3A_1032 : i32
      %add3A_1034 = arith.addi %mul3A_1033, %min3A_945 : i32
      %mul3A_1035 = arith.constant 264 : i32
      %mul3A_1036 = arith.muli %add3A_1034, %mul3A_1035 : i32
      %multiple_of3A_1037 = tpu.assume_multiple %mul3A_1036, 8 : i32
      %dma_wait3A_1038 = arith.constant 31680 : i32
      %dma_wait3A_1039 = tpu.memref_slice %arg8[%dma_wait3A_1038] : memref<90032xf32, #tpu.memory_space<vmem>> -> memref<5280xf32, #tpu.memory_space<vmem>>
      %dma_wait3A_1040 = tpu.memref_slice %arg2[%multiple_of3A_1037] : memref<4461600xf32, #tpu.memory_space<hbm>> -> memref<5280xf32, #tpu.memory_space<hbm>>
      %dma_wait3A_1041 = arith.constant 31680 : i32
      %dma_wait3A_1042 = tpu.memref_slice %arg8[%dma_wait3A_1041] : memref<90032xf32, #tpu.memory_space<vmem>> -> memref<5280xf32, #tpu.memory_space<vmem>>
      %dma_wait3A_1043 = tpu.memref_slice %arg2[%multiple_of3A_1037] : memref<4461600xf32, #tpu.memory_space<hbm>> -> memref<5280xf32, #tpu.memory_space<hbm>>
      tpu.wait_dma2 semaphore(%arg21 : memref<!tpu.dma_semaphore, #tpu.memory_space<semaphore_mem>>) src(%dma_wait3A_1043 : memref<5280xf32, #tpu.memory_space<hbm>>) dst(%dma_wait3A_1042 : memref<5280xf32, #tpu.memory_space<vmem>>)
      %add3A_1044 = arith.constant 7 : i32
      %add3A_1045 = arith.addi %min3A_939, %add3A_1044 : i32
      %mul3A_1046 = arith.constant 130 : i32
      %mul3A_1047 = arith.muli %add3A_1045, %mul3A_1046 : i32
      %add3A_1048 = arith.addi %mul3A_1047, %min3A_945 : i32
      %mul3A_1049 = arith.constant 264 : i32
      %mul3A_1050 = arith.muli %add3A_1048, %mul3A_1049 : i32
      %multiple_of3A_1051 = tpu.assume_multiple %mul3A_1050, 8 : i32
      %dma_wait3A_1052 = arith.constant 36960 : i32
      %dma_wait3A_1053 = tpu.memref_slice %arg8[%dma_wait3A_1052] : memref<90032xf32, #tpu.memory_space<vmem>> -> memref<5280xf32, #tpu.memory_space<vmem>>
      %dma_wait3A_1054 = tpu.memref_slice %arg2[%multiple_of3A_1051] : memref<4461600xf32, #tpu.memory_space<hbm>> -> memref<5280xf32, #tpu.memory_space<hbm>>
      %dma_wait3A_1055 = arith.constant 36960 : i32
      %dma_wait3A_1056 = tpu.memref_slice %arg8[%dma_wait3A_1055] : memref<90032xf32, #tpu.memory_space<vmem>> -> memref<5280xf32, #tpu.memory_space<vmem>>
      %dma_wait3A_1057 = tpu.memref_slice %arg2[%multiple_of3A_1051] : memref<4461600xf32, #tpu.memory_space<hbm>> -> memref<5280xf32, #tpu.memory_space<hbm>>
      tpu.wait_dma2 semaphore(%arg21 : memref<!tpu.dma_semaphore, #tpu.memory_space<semaphore_mem>>) src(%dma_wait3A_1057 : memref<5280xf32, #tpu.memory_space<hbm>>) dst(%dma_wait3A_1056 : memref<5280xf32, #tpu.memory_space<vmem>>)
      %add3A_1058 = arith.constant 8 : i32
      %add3A_1059 = arith.addi %min3A_939, %add3A_1058 : i32
      %mul3A_1060 = arith.constant 130 : i32
      %mul3A_1061 = arith.muli %add3A_1059, %mul3A_1060 : i32
      %add3A_1062 = arith.addi %mul3A_1061, %min3A_945 : i32
      %mul3A_1063 = arith.constant 264 : i32
      %mul3A_1064 = arith.muli %add3A_1062, %mul3A_1063 : i32
      %multiple_of3A_1065 = tpu.assume_multiple %mul3A_1064, 8 : i32
      %dma_wait3A_1066 = arith.constant 42240 : i32
      %dma_wait3A_1067 = tpu.memref_slice %arg8[%dma_wait3A_1066] : memref<90032xf32, #tpu.memory_space<vmem>> -> memref<5280xf32, #tpu.memory_space<vmem>>
      %dma_wait3A_1068 = tpu.memref_slice %arg2[%multiple_of3A_1065] : memref<4461600xf32, #tpu.memory_space<hbm>> -> memref<5280xf32, #tpu.memory_space<hbm>>
      %dma_wait3A_1069 = arith.constant 42240 : i32
      %dma_wait3A_1070 = tpu.memref_slice %arg8[%dma_wait3A_1069] : memref<90032xf32, #tpu.memory_space<vmem>> -> memref<5280xf32, #tpu.memory_space<vmem>>
      %dma_wait3A_1071 = tpu.memref_slice %arg2[%multiple_of3A_1065] : memref<4461600xf32, #tpu.memory_space<hbm>> -> memref<5280xf32, #tpu.memory_space<hbm>>
      tpu.wait_dma2 semaphore(%arg21 : memref<!tpu.dma_semaphore, #tpu.memory_space<semaphore_mem>>) src(%dma_wait3A_1071 : memref<5280xf32, #tpu.memory_space<hbm>>) dst(%dma_wait3A_1070 : memref<5280xf32, #tpu.memory_space<vmem>>)
      %add3A_1072 = arith.constant 9 : i32
      %add3A_1073 = arith.addi %min3A_939, %add3A_1072 : i32
      %mul3A_1074 = arith.constant 130 : i32
      %mul3A_1075 = arith.muli %add3A_1073, %mul3A_1074 : i32
      %add3A_1076 = arith.addi %mul3A_1075, %min3A_945 : i32
      %mul3A_1077 = arith.constant 264 : i32
      %mul3A_1078 = arith.muli %add3A_1076, %mul3A_1077 : i32
      %multiple_of3A_1079 = tpu.assume_multiple %mul3A_1078, 8 : i32
      %dma_wait3A_1080 = arith.constant 47520 : i32
      %dma_wait3A_1081 = tpu.memref_slice %arg8[%dma_wait3A_1080] : memref<90032xf32, #tpu.memory_space<vmem>> -> memref<5280xf32, #tpu.memory_space<vmem>>
      %dma_wait3A_1082 = tpu.memref_slice %arg2[%multiple_of3A_1079] : memref<4461600xf32, #tpu.memory_space<hbm>> -> memref<5280xf32, #tpu.memory_space<hbm>>
      %dma_wait3A_1083 = arith.constant 47520 : i32
      %dma_wait3A_1084 = tpu.memref_slice %arg8[%dma_wait3A_1083] : memref<90032xf32, #tpu.memory_space<vmem>> -> memref<5280xf32, #tpu.memory_space<vmem>>
      %dma_wait3A_1085 = tpu.memref_slice %arg2[%multiple_of3A_1079] : memref<4461600xf32, #tpu.memory_space<hbm>> -> memref<5280xf32, #tpu.memory_space<hbm>>
      tpu.wait_dma2 semaphore(%arg21 : memref<!tpu.dma_semaphore, #tpu.memory_space<semaphore_mem>>) src(%dma_wait3A_1085 : memref<5280xf32, #tpu.memory_space<hbm>>) dst(%dma_wait3A_1084 : memref<5280xf32, #tpu.memory_space<vmem>>)
      %add3A_1086 = arith.constant 10 : i32
      %add3A_1087 = arith.addi %min3A_939, %add3A_1086 : i32
      %mul3A_1088 = arith.constant 130 : i32
      %mul3A_1089 = arith.muli %add3A_1087, %mul3A_1088 : i32
      %add3A_1090 = arith.addi %mul3A_1089, %min3A_945 : i32
      %mul3A_1091 = arith.constant 264 : i32
      %mul3A_1092 = arith.muli %add3A_1090, %mul3A_1091 : i32
      %multiple_of3A_1093 = tpu.assume_multiple %mul3A_1092, 8 : i32
      %dma_wait3A_1094 = arith.constant 52800 : i32
      %dma_wait3A_1095 = tpu.memref_slice %arg8[%dma_wait3A_1094] : memref<90032xf32, #tpu.memory_space<vmem>> -> memref<5280xf32, #tpu.memory_space<vmem>>
      %dma_wait3A_1096 = tpu.memref_slice %arg2[%multiple_of3A_1093] : memref<4461600xf32, #tpu.memory_space<hbm>> -> memref<5280xf32, #tpu.memory_space<hbm>>
      %dma_wait3A_1097 = arith.constant 52800 : i32
      %dma_wait3A_1098 = tpu.memref_slice %arg8[%dma_wait3A_1097] : memref<90032xf32, #tpu.memory_space<vmem>> -> memref<5280xf32, #tpu.memory_space<vmem>>
      %dma_wait3A_1099 = tpu.memref_slice %arg2[%multiple_of3A_1093] : memref<4461600xf32, #tpu.memory_space<hbm>> -> memref<5280xf32, #tpu.memory_space<hbm>>
      tpu.wait_dma2 semaphore(%arg21 : memref<!tpu.dma_semaphore, #tpu.memory_space<semaphore_mem>>) src(%dma_wait3A_1099 : memref<5280xf32, #tpu.memory_space<hbm>>) dst(%dma_wait3A_1098 : memref<5280xf32, #tpu.memory_space<vmem>>)
      %add3A_1100 = arith.constant 11 : i32
      %add3A_1101 = arith.addi %min3A_939, %add3A_1100 : i32
      %mul3A_1102 = arith.constant 130 : i32
      %mul3A_1103 = arith.muli %add3A_1101, %mul3A_1102 : i32
      %add3A_1104 = arith.addi %mul3A_1103, %min3A_945 : i32
      %mul3A_1105 = arith.constant 264 : i32
      %mul3A_1106 = arith.muli %add3A_1104, %mul3A_1105 : i32
      %multiple_of3A_1107 = tpu.assume_multiple %mul3A_1106, 8 : i32
      %dma_wait3A_1108 = arith.constant 58080 : i32
      %dma_wait3A_1109 = tpu.memref_slice %arg8[%dma_wait3A_1108] : memref<90032xf32, #tpu.memory_space<vmem>> -> memref<5280xf32, #tpu.memory_space<vmem>>
      %dma_wait3A_1110 = tpu.memref_slice %arg2[%multiple_of3A_1107] : memref<4461600xf32, #tpu.memory_space<hbm>> -> memref<5280xf32, #tpu.memory_space<hbm>>
      %dma_wait3A_1111 = arith.constant 58080 : i32
      %dma_wait3A_1112 = tpu.memref_slice %arg8[%dma_wait3A_1111] : memref<90032xf32, #tpu.memory_space<vmem>> -> memref<5280xf32, #tpu.memory_space<vmem>>
      %dma_wait3A_1113 = tpu.memref_slice %arg2[%multiple_of3A_1107] : memref<4461600xf32, #tpu.memory_space<hbm>> -> memref<5280xf32, #tpu.memory_space<hbm>>
      tpu.wait_dma2 semaphore(%arg21 : memref<!tpu.dma_semaphore, #tpu.memory_space<semaphore_mem>>) src(%dma_wait3A_1113 : memref<5280xf32, #tpu.memory_space<hbm>>) dst(%dma_wait3A_1112 : memref<5280xf32, #tpu.memory_space<vmem>>)
      %add3A_1114 = arith.constant 12 : i32
      %add3A_1115 = arith.addi %min3A_939, %add3A_1114 : i32
      %mul3A_1116 = arith.constant 130 : i32
      %mul3A_1117 = arith.muli %add3A_1115, %mul3A_1116 : i32
      %add3A_1118 = arith.addi %mul3A_1117, %min3A_945 : i32
      %mul3A_1119 = arith.constant 264 : i32
      %mul3A_1120 = arith.muli %add3A_1118, %mul3A_1119 : i32
      %multiple_of3A_1121 = tpu.assume_multiple %mul3A_1120, 8 : i32
      %dma_wait3A_1122 = arith.constant 63360 : i32
      %dma_wait3A_1123 = tpu.memref_slice %arg8[%dma_wait3A_1122] : memref<90032xf32, #tpu.memory_space<vmem>> -> memref<5280xf32, #tpu.memory_space<vmem>>
      %dma_wait3A_1124 = tpu.memref_slice %arg2[%multiple_of3A_1121] : memref<4461600xf32, #tpu.memory_space<hbm>> -> memref<5280xf32, #tpu.memory_space<hbm>>
      %dma_wait3A_1125 = arith.constant 63360 : i32
      %dma_wait3A_1126 = tpu.memref_slice %arg8[%dma_wait3A_1125] : memref<90032xf32, #tpu.memory_space<vmem>> -> memref<5280xf32, #tpu.memory_space<vmem>>
      %dma_wait3A_1127 = tpu.memref_slice %arg2[%multiple_of3A_1121] : memref<4461600xf32, #tpu.memory_space<hbm>> -> memref<5280xf32, #tpu.memory_space<hbm>>
      tpu.wait_dma2 semaphore(%arg21 : memref<!tpu.dma_semaphore, #tpu.memory_space<semaphore_mem>>) src(%dma_wait3A_1127 : memref<5280xf32, #tpu.memory_space<hbm>>) dst(%dma_wait3A_1126 : memref<5280xf32, #tpu.memory_space<vmem>>)
      %add3A_1128 = arith.constant 13 : i32
      %add3A_1129 = arith.addi %min3A_939, %add3A_1128 : i32
      %mul3A_1130 = arith.constant 130 : i32
      %mul3A_1131 = arith.muli %add3A_1129, %mul3A_1130 : i32
      %add3A_1132 = arith.addi %mul3A_1131, %min3A_945 : i32
      %mul3A_1133 = arith.constant 264 : i32
      %mul3A_1134 = arith.muli %add3A_1132, %mul3A_1133 : i32
      %multiple_of3A_1135 = tpu.assume_multiple %mul3A_1134, 8 : i32
      %dma_wait3A_1136 = arith.constant 68640 : i32
      %dma_wait3A_1137 = tpu.memref_slice %arg8[%dma_wait3A_1136] : memref<90032xf32, #tpu.memory_space<vmem>> -> memref<5280xf32, #tpu.memory_space<vmem>>
      %dma_wait3A_1138 = tpu.memref_slice %arg2[%multiple_of3A_1135] : memref<4461600xf32, #tpu.memory_space<hbm>> -> memref<5280xf32, #tpu.memory_space<hbm>>
      %dma_wait3A_1139 = arith.constant 68640 : i32
      %dma_wait3A_1140 = tpu.memref_slice %arg8[%dma_wait3A_1139] : memref<90032xf32, #tpu.memory_space<vmem>> -> memref<5280xf32, #tpu.memory_space<vmem>>
      %dma_wait3A_1141 = tpu.memref_slice %arg2[%multiple_of3A_1135] : memref<4461600xf32, #tpu.memory_space<hbm>> -> memref<5280xf32, #tpu.memory_space<hbm>>
      tpu.wait_dma2 semaphore(%arg21 : memref<!tpu.dma_semaphore, #tpu.memory_space<semaphore_mem>>) src(%dma_wait3A_1141 : memref<5280xf32, #tpu.memory_space<hbm>>) dst(%dma_wait3A_1140 : memref<5280xf32, #tpu.memory_space<vmem>>)
      %add3A_1142 = arith.constant 14 : i32
      %add3A_1143 = arith.addi %min3A_939, %add3A_1142 : i32
      %mul3A_1144 = arith.constant 130 : i32
      %mul3A_1145 = arith.muli %add3A_1143, %mul3A_1144 : i32
      %add3A_1146 = arith.addi %mul3A_1145, %min3A_945 : i32
      %mul3A_1147 = arith.constant 264 : i32
      %mul3A_1148 = arith.muli %add3A_1146, %mul3A_1147 : i32
      %multiple_of3A_1149 = tpu.assume_multiple %mul3A_1148, 8 : i32
      %dma_wait3A_1150 = arith.constant 73920 : i32
      %dma_wait3A_1151 = tpu.memref_slice %arg8[%dma_wait3A_1150] : memref<90032xf32, #tpu.memory_space<vmem>> -> memref<5280xf32, #tpu.memory_space<vmem>>
      %dma_wait3A_1152 = tpu.memref_slice %arg2[%multiple_of3A_1149] : memref<4461600xf32, #tpu.memory_space<hbm>> -> memref<5280xf32, #tpu.memory_space<hbm>>
      %dma_wait3A_1153 = arith.constant 73920 : i32
      %dma_wait3A_1154 = tpu.memref_slice %arg8[%dma_wait3A_1153] : memref<90032xf32, #tpu.memory_space<vmem>> -> memref<5280xf32, #tpu.memory_space<vmem>>
      %dma_wait3A_1155 = tpu.memref_slice %arg2[%multiple_of3A_1149] : memref<4461600xf32, #tpu.memory_space<hbm>> -> memref<5280xf32, #tpu.memory_space<hbm>>
      tpu.wait_dma2 semaphore(%arg21 : memref<!tpu.dma_semaphore, #tpu.memory_space<semaphore_mem>>) src(%dma_wait3A_1155 : memref<5280xf32, #tpu.memory_space<hbm>>) dst(%dma_wait3A_1154 : memref<5280xf32, #tpu.memory_space<vmem>>)
      %add3A_1156 = arith.constant 15 : i32
      %add3A_1157 = arith.addi %min3A_939, %add3A_1156 : i32
      %mul3A_1158 = arith.constant 130 : i32
      %mul3A_1159 = arith.muli %add3A_1157, %mul3A_1158 : i32
      %add3A_1160 = arith.addi %mul3A_1159, %min3A_945 : i32
      %mul3A_1161 = arith.constant 264 : i32
      %mul3A_1162 = arith.muli %add3A_1160, %mul3A_1161 : i32
      %multiple_of3A_1163 = tpu.assume_multiple %mul3A_1162, 8 : i32
      %dma_wait3A_1164 = arith.constant 79200 : i32
      %dma_wait3A_1165 = tpu.memref_slice %arg8[%dma_wait3A_1164] : memref<90032xf32, #tpu.memory_space<vmem>> -> memref<5280xf32, #tpu.memory_space<vmem>>
      %dma_wait3A_1166 = tpu.memref_slice %arg2[%multiple_of3A_1163] : memref<4461600xf32, #tpu.memory_space<hbm>> -> memref<5280xf32, #tpu.memory_space<hbm>>
      %dma_wait3A_1167 = arith.constant 79200 : i32
      %dma_wait3A_1168 = tpu.memref_slice %arg8[%dma_wait3A_1167] : memref<90032xf32, #tpu.memory_space<vmem>> -> memref<5280xf32, #tpu.memory_space<vmem>>
      %dma_wait3A_1169 = tpu.memref_slice %arg2[%multiple_of3A_1163] : memref<4461600xf32, #tpu.memory_space<hbm>> -> memref<5280xf32, #tpu.memory_space<hbm>>
      tpu.wait_dma2 semaphore(%arg21 : memref<!tpu.dma_semaphore, #tpu.memory_space<semaphore_mem>>) src(%dma_wait3A_1169 : memref<5280xf32, #tpu.memory_space<hbm>>) dst(%dma_wait3A_1168 : memref<5280xf32, #tpu.memory_space<vmem>>)
      %mul3A_1170 = arith.constant 16 : i32
      %mul3A_1171 = arith.muli %add3A, %mul3A_1170 : i32
      %add3A_1172 = arith.addi %mul3A_1171, %scan3A_384 : i32
      %shift_right_logical3A_1173 = arith.constant 4 : i32
      %shift_right_logical3A_1174 = arith.shrui %add3A_1172, %shift_right_logical3A_1173 : i32
      %and3A_1175 = arith.constant 15 : i32
      %and3A_1176 = arith.andi %add3A_1172, %and3A_1175 : i32
      %mul3A_1177 = arith.constant 4 : i32
      %mul3A_1178 = arith.muli %shift_right_logical3A_1174, %mul3A_1177 : i32
      %mul3A_1179 = arith.constant 8 : i32
      %mul3A_1180 = arith.muli %and3A_1176, %mul3A_1179 : i32
      %sub3A_1181 = arith.constant 5 : i32
      %sub3A_1182 = arith.subi %mul3A_1178, %sub3A_1181 : i32
      %max3A_1183 = arith.constant 0 : i32
      %max3A_1184 = arith.maxsi %sub3A_1182, %max3A_1183 : i32
      %min3A_1185 = arith.constant 114 : i32
      %min3A_1186 = arith.minsi %max3A_1184, %min3A_1185 : i32
      %sub3A_1187 = arith.constant 5 : i32
      %sub3A_1188 = arith.subi %mul3A_1180, %sub3A_1187 : i32
      %max3A_1189 = arith.constant 0 : i32
      %max3A_1190 = arith.maxsi %sub3A_1188, %max3A_1189 : i32
      %min3A_1191 = arith.constant 110 : i32
      %min3A_1192 = arith.minsi %max3A_1190, %min3A_1191 : i32
      %scan3A_1193 = arith.constant 0 : i32
      %scan3A_1194 = arith.constant 0 : i32
      %scan3A_1195 = arith.constant 256 : i32
      %scan3A_1196 = arith.addi %scan3A_1194, %scan3A_1195 : i32
      %scan3A_1197 = arith.constant 1 : i32
      scf.for %scan3A_1314 = %scan3A_1194 to %scan3A_1196 step %scan3A_1197  : i32 {
        %mul3A_1315 = arith.constant 16 : i32
        %mul3A_1316 = arith.muli %scan3A_1314, %mul3A_1315 : i32
        %get3A = arith.index_cast %mul3A_1316 : i32 to index
        %get3A_1317 = tpu.vector_load %arg15[%get3A] {strides = array<i32>} : memref<4096xi32, #tpu.memory_space<vmem>>, vector<16xi32>,
        %and3A_1318 = arith.constant 255 : i32
        %and3A_1319 = vector.broadcast %and3A_1318 : i32 to vector<16xi32>
        %and3A_1320 = arith.andi %get3A_1317, %and3A_1319 : vector<16xi32>
        %shift_right_logical3A_1321 = arith.constant 8 : i32
        %shift_right_logical3A_1322 = vector.broadcast %shift_right_logical3A_1321 : i32 to vector<16xi32>
        %shift_right_logical3A_1323 = arith.shrui %get3A_1317, %shift_right_logical3A_1322 : vector<16xi32>
        %and3A_1324 = arith.constant 255 : i32
        %and3A_1325 = vector.broadcast %and3A_1324 : i32 to vector<16xi32>
        %and3A_1326 = arith.andi %shift_right_logical3A_1323, %and3A_1325 : vector<16xi32>
        %shift_right_logical3A_1327 = arith.constant 16 : i32
        %shift_right_logical3A_1328 = vector.broadcast %shift_right_logical3A_1327 : i32 to vector<16xi32>
        %shift_right_logical3A_1329 = arith.shrui %get3A_1317, %shift_right_logical3A_1328 : vector<16xi32>
        %and3A_1330 = arith.constant 255 : i32
        %and3A_1331 = vector.broadcast %and3A_1330 : i32 to vector<16xi32>
        %and3A_1332 = arith.andi %shift_right_logical3A_1329, %and3A_1331 : vector<16xi32>
        %shift_right_logical3A_1333 = arith.constant 24 : i32
        %shift_right_logical3A_1334 = vector.broadcast %shift_right_logical3A_1333 : i32 to vector<16xi32>
        %shift_right_logical3A_1335 = arith.shrui %get3A_1317, %shift_right_logical3A_1334 : vector<16xi32>
        %and3A_1336 = arith.constant 1 : i32
        %and3A_1337 = vector.broadcast %and3A_1336 : i32 to vector<16xi32>
        %and3A_1338 = arith.andi %shift_right_logical3A_1335, %and3A_1337 : vector<16xi32>
        %shift_right_logical3A_1339 = arith.constant 25 : i32
        %shift_right_logical3A_1340 = vector.broadcast %shift_right_logical3A_1339 : i32 to vector<16xi32>
        %shift_right_logical3A_1341 = arith.shrui %get3A_1317, %shift_right_logical3A_1340 : vector<16xi32>
        %and3A_1342 = arith.constant 1 : i32
        %and3A_1343 = vector.broadcast %and3A_1342 : i32 to vector<16xi32>
        %and3A_1344 = arith.andi %shift_right_logical3A_1341, %and3A_1343 : vector<16xi32>
        %shift_right_logical3A_1345 = arith.constant 26 : i32
        %shift_right_logical3A_1346 = vector.broadcast %shift_right_logical3A_1345 : i32 to vector<16xi32>
        %shift_right_logical3A_1347 = arith.shrui %get3A_1317, %shift_right_logical3A_1346 : vector<16xi32>
        %and3A_1348 = arith.constant 1 : i32
        %and3A_1349 = vector.broadcast %and3A_1348 : i32 to vector<16xi32>
        %and3A_1350 = arith.andi %shift_right_logical3A_1347, %and3A_1349 : vector<16xi32>
        %sub3A_1351 = vector.broadcast %min3A_1186 : i32 to vector<16xi32>
        %sub3A_1352 = arith.subi %and3A_1320, %sub3A_1351 : vector<16xi32>
        %max3A_1353 = arith.constant 0 : i32
        %max3A_1354 = vector.broadcast %max3A_1353 : i32 to vector<16xi32>
        %max3A_1355 = arith.maxsi %sub3A_1352, %max3A_1354 : vector<16xi32>
        %min3A_1356 = arith.constant 15 : i32
        %min3A_1357 = vector.broadcast %min3A_1356 : i32 to vector<16xi32>
        %min3A_1358 = arith.minsi %max3A_1355, %min3A_1357 : vector<16xi32>
        %sub3A_1359 = vector.broadcast %min3A_1192 : i32 to vector<16xi32>
        %sub3A_1360 = arith.subi %and3A_1326, %sub3A_1359 : vector<16xi32>
        %max3A_1361 = arith.constant 0 : i32
        %max3A_1362 = vector.broadcast %max3A_1361 : i32 to vector<16xi32>
        %max3A_1363 = arith.maxsi %sub3A_1360, %max3A_1362 : vector<16xi32>
        %min3A_1364 = arith.constant 19 : i32
        %min3A_1365 = vector.broadcast %min3A_1364 : i32 to vector<16xi32>
        %min3A_1366 = arith.minsi %max3A_1363, %min3A_1365 : vector<16xi32>
        %mul3A_1367 = arith.constant 20 : i32
        %mul3A_1368 = vector.broadcast %mul3A_1367 : i32 to vector<16xi32>
        %mul3A_1369 = arith.muli %min3A_1358, %mul3A_1368 : vector<16xi32>
        %add3A_1370 = arith.addi %mul3A_1369, %min3A_1366 : vector<16xi32>
        %mul3A_1371 = arith.constant 264 : i32
        %mul3A_1372 = vector.broadcast %mul3A_1371 : i32 to vector<16xi32>
        %mul3A_1373 = arith.muli %add3A_1370, %mul3A_1372 : vector<16xi32>
        %shift_left3A = arith.constant 1 : i32
        %shift_left3A_1374 = vector.broadcast %shift_left3A : i32 to vector<16xi32>
        %shift_left3A_1375 = arith.shli %and3A_1332, %shift_left3A_1374 : vector<16xi32>
        %add3A_1376 = arith.addi %mul3A_1373, %shift_left3A_1375 : vector<16xi32>
        %mul3A_1377 = arith.constant 5280 : i32
        %mul3A_1378 = vector.broadcast %mul3A_1377 : i32 to vector<16xi32>
        %mul3A_1379 = arith.muli %and3A_1344, %mul3A_1378 : vector<16xi32>
        %mul3A_1380 = arith.constant 264 : i32
        %mul3A_1381 = vector.broadcast %mul3A_1380 : i32 to vector<16xi32>
        %mul3A_1382 = arith.muli %and3A_1338, %mul3A_1381 : vector<16xi32>
        %shift_left3A_1383 = arith.constant 1 : i32
        %shift_left3A_1384 = vector.broadcast %shift_left3A_1383 : i32 to vector<16xi32>
        %shift_left3A_1385 = arith.shli %and3A_1350, %shift_left3A_1384 : vector<16xi32>
        %add3A_1386 = arith.addi %add3A_1376, %mul3A_1379 : vector<16xi32>
        %add3A_1387 = arith.addi %add3A_1376, %mul3A_1382 : vector<16xi32>
        %add3A_1388 = arith.addi %add3A_1376, %mul3A_1379 : vector<16xi32>
        %add3A_1389 = arith.addi %add3A_1388, %mul3A_1382 : vector<16xi32>
        %get3A_1390 = arith.index_cast %mul3A_1316 : i32 to index
        %get3A_1391 = tpu.vector_load %arg12[%get3A_1390] {strides = array<i32>} : memref<4096xf32, #tpu.memory_space<vmem>>, vector<16xf32>,
        %get3A_1392 = arith.index_cast %mul3A_1316 : i32 to index
        %get3A_1393 = tpu.vector_load %arg13[%get3A_1392] {strides = array<i32>} : memref<4096xf32, #tpu.memory_space<vmem>>, vector<16xf32>,
        %get3A_1394 = arith.index_cast %mul3A_1316 : i32 to index
        %get3A_1395 = tpu.vector_load %arg14[%get3A_1394] {strides = array<i32>} : memref<4096xf32, #tpu.memory_space<vmem>>, vector<16xf32>,
        %sub3A_1396 = arith.constant 1.000000e+00 : f32
        %sub3A_1397 = vector.broadcast %sub3A_1396 : f32 to vector<16xf32>
        %sub3A_1398 = arith.subf %sub3A_1397, %get3A_1391 : vector<16xf32>
        %sub3A_1399 = arith.constant 1.000000e+00 : f32
        %sub3A_1400 = vector.broadcast %sub3A_1399 : f32 to vector<16xf32>
        %sub3A_1401 = arith.subf %sub3A_1400, %get3A_1393 : vector<16xf32>
        %sub3A_1402 = arith.constant 1.000000e+00 : f32
        %sub3A_1403 = vector.broadcast %sub3A_1402 : f32 to vector<16xf32>
        %sub3A_1404 = arith.subf %sub3A_1403, %get3A_1395 : vector<16xf32>
        %mul3A_1405 = arith.mulf %get3A_1391, %get3A_1393 : vector<16xf32>
        %mul3A_1406 = arith.mulf %get3A_1391, %sub3A_1401 : vector<16xf32>
        %mul3A_1407 = arith.mulf %sub3A_1398, %get3A_1393 : vector<16xf32>
        %mul3A_1408 = arith.mulf %sub3A_1398, %sub3A_1401 : vector<16xf32>
        %broadcast_in_dim3A_1409 = arith.constant 0.000000e+00 : f32
        %broadcast_in_dim3A_1410 = vector.broadcast %broadcast_in_dim3A_1409 : f32 to vector<16xf32>
        %broadcast_in_dim3A_1411 = arith.constant 0.000000e+00 : f32
        %broadcast_in_dim3A_1412 = vector.broadcast %broadcast_in_dim3A_1411 : f32 to vector<16xf32>
        %gather3A = tpu.vector_load_idx %arg8[%add3A_1376] : memref<90032xf32, #tpu.memory_space<vmem>>[vector<16xi32>], vector<16xf32>,
        %add3A_1413 = arith.constant 1 : i32
        %add3A_1414 = vector.broadcast %add3A_1413 : i32 to vector<16xi32>
        %add3A_1415 = arith.addi %add3A_1376, %add3A_1414 : vector<16xi32>
        %gather3A_1416 = tpu.vector_load_idx %arg8[%add3A_1415] : memref<90032xf32, #tpu.memory_space<vmem>>[vector<16xi32>], vector<16xf32>,
        %add3A_1417 = arith.addi %add3A_1376, %shift_left3A_1385 : vector<16xi32>
        %gather3A_1418 = tpu.vector_load_idx %arg8[%add3A_1417] : memref<90032xf32, #tpu.memory_space<vmem>>[vector<16xi32>], vector<16xf32>,
        %add3A_1419 = arith.addi %add3A_1376, %shift_left3A_1385 : vector<16xi32>
        %add3A_1420 = arith.constant 1 : i32
        %add3A_1421 = vector.broadcast %add3A_1420 : i32 to vector<16xi32>
        %add3A_1422 = arith.addi %add3A_1419, %add3A_1421 : vector<16xi32>
        %gather3A_1423 = tpu.vector_load_idx %arg8[%add3A_1422] : memref<90032xf32, #tpu.memory_space<vmem>>[vector<16xi32>], vector<16xf32>,
        %mul3A_1424 = arith.mulf %get3A_1395, %mul3A_1405 : vector<16xf32>
        %mul3A_1425 = arith.mulf %sub3A_1404, %mul3A_1405 : vector<16xf32>
        %mul3A_1426 = arith.mulf %mul3A_1424, %gather3A : vector<16xf32>
        %mul3A_1427 = arith.mulf %mul3A_1425, %gather3A_1418 : vector<16xf32>
        %add3A_1428 = arith.addf %mul3A_1426, %mul3A_1427 : vector<16xf32>
        %add3A_1429 = arith.addf %broadcast_in_dim3A_1410, %add3A_1428 : vector<16xf32>
        %mul3A_1430 = arith.mulf %mul3A_1424, %gather3A_1416 : vector<16xf32>
        %mul3A_1431 = arith.mulf %mul3A_1425, %gather3A_1423 : vector<16xf32>
        %add3A_1432 = arith.addf %mul3A_1430, %mul3A_1431 : vector<16xf32>
        %add3A_1433 = arith.addf %broadcast_in_dim3A_1412, %add3A_1432 : vector<16xf32>
        %gather3A_1434 = tpu.vector_load_idx %arg8[%add3A_1386] : memref<90032xf32, #tpu.memory_space<vmem>>[vector<16xi32>], vector<16xf32>,
        %add3A_1435 = arith.constant 1 : i32
        %add3A_1436 = vector.broadcast %add3A_1435 : i32 to vector<16xi32>
        %add3A_1437 = arith.addi %add3A_1386, %add3A_1436 : vector<16xi32>
        %gather3A_1438 = tpu.vector_load_idx %arg8[%add3A_1437] : memref<90032xf32, #tpu.memory_space<vmem>>[vector<16xi32>], vector<16xf32>,
        %add3A_1439 = arith.addi %add3A_1386, %shift_left3A_1385 : vector<16xi32>
        %gather3A_1440 = tpu.vector_load_idx %arg8[%add3A_1439] : memref<90032xf32, #tpu.memory_space<vmem>>[vector<16xi32>], vector<16xf32>,
        %add3A_1441 = arith.addi %add3A_1386, %shift_left3A_1385 : vector<16xi32>
        %add3A_1442 = arith.constant 1 : i32
        %add3A_1443 = vector.broadcast %add3A_1442 : i32 to vector<16xi32>
        %add3A_1444 = arith.addi %add3A_1441, %add3A_1443 : vector<16xi32>
        %gather3A_1445 = tpu.vector_load_idx %arg8[%add3A_1444] : memref<90032xf32, #tpu.memory_space<vmem>>[vector<16xi32>], vector<16xf32>,
        %mul3A_1446 = arith.mulf %get3A_1395, %mul3A_1406 : vector<16xf32>
        %mul3A_1447 = arith.mulf %sub3A_1404, %mul3A_1406 : vector<16xf32>
        %mul3A_1448 = arith.mulf %mul3A_1446, %gather3A_1434 : vector<16xf32>
        %mul3A_1449 = arith.mulf %mul3A_1447, %gather3A_1440 : vector<16xf32>
        %add3A_1450 = arith.addf %mul3A_1448, %mul3A_1449 : vector<16xf32>
        %add3A_1451 = arith.addf %add3A_1429, %add3A_1450 : vector<16xf32>
        %mul3A_1452 = arith.mulf %mul3A_1446, %gather3A_1438 : vector<16xf32>
        %mul3A_1453 = arith.mulf %mul3A_1447, %gather3A_1445 : vector<16xf32>
        %add3A_1454 = arith.addf %mul3A_1452, %mul3A_1453 : vector<16xf32>
        %add3A_1455 = arith.addf %add3A_1433, %add3A_1454 : vector<16xf32>
        %gather3A_1456 = tpu.vector_load_idx %arg8[%add3A_1387] : memref<90032xf32, #tpu.memory_space<vmem>>[vector<16xi32>], vector<16xf32>,
        %add3A_1457 = arith.constant 1 : i32
        %add3A_1458 = vector.broadcast %add3A_1457 : i32 to vector<16xi32>
        %add3A_1459 = arith.addi %add3A_1387, %add3A_1458 : vector<16xi32>
        %gather3A_1460 = tpu.vector_load_idx %arg8[%add3A_1459] : memref<90032xf32, #tpu.memory_space<vmem>>[vector<16xi32>], vector<16xf32>,
        %add3A_1461 = arith.addi %add3A_1387, %shift_left3A_1385 : vector<16xi32>
        %gather3A_1462 = tpu.vector_load_idx %arg8[%add3A_1461] : memref<90032xf32, #tpu.memory_space<vmem>>[vector<16xi32>], vector<16xf32>,
        %add3A_1463 = arith.addi %add3A_1387, %shift_left3A_1385 : vector<16xi32>
        %add3A_1464 = arith.constant 1 : i32
        %add3A_1465 = vector.broadcast %add3A_1464 : i32 to vector<16xi32>
        %add3A_1466 = arith.addi %add3A_1463, %add3A_1465 : vector<16xi32>
        %gather3A_1467 = tpu.vector_load_idx %arg8[%add3A_1466] : memref<90032xf32, #tpu.memory_space<vmem>>[vector<16xi32>], vector<16xf32>,
        %mul3A_1468 = arith.mulf %get3A_1395, %mul3A_1407 : vector<16xf32>
        %mul3A_1469 = arith.mulf %sub3A_1404, %mul3A_1407 : vector<16xf32>
        %mul3A_1470 = arith.mulf %mul3A_1468, %gather3A_1456 : vector<16xf32>
        %mul3A_1471 = arith.mulf %mul3A_1469, %gather3A_1462 : vector<16xf32>
        %add3A_1472 = arith.addf %mul3A_1470, %mul3A_1471 : vector<16xf32>
        %add3A_1473 = arith.addf %add3A_1451, %add3A_1472 : vector<16xf32>
        %mul3A_1474 = arith.mulf %mul3A_1468, %gather3A_1460 : vector<16xf32>
        %mul3A_1475 = arith.mulf %mul3A_1469, %gather3A_1467 : vector<16xf32>
        %add3A_1476 = arith.addf %mul3A_1474, %mul3A_1475 : vector<16xf32>
        %add3A_1477 = arith.addf %add3A_1455, %add3A_1476 : vector<16xf32>
        %gather3A_1478 = tpu.vector_load_idx %arg8[%add3A_1389] : memref<90032xf32, #tpu.memory_space<vmem>>[vector<16xi32>], vector<16xf32>,
        %add3A_1479 = arith.constant 1 : i32
        %add3A_1480 = vector.broadcast %add3A_1479 : i32 to vector<16xi32>
        %add3A_1481 = arith.addi %add3A_1389, %add3A_1480 : vector<16xi32>
        %gather3A_1482 = tpu.vector_load_idx %arg8[%add3A_1481] : memref<90032xf32, #tpu.memory_space<vmem>>[vector<16xi32>], vector<16xf32>,
        %add3A_1483 = arith.addi %add3A_1389, %shift_left3A_1385 : vector<16xi32>
        %gather3A_1484 = tpu.vector_load_idx %arg8[%add3A_1483] : memref<90032xf32, #tpu.memory_space<vmem>>[vector<16xi32>], vector<16xf32>,
        %add3A_1485 = arith.addi %add3A_1389, %shift_left3A_1385 : vector<16xi32>
        %add3A_1486 = arith.constant 1 : i32
        %add3A_1487 = vector.broadcast %add3A_1486 : i32 to vector<16xi32>
        %add3A_1488 = arith.addi %add3A_1485, %add3A_1487 : vector<16xi32>
        %gather3A_1489 = tpu.vector_load_idx %arg8[%add3A_1488] : memref<90032xf32, #tpu.memory_space<vmem>>[vector<16xi32>], vector<16xf32>,
        %mul3A_1490 = arith.mulf %get3A_1395, %mul3A_1408 : vector<16xf32>
        %mul3A_1491 = arith.mulf %sub3A_1404, %mul3A_1408 : vector<16xf32>
        %mul3A_1492 = arith.mulf %mul3A_1490, %gather3A_1478 : vector<16xf32>
        %mul3A_1493 = arith.mulf %mul3A_1491, %gather3A_1484 : vector<16xf32>
        %add3A_1494 = arith.addf %mul3A_1492, %mul3A_1493 : vector<16xf32>
        %add3A_1495 = arith.addf %add3A_1473, %add3A_1494 : vector<16xf32>
        %mul3A_1496 = arith.mulf %mul3A_1490, %gather3A_1482 : vector<16xf32>
        %mul3A_1497 = arith.mulf %mul3A_1491, %gather3A_1489 : vector<16xf32>
        %add3A_1498 = arith.addf %mul3A_1496, %mul3A_1497 : vector<16xf32>
        %add3A_1499 = arith.addf %add3A_1477, %add3A_1498 : vector<16xf32>
        %swap3A = arith.index_cast %mul3A_1316 : i32 to index
        %swap3A_1500 = tpu.vector_load %arg16[%swap3A] {strides = array<i32>} : memref<4096xf32, #tpu.memory_space<vmem>>, vector<16xf32>,
        tpu.vector_store %arg16[%swap3A], %add3A_1495 {strides = array<i32>} : memref<4096xf32, #tpu.memory_space<vmem>>, vector<16xf32>,
        %swap3A_1501 = arith.index_cast %mul3A_1316 : i32 to index
        %swap3A_1502 = tpu.vector_load %arg17[%swap3A_1501] {strides = array<i32>} : memref<4096xf32, #tpu.memory_space<vmem>>, vector<16xf32>,
        tpu.vector_store %arg17[%swap3A_1501], %add3A_1499 {strides = array<i32>} : memref<4096xf32, #tpu.memory_space<vmem>>, vector<16xf32>,
      }
      %scan3A_1198 = arith.constant 256 : i32
      %reduce_max3A = arith.constant true
      %reduce_max3A_1199 = vector.broadcast %reduce_max3A : i1 to vector<16xi1>
      %reduce_max3A_1200 = arith.constant -2147483648 : i32
      %reduce_max3A_1201 = vector.broadcast %reduce_max3A_1200 : i32 to vector<16xi32>
      %reduce_max3A_1202 = arith.xori %scan3A_788, %reduce_max3A_1201 : vector<16xi32>
      %reduce_max3A_1203 = tpu.scan <max>, %reduce_max3A_1202 masked %reduce_max3A_1199 : vector<16xi32>, vector<16xi1> -> vector<16xi32>
      %reduce_max3A_1204 = arith.xori %reduce_max3A_1203, %reduce_max3A_1201 : vector<16xi32>
      %reduce_max3A_1205 = vector.extract %reduce_max3A_1204[15] : i32 from vector<16xi32>
      %gt3A_1206 = arith.constant 0 : i32
      %gt3A_1207 = arith.cmpi sgt, %reduce_max3A_1205, %gt3A_1206 : i32
      %convert_element_type3A_1208 = arith.extui %gt3A_1207 : i1 to i32
      %cond3A_1209 = arith.constant 0 : i32
      %cond3A_1210 = arith.cmpi ne, %convert_element_type3A_1208, %cond3A_1209 : i32
      scf.if %cond3A_1210 {
        %mul3A_1314 = arith.constant 16 : i32
        %mul3A_1315 = arith.muli %add3A, %mul3A_1314 : i32
        %add3A_1316 = arith.addi %mul3A_1315, %scan3A_384 : i32
        %shift_right_logical3A_1317 = arith.constant 4 : i32
        %shift_right_logical3A_1318 = arith.shrui %add3A_1316, %shift_right_logical3A_1317 : i32
        %and3A_1319 = arith.constant 15 : i32
        %and3A_1320 = arith.andi %add3A_1316, %and3A_1319 : i32
        %mul3A_1321 = arith.constant 4 : i32
        %mul3A_1322 = arith.muli %shift_right_logical3A_1318, %mul3A_1321 : i32
        %mul3A_1323 = arith.constant 8 : i32
        %mul3A_1324 = arith.muli %and3A_1320, %mul3A_1323 : i32
        %sub3A_1325 = arith.constant 5 : i32
        %sub3A_1326 = arith.subi %mul3A_1322, %sub3A_1325 : i32
        %max3A_1327 = arith.constant 0 : i32
        %max3A_1328 = arith.maxsi %sub3A_1326, %max3A_1327 : i32
        %min3A_1329 = arith.constant 114 : i32
        %min3A_1330 = arith.minsi %max3A_1328, %min3A_1329 : i32
        %sub3A_1331 = arith.constant 5 : i32
        %sub3A_1332 = arith.subi %mul3A_1324, %sub3A_1331 : i32
        %max3A_1333 = arith.constant 0 : i32
        %max3A_1334 = arith.maxsi %sub3A_1332, %max3A_1333 : i32
        %min3A_1335 = arith.constant 110 : i32
        %min3A_1336 = arith.minsi %max3A_1334, %min3A_1335 : i32
        %scan3A_1337 = arith.constant 0 : i32
        %scan3A_1338 = arith.constant 0 : i32
        %scan3A_1339 = arith.constant 256 : i32
        %scan3A_1340 = arith.addi %scan3A_1338, %scan3A_1339 : i32
        %scan3A_1341 = arith.constant 1 : i32
        scf.for %scan3A_1343 = %scan3A_1338 to %scan3A_1340 step %scan3A_1341  : i32 {
          %mul3A_1344 = arith.constant 16 : i32
          %mul3A_1345 = arith.muli %scan3A_1343, %mul3A_1344 : i32
          %get3A = arith.index_cast %mul3A_1345 : i32 to index
          %get3A_1346 = tpu.vector_load %arg15[%get3A] {strides = array<i32>} : memref<4096xi32, #tpu.memory_space<vmem>>, vector<16xi32>,
          %shift_right_logical3A_1347 = arith.constant 27 : i32
          %shift_right_logical3A_1348 = vector.broadcast %shift_right_logical3A_1347 : i32 to vector<16xi32>
          %shift_right_logical3A_1349 = arith.shrui %get3A_1346, %shift_right_logical3A_1348 : vector<16xi32>
          %and3A_1350 = arith.constant 1 : i32
          %and3A_1351 = vector.broadcast %and3A_1350 : i32 to vector<16xi32>
          %and3A_1352 = arith.andi %shift_right_logical3A_1349, %and3A_1351 : vector<16xi32>
          %reduce_max3A_1353 = arith.constant true
          %reduce_max3A_1354 = vector.broadcast %reduce_max3A_1353 : i1 to vector<16xi1>
          %reduce_max3A_1355 = arith.constant -2147483648 : i32
          %reduce_max3A_1356 = vector.broadcast %reduce_max3A_1355 : i32 to vector<16xi32>
          %reduce_max3A_1357 = arith.xori %and3A_1352, %reduce_max3A_1356 : vector<16xi32>
          %reduce_max3A_1358 = tpu.scan <max>, %reduce_max3A_1357 masked %reduce_max3A_1354 : vector<16xi32>, vector<16xi1> -> vector<16xi32>
          %reduce_max3A_1359 = arith.xori %reduce_max3A_1358, %reduce_max3A_1356 : vector<16xi32>
          %reduce_max3A_1360 = vector.extract %reduce_max3A_1359[15] : i32 from vector<16xi32>
          %eq3A_1361 = arith.constant 1 : i32
          %eq3A_1362 = arith.cmpi eq, %reduce_max3A_1360, %eq3A_1361 : i32
          %convert_element_type3A_1363 = arith.extui %eq3A_1362 : i1 to i32
          %cond3A_1364 = arith.constant 0 : i32
          %cond3A_1365 = arith.cmpi ne, %convert_element_type3A_1363, %cond3A_1364 : i32
          scf.if %cond3A_1365 {
            %scan3A_1366 = arith.constant 0 : i32
            %scan3A_1367 = arith.constant 0 : i32
            %scan3A_1368 = arith.constant 16 : i32
            %scan3A_1369 = arith.addi %scan3A_1367, %scan3A_1368 : i32
            %scan3A_1370 = arith.constant 1 : i32
            scf.for %scan3A_1372 = %scan3A_1367 to %scan3A_1369 step %scan3A_1370  : i32 {
              %mul3A_1373 = arith.constant 16 : i32
              %mul3A_1374 = arith.muli %scan3A_1343, %mul3A_1373 : i32
              %add3A_1375 = arith.addi %mul3A_1374, %scan3A_1372 : i32
              %broadcast_in_dim3A_1376 = vector.broadcast %add3A_1375 : i32 to vector<16xi32>
              %gather3A = tpu.vector_load_idx %arg15[%broadcast_in_dim3A_1376] : memref<4096xi32, #tpu.memory_space<vmem>>[vector<16xi32>], vector<16xi32>,
              %shift_right_logical3A_1377 = arith.constant 27 : i32
              %shift_right_logical3A_1378 = vector.broadcast %shift_right_logical3A_1377 : i32 to vector<16xi32>
              %shift_right_logical3A_1379 = arith.shrui %gather3A, %shift_right_logical3A_1378 : vector<16xi32>
              %and3A_1380 = arith.constant 1 : i32
              %and3A_1381 = vector.broadcast %and3A_1380 : i32 to vector<16xi32>
              %and3A_1382 = arith.andi %shift_right_logical3A_1379, %and3A_1381 : vector<16xi32>
              %reduce_max3A_1383 = arith.constant true
              %reduce_max3A_1384 = vector.broadcast %reduce_max3A_1383 : i1 to vector<16xi1>
              %reduce_max3A_1385 = arith.constant -2147483648 : i32
              %reduce_max3A_1386 = vector.broadcast %reduce_max3A_1385 : i32 to vector<16xi32>
              %reduce_max3A_1387 = arith.xori %and3A_1382, %reduce_max3A_1386 : vector<16xi32>
              %reduce_max3A_1388 = tpu.scan <max>, %reduce_max3A_1387 masked %reduce_max3A_1384 : vector<16xi32>, vector<16xi1> -> vector<16xi32>
              %reduce_max3A_1389 = arith.xori %reduce_max3A_1388, %reduce_max3A_1386 : vector<16xi32>
              %reduce_max3A_1390 = vector.extract %reduce_max3A_1389[15] : i32 from vector<16xi32>
              %eq3A_1391 = arith.constant 1 : i32
              %eq3A_1392 = arith.cmpi eq, %reduce_max3A_1390, %eq3A_1391 : i32
              %convert_element_type3A_1393 = arith.extui %eq3A_1392 : i1 to i32
              %cond3A_1394 = arith.constant 0 : i32
              %cond3A_1395 = arith.cmpi ne, %convert_element_type3A_1393, %cond3A_1394 : i32
              scf.if %cond3A_1395 {
                %shift_right_logical3A_1396 = arith.constant 10 : i32
                %shift_right_logical3A_1397 = arith.shrui %add3A_1375, %shift_right_logical3A_1396 : i32
                %shift_right_logical3A_1398 = arith.constant 7 : i32
                %shift_right_logical3A_1399 = arith.shrui %add3A_1375, %shift_right_logical3A_1398 : i32
                %and3A_1400 = arith.constant 7 : i32
                %and3A_1401 = arith.andi %shift_right_logical3A_1399, %and3A_1400 : i32
                %and3A_1402 = arith.constant 127 : i32
                %and3A_1403 = arith.andi %add3A_1375, %and3A_1402 : i32
                %add3A_1404 = arith.addi %mul3A_1322, %shift_right_logical3A_1397 : i32
                %mul3A_1405 = arith.constant 128 : i32
                %mul3A_1406 = arith.muli %add3A_1404, %mul3A_1405 : i32
                %add3A_1407 = arith.addi %mul3A_1324, %and3A_1401 : i32
                %add3A_1408 = arith.addi %mul3A_1406, %add3A_1407 : i32
                %mul3A_1409 = arith.constant 128 : i32
                %mul3A_1410 = arith.muli %add3A_1408, %mul3A_1409 : i32
                %add3A_1411 = arith.addi %mul3A_1410, %and3A_1403 : i32
                %and3A_1412 = arith.constant -8 : i32
                %and3A_1413 = arith.andi %add3A_1411, %and3A_1412 : i32
                %multiple_of3A_1414 = tpu.assume_multiple %and3A_1413, 8 : i32
                %sub3A_1415 = arith.subi %add3A_1411, %multiple_of3A_1414 : i32
                %broadcast_in_dim3A_1416 = vector.broadcast %sub3A_1415 : i32 to vector<16xi32>
                %dma_start3A_1417 = tpu.memref_slice %arg3[%multiple_of3A_1414] : memref<2097168xf32, #tpu.memory_space<hbm>> -> memref<16xf32, #tpu.memory_space<hbm>>
                %dma_start3A_1418 = tpu.memref_slice %arg3[%multiple_of3A_1414] : memref<2097168xf32, #tpu.memory_space<hbm>> -> memref<16xf32, #tpu.memory_space<hbm>>
                tpu.enqueue_dma source(%dma_start3A_1418 : memref<16xf32, #tpu.memory_space<hbm>>) target(%arg20 : memref<16xf32, #tpu.memory_space<vmem>>) target_semaphore(%arg24 : memref<!tpu.dma_semaphore, #tpu.memory_space<semaphore_mem>>)
                %dma_wait3A_1419 = tpu.memref_slice %arg3[%multiple_of3A_1414] : memref<2097168xf32, #tpu.memory_space<hbm>> -> memref<16xf32, #tpu.memory_space<hbm>>
                %dma_wait3A_1420 = tpu.memref_slice %arg3[%multiple_of3A_1414] : memref<2097168xf32, #tpu.memory_space<hbm>> -> memref<16xf32, #tpu.memory_space<hbm>>
                tpu.wait_dma2 semaphore(%arg24 : memref<!tpu.dma_semaphore, #tpu.memory_space<semaphore_mem>>) src(%dma_wait3A_1420 : memref<16xf32, #tpu.memory_space<hbm>>) dst(%arg20 : memref<16xf32, #tpu.memory_space<vmem>>)
                %gather3A_1421 = tpu.vector_load_idx %arg20[%broadcast_in_dim3A_1416] : memref<16xf32, #tpu.memory_space<vmem>>[vector<16xi32>], vector<16xf32>,
                %dma_start3A_1422 = tpu.memref_slice %arg4[%multiple_of3A_1414] : memref<2097168xf32, #tpu.memory_space<hbm>> -> memref<16xf32, #tpu.memory_space<hbm>>
                %dma_start3A_1423 = tpu.memref_slice %arg4[%multiple_of3A_1414] : memref<2097168xf32, #tpu.memory_space<hbm>> -> memref<16xf32, #tpu.memory_space<hbm>>
                tpu.enqueue_dma source(%dma_start3A_1423 : memref<16xf32, #tpu.memory_space<hbm>>) target(%arg20 : memref<16xf32, #tpu.memory_space<vmem>>) target_semaphore(%arg24 : memref<!tpu.dma_semaphore, #tpu.memory_space<semaphore_mem>>)
                %dma_wait3A_1424 = tpu.memref_slice %arg4[%multiple_of3A_1414] : memref<2097168xf32, #tpu.memory_space<hbm>> -> memref<16xf32, #tpu.memory_space<hbm>>
                %dma_wait3A_1425 = tpu.memref_slice %arg4[%multiple_of3A_1414] : memref<2097168xf32, #tpu.memory_space<hbm>> -> memref<16xf32, #tpu.memory_space<hbm>>
                tpu.wait_dma2 semaphore(%arg24 : memref<!tpu.dma_semaphore, #tpu.memory_space<semaphore_mem>>) src(%dma_wait3A_1425 : memref<16xf32, #tpu.memory_space<hbm>>) dst(%arg20 : memref<16xf32, #tpu.memory_space<vmem>>)
                %gather3A_1426 = tpu.vector_load_idx %arg20[%broadcast_in_dim3A_1416] : memref<16xf32, #tpu.memory_space<vmem>>[vector<16xi32>], vector<16xf32>,
                %dma_start3A_1427 = tpu.memref_slice %arg5[%multiple_of3A_1414] : memref<2097168xf32, #tpu.memory_space<hbm>> -> memref<16xf32, #tpu.memory_space<hbm>>
                %dma_start3A_1428 = tpu.memref_slice %arg5[%multiple_of3A_1414] : memref<2097168xf32, #tpu.memory_space<hbm>> -> memref<16xf32, #tpu.memory_space<hbm>>
                tpu.enqueue_dma source(%dma_start3A_1428 : memref<16xf32, #tpu.memory_space<hbm>>) target(%arg20 : memref<16xf32, #tpu.memory_space<vmem>>) target_semaphore(%arg24 : memref<!tpu.dma_semaphore, #tpu.memory_space<semaphore_mem>>)
                %dma_wait3A_1429 = tpu.memref_slice %arg5[%multiple_of3A_1414] : memref<2097168xf32, #tpu.memory_space<hbm>> -> memref<16xf32, #tpu.memory_space<hbm>>
                %dma_wait3A_1430 = tpu.memref_slice %arg5[%multiple_of3A_1414] : memref<2097168xf32, #tpu.memory_space<hbm>> -> memref<16xf32, #tpu.memory_space<hbm>>
                tpu.wait_dma2 semaphore(%arg24 : memref<!tpu.dma_semaphore, #tpu.memory_space<semaphore_mem>>) src(%dma_wait3A_1430 : memref<16xf32, #tpu.memory_space<hbm>>) dst(%arg20 : memref<16xf32, #tpu.memory_space<vmem>>)
                %gather3A_1431 = tpu.vector_load_idx %arg20[%broadcast_in_dim3A_1416] : memref<16xf32, #tpu.memory_space<vmem>>[vector<16xi32>], vector<16xf32>,
                %add3A_1432 = arith.addi %mul3A_1324, %and3A_1401 : i32
                %convert_element_type3A_1433 = arith.sitofp %add3A_1432 : i32 to f32
                %add3A_1434 = vector.broadcast %convert_element_type3A_1433 : f32 to vector<16xf32>
                %add3A_1435 = arith.addf %gather3A_1421, %add3A_1434 : vector<16xf32>
                %add3A_1436 = arith.constant 1.000000e+00 : f32
                %add3A_1437 = vector.broadcast %add3A_1436 : f32 to vector<16xf32>
                %add3A_1438 = arith.addf %add3A_1435, %add3A_1437 : vector<16xf32>
                %add3A_1439 = arith.addi %mul3A_1322, %shift_right_logical3A_1397 : i32
                %convert_element_type3A_1440 = arith.sitofp %add3A_1439 : i32 to f32
                %add3A_1441 = vector.broadcast %convert_element_type3A_1440 : f32 to vector<16xf32>
                %add3A_1442 = arith.addf %gather3A_1426, %add3A_1441 : vector<16xf32>
                %add3A_1443 = arith.constant 1.000000e+00 : f32
                %add3A_1444 = vector.broadcast %add3A_1443 : f32 to vector<16xf32>
                %add3A_1445 = arith.addf %add3A_1442, %add3A_1444 : vector<16xf32>
                %convert_element_type3A_1446 = arith.sitofp %and3A_1403 : i32 to f32
                %add3A_1447 = vector.broadcast %convert_element_type3A_1446 : f32 to vector<16xf32>
                %add3A_1448 = arith.addf %gather3A_1431, %add3A_1447 : vector<16xf32>
                %add3A_1449 = arith.constant 1.000000e+00 : f32
                %add3A_1450 = vector.broadcast %add3A_1449 : f32 to vector<16xf32>
                %add3A_1451 = arith.addf %add3A_1448, %add3A_1450 : vector<16xf32>
                %convert_element_type3A_1452 = arith.fptosi %add3A_1438 : vector<16xf32> to vector<16xi32>
                %convert_element_type3A_1453 = arith.sitofp %convert_element_type3A_1452 : vector<16xi32> to vector<16xf32>
                %gt3A_1454 = arith.cmpf ogt, %convert_element_type3A_1453, %add3A_1438 : vector<16xf32>
                %sub3A_1455 = arith.constant 1 : i32
                %sub3A_1456 = vector.broadcast %sub3A_1455 : i32 to vector<16xi32>
                %sub3A_1457 = arith.subi %convert_element_type3A_1452, %sub3A_1456 : vector<16xi32>
                %select_n3A = arith.select %gt3A_1454, %sub3A_1457, %convert_element_type3A_1452 : vector<16xi1>, vector<16xi32>
                %convert_element_type3A_1458 = arith.fptosi %add3A_1445 : vector<16xf32> to vector<16xi32>
                %convert_element_type3A_1459 = arith.sitofp %convert_element_type3A_1458 : vector<16xi32> to vector<16xf32>
                %gt3A_1460 = arith.cmpf ogt, %convert_element_type3A_1459, %add3A_1445 : vector<16xf32>
                %sub3A_1461 = arith.constant 1 : i32
                %sub3A_1462 = vector.broadcast %sub3A_1461 : i32 to vector<16xi32>
                %sub3A_1463 = arith.subi %convert_element_type3A_1458, %sub3A_1462 : vector<16xi32>
                %select_n3A_1464 = arith.select %gt3A_1460, %sub3A_1463, %convert_element_type3A_1458 : vector<16xi1>, vector<16xi32>
                %convert_element_type3A_1465 = arith.fptosi %add3A_1451 : vector<16xf32> to vector<16xi32>
                %convert_element_type3A_1466 = arith.sitofp %convert_element_type3A_1465 : vector<16xi32> to vector<16xf32>
                %gt3A_1467 = arith.cmpf ogt, %convert_element_type3A_1466, %add3A_1451 : vector<16xf32>
                %sub3A_1468 = arith.constant 1 : i32
                %sub3A_1469 = vector.broadcast %sub3A_1468 : i32 to vector<16xi32>
                %sub3A_1470 = arith.subi %convert_element_type3A_1465, %sub3A_1469 : vector<16xi32>
                %select_n3A_1471 = arith.select %gt3A_1467, %sub3A_1470, %convert_element_type3A_1465 : vector<16xi1>, vector<16xi32>
                %max3A_1472 = arith.constant 0 : i32
                %max3A_1473 = vector.broadcast %max3A_1472 : i32 to vector<16xi32>
                %max3A_1474 = arith.maxsi %select_n3A, %max3A_1473 : vector<16xi32>
                %min3A_1475 = arith.constant 129 : i32
                %min3A_1476 = vector.broadcast %min3A_1475 : i32 to vector<16xi32>
                %min3A_1477 = arith.minsi %max3A_1474, %min3A_1476 : vector<16xi32>
                %add3A_1478 = arith.constant 1 : i32
                %add3A_1479 = vector.broadcast %add3A_1478 : i32 to vector<16xi32>
                %add3A_1480 = arith.addi %select_n3A, %add3A_1479 : vector<16xi32>
                %max3A_1481 = arith.constant 0 : i32
                %max3A_1482 = vector.broadcast %max3A_1481 : i32 to vector<16xi32>
                %max3A_1483 = arith.maxsi %add3A_1480, %max3A_1482 : vector<16xi32>
                %min3A_1484 = arith.constant 129 : i32
                %min3A_1485 = vector.broadcast %min3A_1484 : i32 to vector<16xi32>
                %min3A_1486 = arith.minsi %max3A_1483, %min3A_1485 : vector<16xi32>
                %max3A_1487 = arith.constant 0 : i32
                %max3A_1488 = vector.broadcast %max3A_1487 : i32 to vector<16xi32>
                %max3A_1489 = arith.maxsi %select_n3A_1464, %max3A_1488 : vector<16xi32>
                %min3A_1490 = arith.constant 129 : i32
                %min3A_1491 = vector.broadcast %min3A_1490 : i32 to vector<16xi32>
                %min3A_1492 = arith.minsi %max3A_1489, %min3A_1491 : vector<16xi32>
                %add3A_1493 = arith.constant 1 : i32
                %add3A_1494 = vector.broadcast %add3A_1493 : i32 to vector<16xi32>
                %add3A_1495 = arith.addi %select_n3A_1464, %add3A_1494 : vector<16xi32>
                %max3A_1496 = arith.constant 0 : i32
                %max3A_1497 = vector.broadcast %max3A_1496 : i32 to vector<16xi32>
                %max3A_1498 = arith.maxsi %add3A_1495, %max3A_1497 : vector<16xi32>
                %min3A_1499 = arith.constant 129 : i32
                %min3A_1500 = vector.broadcast %min3A_1499 : i32 to vector<16xi32>
                %min3A_1501 = arith.minsi %max3A_1498, %min3A_1500 : vector<16xi32>
                %max3A_1502 = arith.constant 0 : i32
                %max3A_1503 = vector.broadcast %max3A_1502 : i32 to vector<16xi32>
                %max3A_1504 = arith.maxsi %select_n3A_1471, %max3A_1503 : vector<16xi32>
                %min3A_1505 = arith.constant 129 : i32
                %min3A_1506 = vector.broadcast %min3A_1505 : i32 to vector<16xi32>
                %min3A_1507 = arith.minsi %max3A_1504, %min3A_1506 : vector<16xi32>
                %add3A_1508 = arith.constant 1 : i32
                %add3A_1509 = vector.broadcast %add3A_1508 : i32 to vector<16xi32>
                %add3A_1510 = arith.addi %select_n3A_1471, %add3A_1509 : vector<16xi32>
                %max3A_1511 = arith.constant 0 : i32
                %max3A_1512 = vector.broadcast %max3A_1511 : i32 to vector<16xi32>
                %max3A_1513 = arith.maxsi %add3A_1510, %max3A_1512 : vector<16xi32>
                %min3A_1514 = arith.constant 129 : i32
                %min3A_1515 = vector.broadcast %min3A_1514 : i32 to vector<16xi32>
                %min3A_1516 = arith.minsi %max3A_1513, %min3A_1515 : vector<16xi32>
                %convert_element_type3A_1517 = arith.sitofp %min3A_1486 : vector<16xi32> to vector<16xf32>
                %sub3A_1518 = arith.subf %convert_element_type3A_1517, %add3A_1438 : vector<16xf32>
                %convert_element_type3A_1519 = arith.sitofp %min3A_1501 : vector<16xi32> to vector<16xf32>
                %sub3A_1520 = arith.subf %convert_element_type3A_1519, %add3A_1445 : vector<16xf32>
                %convert_element_type3A_1521 = arith.sitofp %min3A_1516 : vector<16xi32> to vector<16xf32>
                %sub3A_1522 = arith.subf %convert_element_type3A_1521, %add3A_1451 : vector<16xf32>
                %mul3A_1523 = arith.constant 130 : i32
                %mul3A_1524 = vector.broadcast %mul3A_1523 : i32 to vector<16xi32>
                %mul3A_1525 = arith.muli %min3A_1492, %mul3A_1524 : vector<16xi32>
                %add3A_1526 = arith.addi %mul3A_1525, %min3A_1477 : vector<16xi32>
                %mul3A_1527 = arith.constant 264 : i32
                %mul3A_1528 = vector.broadcast %mul3A_1527 : i32 to vector<16xi32>
                %mul3A_1529 = arith.muli %add3A_1526, %mul3A_1528 : vector<16xi32>
                %shift_left3A = arith.constant 1 : i32
                %shift_left3A_1530 = vector.broadcast %shift_left3A : i32 to vector<16xi32>
                %shift_left3A_1531 = arith.shli %min3A_1507, %shift_left3A_1530 : vector<16xi32>
                %add3A_1532 = arith.addi %mul3A_1529, %shift_left3A_1531 : vector<16xi32>
                %mul3A_1533 = arith.constant 130 : i32
                %mul3A_1534 = vector.broadcast %mul3A_1533 : i32 to vector<16xi32>
                %mul3A_1535 = arith.muli %min3A_1501, %mul3A_1534 : vector<16xi32>
                %add3A_1536 = arith.addi %mul3A_1535, %min3A_1477 : vector<16xi32>
                %mul3A_1537 = arith.constant 264 : i32
                %mul3A_1538 = vector.broadcast %mul3A_1537 : i32 to vector<16xi32>
                %mul3A_1539 = arith.muli %add3A_1536, %mul3A_1538 : vector<16xi32>
                %shift_left3A_1540 = arith.constant 1 : i32
                %shift_left3A_1541 = vector.broadcast %shift_left3A_1540 : i32 to vector<16xi32>
                %shift_left3A_1542 = arith.shli %min3A_1507, %shift_left3A_1541 : vector<16xi32>
                %add3A_1543 = arith.addi %mul3A_1539, %shift_left3A_1542 : vector<16xi32>
                %mul3A_1544 = arith.constant 130 : i32
                %mul3A_1545 = vector.broadcast %mul3A_1544 : i32 to vector<16xi32>
                %mul3A_1546 = arith.muli %min3A_1492, %mul3A_1545 : vector<16xi32>
                %add3A_1547 = arith.addi %mul3A_1546, %min3A_1486 : vector<16xi32>
                %mul3A_1548 = arith.constant 264 : i32
                %mul3A_1549 = vector.broadcast %mul3A_1548 : i32 to vector<16xi32>
                %mul3A_1550 = arith.muli %add3A_1547, %mul3A_1549 : vector<16xi32>
                %shift_left3A_1551 = arith.constant 1 : i32
                %shift_left3A_1552 = vector.broadcast %shift_left3A_1551 : i32 to vector<16xi32>
                %shift_left3A_1553 = arith.shli %min3A_1507, %shift_left3A_1552 : vector<16xi32>
                %add3A_1554 = arith.addi %mul3A_1550, %shift_left3A_1553 : vector<16xi32>
                %mul3A_1555 = arith.constant 130 : i32
                %mul3A_1556 = vector.broadcast %mul3A_1555 : i32 to vector<16xi32>
                %mul3A_1557 = arith.muli %min3A_1501, %mul3A_1556 : vector<16xi32>
                %add3A_1558 = arith.addi %mul3A_1557, %min3A_1486 : vector<16xi32>
                %mul3A_1559 = arith.constant 264 : i32
                %mul3A_1560 = vector.broadcast %mul3A_1559 : i32 to vector<16xi32>
                %mul3A_1561 = arith.muli %add3A_1558, %mul3A_1560 : vector<16xi32>
                %shift_left3A_1562 = arith.constant 1 : i32
                %shift_left3A_1563 = vector.broadcast %shift_left3A_1562 : i32 to vector<16xi32>
                %shift_left3A_1564 = arith.shli %min3A_1507, %shift_left3A_1563 : vector<16xi32>
                %add3A_1565 = arith.addi %mul3A_1561, %shift_left3A_1564 : vector<16xi32>
                %sub3A_1566 = arith.subi %min3A_1516, %min3A_1507 : vector<16xi32>
                %shift_left3A_1567 = arith.constant 1 : i32
                %shift_left3A_1568 = vector.broadcast %shift_left3A_1567 : i32 to vector<16xi32>
                %shift_left3A_1569 = arith.shli %sub3A_1566, %shift_left3A_1568 : vector<16xi32>
                %select_n3A_1570 = arith.select %eq3A_11, %add3A_1554, %add3A_1565 : vector<16xi1>, vector<16xi32>
                %select_n3A_1571 = arith.select %eq3A_8, %add3A_1543, %select_n3A_1570 : vector<16xi1>, vector<16xi32>
                %select_n3A_1572 = arith.select %eq3A_5, %add3A_1532, %select_n3A_1571 : vector<16xi1>, vector<16xi32>
                %jit3A = arith.constant 0 : i32
                %broadcast_in_dim3A_1573 = vector.broadcast %jit3A : i32 to vector<16xi32>
                %select_n3A_1574 = arith.select %ne3A_15, %shift_left3A_1569, %broadcast_in_dim3A_1573 : vector<16xi1>, vector<16xi32>
                %add3A_1575 = arith.addi %select_n3A_1572, %select_n3A_1574 : vector<16xi32>
                %and3A_1576 = arith.constant 1 : i32
                %and3A_1577 = vector.broadcast %and3A_1576 : i32 to vector<16xi32>
                %and3A_1578 = arith.andi %iota3A, %and3A_1577 : vector<16xi32>
                %add3A_1579 = arith.addi %add3A_1575, %and3A_1578 : vector<16xi32>
                %swap3A = arith.constant 0 : index
                %swap3A_1580 = tpu.vector_load %arg18[%swap3A] {strides = array<i32>} : memref<16xi32, #tpu.memory_space<vmem>>, vector<16xi32>,
                tpu.vector_store %arg18[%swap3A], %add3A_1579 {strides = array<i32>} : memref<16xi32, #tpu.memory_space<vmem>>, vector<16xi32>,
                %dma_start3A_1581 = arith.constant 0 : i32
                %dma_start3A_1582 = tpu.memref_slice %arg2[%dma_start3A_1581] : memref<4461600xf32, #tpu.memory_space<hbm>> -> memref<4461600xf32, #tpu.memory_space<hbm>>
                tpu.enqueue_indirect_dma source(%dma_start3A_1582 : memref<4461600xf32, #tpu.memory_space<hbm>>) target(%arg19 : memref<16xf32, #tpu.memory_space<vmem>>) offsets(%arg18 : memref<16xi32, #tpu.memory_space<vmem>>) semaphore(%arg24 : memref<!tpu.dma_semaphore, #tpu.memory_space<semaphore_mem>>)
                %dma_wait3A_1583 = arith.constant 0 : i32
                %dma_wait3A_1584 = tpu.memref_slice %arg2[%dma_wait3A_1583] : memref<4461600xf32, #tpu.memory_space<hbm>> -> memref<4461600xf32, #tpu.memory_space<hbm>>
                tpu.wait_indirect_dma semaphore(%arg24 : memref<!tpu.dma_semaphore, #tpu.memory_space<semaphore_mem>>) src(%dma_wait3A_1584 : memref<4461600xf32, #tpu.memory_space<hbm>>) dst(%arg19 : memref<16xf32, #tpu.memory_space<vmem>>)
                %get3A_1585 = arith.constant 0 : index
                %get3A_1586 = tpu.vector_load %arg19[%get3A_1585] {strides = array<i32>} : memref<16xf32, #tpu.memory_space<vmem>>, vector<16xf32>,
                %sub3A_1587 = arith.constant 1.000000e+00 : f32
                %sub3A_1588 = vector.broadcast %sub3A_1587 : f32 to vector<16xf32>
                %sub3A_1589 = arith.subf %sub3A_1588, %sub3A_1518 : vector<16xf32>
                %sub3A_1590 = arith.constant 1.000000e+00 : f32
                %sub3A_1591 = vector.broadcast %sub3A_1590 : f32 to vector<16xf32>
                %sub3A_1592 = arith.subf %sub3A_1591, %sub3A_1520 : vector<16xf32>
                %sub3A_1593 = arith.constant 1.000000e+00 : f32
                %sub3A_1594 = vector.broadcast %sub3A_1593 : f32 to vector<16xf32>
                %sub3A_1595 = arith.subf %sub3A_1594, %sub3A_1522 : vector<16xf32>
                %mul3A_1596 = arith.mulf %sub3A_1518, %sub3A_1520 : vector<16xf32>
                %mul3A_1597 = arith.mulf %sub3A_1518, %sub3A_1592 : vector<16xf32>
                %mul3A_1598 = arith.mulf %sub3A_1589, %sub3A_1520 : vector<16xf32>
                %mul3A_1599 = arith.mulf %sub3A_1589, %sub3A_1592 : vector<16xf32>
                %select_n3A_1600 = arith.select %eq3A_11, %mul3A_1598, %mul3A_1599 : vector<16xi1>, vector<16xf32>
                %select_n3A_1601 = arith.select %eq3A_8, %mul3A_1597, %select_n3A_1600 : vector<16xi1>, vector<16xf32>
                %select_n3A_1602 = arith.select %eq3A_5, %mul3A_1596, %select_n3A_1601 : vector<16xi1>, vector<16xf32>
                %select_n3A_1603 = arith.select %ne3A_15, %sub3A_1595, %sub3A_1522 : vector<16xi1>, vector<16xf32>
                %mul3A_1604 = arith.mulf %select_n3A_1602, %select_n3A_1603 : vector<16xf32>
                %mul3A_1605 = arith.mulf %mul3A_1604, %get3A_1586 : vector<16xf32>
                %jit3A_1606 = arith.constant 0.000000e+00 : f32
                %broadcast_in_dim3A_1607 = vector.broadcast %jit3A_1606 : f32 to vector<16xf32>
                %select_n3A_1608 = arith.select %ne3A_21, %broadcast_in_dim3A_1607, %mul3A_1605 : vector<16xi1>, vector<16xf32>
                %broadcast_in_dim3A_1609 = arith.constant true
                %broadcast_in_dim3A_1610 = vector.broadcast %broadcast_in_dim3A_1609 : i1 to vector<16xi1>
                %masked_cumsum3A = tpu.scan <sum>, %select_n3A_1608 masked %broadcast_in_dim3A_1610 : vector<16xf32>, vector<16xi1> -> vector<16xf32>
                %jit3A_1611 = arith.constant 0.000000e+00 : f32
                %broadcast_in_dim3A_1612 = vector.broadcast %jit3A_1611 : f32 to vector<16xf32>
                %select_n3A_1613 = arith.select %ne3A_21, %mul3A_1605, %broadcast_in_dim3A_1612 : vector<16xi1>, vector<16xf32>
                %broadcast_in_dim3A_1614 = arith.constant true
                %broadcast_in_dim3A_1615 = vector.broadcast %broadcast_in_dim3A_1614 : i1 to vector<16xi1>
                %masked_cumsum3A_1616 = tpu.scan <sum>, %select_n3A_1613 masked %broadcast_in_dim3A_1615 : vector<16xf32>, vector<16xi1> -> vector<16xf32>
                %broadcast_in_dim3A_1617 = vector.broadcast %add3A_1375 : i32 to vector<16xi32>
                tpu.vector_store_idx %arg16[%broadcast_in_dim3A_1617], %masked_cumsum3A masked %eq3A_24 : memref<4096xf32, #tpu.memory_space<vmem>>[vector<16xi32>], vector<16xf32>, vector<16xi1>
                tpu.vector_store_idx %arg17[%broadcast_in_dim3A_1617], %masked_cumsum3A_1616 masked %eq3A_24 : memref<4096xf32, #tpu.memory_space<vmem>>[vector<16xi32>], vector<16xf32>, vector<16xi1>
              } else {
              }
            }
            %scan3A_1371 = arith.constant 16 : i32
          } else {
          }
        }
        %scan3A_1342 = arith.constant 256 : i32
      } else {
      }
      %mul3A_1211 = arith.constant 16 : i32
      %mul3A_1212 = arith.muli %add3A, %mul3A_1211 : i32
      %add3A_1213 = arith.addi %mul3A_1212, %scan3A_384 : i32
      %shift_right_logical3A_1214 = arith.constant 4 : i32
      %shift_right_logical3A_1215 = arith.shrui %add3A_1213, %shift_right_logical3A_1214 : i32
      %and3A_1216 = arith.constant 15 : i32
      %and3A_1217 = arith.andi %add3A_1213, %and3A_1216 : i32
      %mul3A_1218 = arith.constant 4 : i32
      %mul3A_1219 = arith.muli %shift_right_logical3A_1215, %mul3A_1218 : i32
      %mul3A_1220 = arith.constant 8 : i32
      %mul3A_1221 = arith.muli %and3A_1217, %mul3A_1220 : i32
      %sub3A_1222 = arith.constant 5 : i32
      %sub3A_1223 = arith.subi %mul3A_1219, %sub3A_1222 : i32
      %max3A_1224 = arith.constant 0 : i32
      %max3A_1225 = arith.maxsi %sub3A_1223, %max3A_1224 : i32
      %min3A_1226 = arith.constant 114 : i32
      %min3A_1227 = arith.minsi %max3A_1225, %min3A_1226 : i32
      %sub3A_1228 = arith.constant 5 : i32
      %sub3A_1229 = arith.subi %mul3A_1221, %sub3A_1228 : i32
      %max3A_1230 = arith.constant 0 : i32
      %max3A_1231 = arith.maxsi %sub3A_1229, %max3A_1230 : i32
      %min3A_1232 = arith.constant 110 : i32
      %min3A_1233 = arith.minsi %max3A_1231, %min3A_1232 : i32
      %add3A_1234 = arith.constant 0 : i32
      %add3A_1235 = arith.addi %mul3A_1219, %add3A_1234 : i32
      %mul3A_1236 = arith.constant 128 : i32
      %mul3A_1237 = arith.muli %add3A_1235, %mul3A_1236 : i32
      %add3A_1238 = arith.addi %mul3A_1237, %mul3A_1221 : i32
      %mul3A_1239 = arith.constant 128 : i32
      %mul3A_1240 = arith.muli %add3A_1238, %mul3A_1239 : i32
      %multiple_of3A_1241 = tpu.assume_multiple %mul3A_1240, 8 : i32
      %dma_start3A_1242 = arith.constant 0 : i32
      %dma_start3A_1243 = tpu.memref_slice %arg16[%dma_start3A_1242] : memref<4096xf32, #tpu.memory_space<vmem>> -> memref<1024xf32, #tpu.memory_space<vmem>>
      %dma_start3A_1244 = tpu.memref_slice %arg6[%multiple_of3A_1241] : memref<2097152xf32, #tpu.memory_space<hbm>> -> memref<1024xf32, #tpu.memory_space<hbm>>
      %dma_start3A_1245 = tpu.memref_slice %arg6[%multiple_of3A_1241] : memref<2097152xf32, #tpu.memory_space<hbm>> -> memref<1024xf32, #tpu.memory_space<hbm>>
      %dma_start3A_1246 = arith.constant 0 : i32
      %dma_start3A_1247 = tpu.memref_slice %arg16[%dma_start3A_1246] : memref<4096xf32, #tpu.memory_space<vmem>> -> memref<1024xf32, #tpu.memory_space<vmem>>
      tpu.enqueue_dma source(%dma_start3A_1247 : memref<1024xf32, #tpu.memory_space<vmem>>) target(%dma_start3A_1245 : memref<1024xf32, #tpu.memory_space<hbm>>) target_semaphore(%arg23 : memref<!tpu.dma_semaphore, #tpu.memory_space<semaphore_mem>>)
      %dma_start3A_1248 = arith.constant 0 : i32
      %dma_start3A_1249 = tpu.memref_slice %arg17[%dma_start3A_1248] : memref<4096xf32, #tpu.memory_space<vmem>> -> memref<1024xf32, #tpu.memory_space<vmem>>
      %dma_start3A_1250 = tpu.memref_slice %arg7[%multiple_of3A_1241] : memref<2097152xf32, #tpu.memory_space<hbm>> -> memref<1024xf32, #tpu.memory_space<hbm>>
      %dma_start3A_1251 = tpu.memref_slice %arg7[%multiple_of3A_1241] : memref<2097152xf32, #tpu.memory_space<hbm>> -> memref<1024xf32, #tpu.memory_space<hbm>>
      %dma_start3A_1252 = arith.constant 0 : i32
      %dma_start3A_1253 = tpu.memref_slice %arg17[%dma_start3A_1252] : memref<4096xf32, #tpu.memory_space<vmem>> -> memref<1024xf32, #tpu.memory_space<vmem>>
      tpu.enqueue_dma source(%dma_start3A_1253 : memref<1024xf32, #tpu.memory_space<vmem>>) target(%dma_start3A_1251 : memref<1024xf32, #tpu.memory_space<hbm>>) target_semaphore(%arg23 : memref<!tpu.dma_semaphore, #tpu.memory_space<semaphore_mem>>)
      %add3A_1254 = arith.constant 1 : i32
      %add3A_1255 = arith.addi %mul3A_1219, %add3A_1254 : i32
      %mul3A_1256 = arith.constant 128 : i32
      %mul3A_1257 = arith.muli %add3A_1255, %mul3A_1256 : i32
      %add3A_1258 = arith.addi %mul3A_1257, %mul3A_1221 : i32
      %mul3A_1259 = arith.constant 128 : i32
      %mul3A_1260 = arith.muli %add3A_1258, %mul3A_1259 : i32
      %multiple_of3A_1261 = tpu.assume_multiple %mul3A_1260, 8 : i32
      %dma_start3A_1262 = arith.constant 1024 : i32
      %dma_start3A_1263 = tpu.memref_slice %arg16[%dma_start3A_1262] : memref<4096xf32, #tpu.memory_space<vmem>> -> memref<1024xf32, #tpu.memory_space<vmem>>
      %dma_start3A_1264 = tpu.memref_slice %arg6[%multiple_of3A_1261] : memref<2097152xf32, #tpu.memory_space<hbm>> -> memref<1024xf32, #tpu.memory_space<hbm>>
      %dma_start3A_1265 = tpu.memref_slice %arg6[%multiple_of3A_1261] : memref<2097152xf32, #tpu.memory_space<hbm>> -> memref<1024xf32, #tpu.memory_space<hbm>>
      %dma_start3A_1266 = arith.constant 1024 : i32
      %dma_start3A_1267 = tpu.memref_slice %arg16[%dma_start3A_1266] : memref<4096xf32, #tpu.memory_space<vmem>> -> memref<1024xf32, #tpu.memory_space<vmem>>
      tpu.enqueue_dma source(%dma_start3A_1267 : memref<1024xf32, #tpu.memory_space<vmem>>) target(%dma_start3A_1265 : memref<1024xf32, #tpu.memory_space<hbm>>) target_semaphore(%arg23 : memref<!tpu.dma_semaphore, #tpu.memory_space<semaphore_mem>>)
      %dma_start3A_1268 = arith.constant 1024 : i32
      %dma_start3A_1269 = tpu.memref_slice %arg17[%dma_start3A_1268] : memref<4096xf32, #tpu.memory_space<vmem>> -> memref<1024xf32, #tpu.memory_space<vmem>>
      %dma_start3A_1270 = tpu.memref_slice %arg7[%multiple_of3A_1261] : memref<2097152xf32, #tpu.memory_space<hbm>> -> memref<1024xf32, #tpu.memory_space<hbm>>
      %dma_start3A_1271 = tpu.memref_slice %arg7[%multiple_of3A_1261] : memref<2097152xf32, #tpu.memory_space<hbm>> -> memref<1024xf32, #tpu.memory_space<hbm>>
      %dma_start3A_1272 = arith.constant 1024 : i32
      %dma_start3A_1273 = tpu.memref_slice %arg17[%dma_start3A_1272] : memref<4096xf32, #tpu.memory_space<vmem>> -> memref<1024xf32, #tpu.memory_space<vmem>>
      tpu.enqueue_dma source(%dma_start3A_1273 : memref<1024xf32, #tpu.memory_space<vmem>>) target(%dma_start3A_1271 : memref<1024xf32, #tpu.memory_space<hbm>>) target_semaphore(%arg23 : memref<!tpu.dma_semaphore, #tpu.memory_space<semaphore_mem>>)
      %add3A_1274 = arith.constant 2 : i32
      %add3A_1275 = arith.addi %mul3A_1219, %add3A_1274 : i32
      %mul3A_1276 = arith.constant 128 : i32
      %mul3A_1277 = arith.muli %add3A_1275, %mul3A_1276 : i32
      %add3A_1278 = arith.addi %mul3A_1277, %mul3A_1221 : i32
      %mul3A_1279 = arith.constant 128 : i32
      %mul3A_1280 = arith.muli %add3A_1278, %mul3A_1279 : i32
      %multiple_of3A_1281 = tpu.assume_multiple %mul3A_1280, 8 : i32
      %dma_start3A_1282 = arith.constant 2048 : i32
      %dma_start3A_1283 = tpu.memref_slice %arg16[%dma_start3A_1282] : memref<4096xf32, #tpu.memory_space<vmem>> -> memref<1024xf32, #tpu.memory_space<vmem>>
      %dma_start3A_1284 = tpu.memref_slice %arg6[%multiple_of3A_1281] : memref<2097152xf32, #tpu.memory_space<hbm>> -> memref<1024xf32, #tpu.memory_space<hbm>>
      %dma_start3A_1285 = tpu.memref_slice %arg6[%multiple_of3A_1281] : memref<2097152xf32, #tpu.memory_space<hbm>> -> memref<1024xf32, #tpu.memory_space<hbm>>
      %dma_start3A_1286 = arith.constant 2048 : i32
      %dma_start3A_1287 = tpu.memref_slice %arg16[%dma_start3A_1286] : memref<4096xf32, #tpu.memory_space<vmem>> -> memref<1024xf32, #tpu.memory_space<vmem>>
      tpu.enqueue_dma source(%dma_start3A_1287 : memref<1024xf32, #tpu.memory_space<vmem>>) target(%dma_start3A_1285 : memref<1024xf32, #tpu.memory_space<hbm>>) target_semaphore(%arg23 : memref<!tpu.dma_semaphore, #tpu.memory_space<semaphore_mem>>)
      %dma_start3A_1288 = arith.constant 2048 : i32
      %dma_start3A_1289 = tpu.memref_slice %arg17[%dma_start3A_1288] : memref<4096xf32, #tpu.memory_space<vmem>> -> memref<1024xf32, #tpu.memory_space<vmem>>
      %dma_start3A_1290 = tpu.memref_slice %arg7[%multiple_of3A_1281] : memref<2097152xf32, #tpu.memory_space<hbm>> -> memref<1024xf32, #tpu.memory_space<hbm>>
      %dma_start3A_1291 = tpu.memref_slice %arg7[%multiple_of3A_1281] : memref<2097152xf32, #tpu.memory_space<hbm>> -> memref<1024xf32, #tpu.memory_space<hbm>>
      %dma_start3A_1292 = arith.constant 2048 : i32
      %dma_start3A_1293 = tpu.memref_slice %arg17[%dma_start3A_1292] : memref<4096xf32, #tpu.memory_space<vmem>> -> memref<1024xf32, #tpu.memory_space<vmem>>
      tpu.enqueue_dma source(%dma_start3A_1293 : memref<1024xf32, #tpu.memory_space<vmem>>) target(%dma_start3A_1291 : memref<1024xf32, #tpu.memory_space<hbm>>) target_semaphore(%arg23 : memref<!tpu.dma_semaphore, #tpu.memory_space<semaphore_mem>>)
      %add3A_1294 = arith.constant 3 : i32
      %add3A_1295 = arith.addi %mul3A_1219, %add3A_1294 : i32
      %mul3A_1296 = arith.constant 128 : i32
      %mul3A_1297 = arith.muli %add3A_1295, %mul3A_1296 : i32
      %add3A_1298 = arith.addi %mul3A_1297, %mul3A_1221 : i32
      %mul3A_1299 = arith.constant 128 : i32
      %mul3A_1300 = arith.muli %add3A_1298, %mul3A_1299 : i32
      %multiple_of3A_1301 = tpu.assume_multiple %mul3A_1300, 8 : i32
      %dma_start3A_1302 = arith.constant 3072 : i32
      %dma_start3A_1303 = tpu.memref_slice %arg16[%dma_start3A_1302] : memref<4096xf32, #tpu.memory_space<vmem>> -> memref<1024xf32, #tpu.memory_space<vmem>>
      %dma_start3A_1304 = tpu.memref_slice %arg6[%multiple_of3A_1301] : memref<2097152xf32, #tpu.memory_space<hbm>> -> memref<1024xf32, #tpu.memory_space<hbm>>
      %dma_start3A_1305 = tpu.memref_slice %arg6[%multiple_of3A_1301] : memref<2097152xf32, #tpu.memory_space<hbm>> -> memref<1024xf32, #tpu.memory_space<hbm>>
      %dma_start3A_1306 = arith.constant 3072 : i32
      %dma_start3A_1307 = tpu.memref_slice %arg16[%dma_start3A_1306] : memref<4096xf32, #tpu.memory_space<vmem>> -> memref<1024xf32, #tpu.memory_space<vmem>>
      tpu.enqueue_dma source(%dma_start3A_1307 : memref<1024xf32, #tpu.memory_space<vmem>>) target(%dma_start3A_1305 : memref<1024xf32, #tpu.memory_space<hbm>>) target_semaphore(%arg23 : memref<!tpu.dma_semaphore, #tpu.memory_space<semaphore_mem>>)
      %dma_start3A_1308 = arith.constant 3072 : i32
      %dma_start3A_1309 = tpu.memref_slice %arg17[%dma_start3A_1308] : memref<4096xf32, #tpu.memory_space<vmem>> -> memref<1024xf32, #tpu.memory_space<vmem>>
      %dma_start3A_1310 = tpu.memref_slice %arg7[%multiple_of3A_1301] : memref<2097152xf32, #tpu.memory_space<hbm>> -> memref<1024xf32, #tpu.memory_space<hbm>>
      %dma_start3A_1311 = tpu.memref_slice %arg7[%multiple_of3A_1301] : memref<2097152xf32, #tpu.memory_space<hbm>> -> memref<1024xf32, #tpu.memory_space<hbm>>
      %dma_start3A_1312 = arith.constant 3072 : i32
      %dma_start3A_1313 = tpu.memref_slice %arg17[%dma_start3A_1312] : memref<4096xf32, #tpu.memory_space<vmem>> -> memref<1024xf32, #tpu.memory_space<vmem>>
      tpu.enqueue_dma source(%dma_start3A_1313 : memref<1024xf32, #tpu.memory_space<vmem>>) target(%dma_start3A_1311 : memref<1024xf32, #tpu.memory_space<hbm>>) target_semaphore(%arg23 : memref<!tpu.dma_semaphore, #tpu.memory_space<semaphore_mem>>)
    }
    %scan3A_152 = arith.constant 16 : i32
    %mul3A_153 = arith.constant 16 : i32
    %mul3A_154 = arith.muli %add3A, %mul3A_153 : i32
    %add3A_155 = arith.constant 15 : i32
    %add3A_156 = arith.addi %mul3A_154, %add3A_155 : i32
    %shift_right_logical3A_157 = arith.constant 4 : i32
    %shift_right_logical3A_158 = arith.shrui %add3A_156, %shift_right_logical3A_157 : i32
    %and3A_159 = arith.constant 15 : i32
    %and3A_160 = arith.andi %add3A_156, %and3A_159 : i32
    %mul3A_161 = arith.constant 4 : i32
    %mul3A_162 = arith.muli %shift_right_logical3A_158, %mul3A_161 : i32
    %mul3A_163 = arith.constant 8 : i32
    %mul3A_164 = arith.muli %and3A_160, %mul3A_163 : i32
    %sub3A_165 = arith.constant 5 : i32
    %sub3A_166 = arith.subi %mul3A_162, %sub3A_165 : i32
    %max3A_167 = arith.constant 0 : i32
    %max3A_168 = arith.maxsi %sub3A_166, %max3A_167 : i32
    %min3A_169 = arith.constant 114 : i32
    %min3A_170 = arith.minsi %max3A_168, %min3A_169 : i32
    %sub3A_171 = arith.constant 5 : i32
    %sub3A_172 = arith.subi %mul3A_164, %sub3A_171 : i32
    %max3A_173 = arith.constant 0 : i32
    %max3A_174 = arith.maxsi %sub3A_172, %max3A_173 : i32
    %min3A_175 = arith.constant 110 : i32
    %min3A_176 = arith.minsi %max3A_174, %min3A_175 : i32
    %add3A_177 = arith.constant 0 : i32
    %add3A_178 = arith.addi %mul3A_162, %add3A_177 : i32
    %mul3A_179 = arith.constant 128 : i32
    %mul3A_180 = arith.muli %add3A_178, %mul3A_179 : i32
    %add3A_181 = arith.addi %mul3A_180, %mul3A_164 : i32
    %mul3A_182 = arith.constant 128 : i32
    %mul3A_183 = arith.muli %add3A_181, %mul3A_182 : i32
    %multiple_of3A_184 = tpu.assume_multiple %mul3A_183, 8 : i32
    %dma_wait3A = arith.constant 0 : i32
    %dma_wait3A_185 = tpu.memref_slice %arg16[%dma_wait3A] : memref<4096xf32, #tpu.memory_space<vmem>> -> memref<1024xf32, #tpu.memory_space<vmem>>
    %dma_wait3A_186 = tpu.memref_slice %arg6[%multiple_of3A_184] : memref<2097152xf32, #tpu.memory_space<hbm>> -> memref<1024xf32, #tpu.memory_space<hbm>>
    %dma_wait3A_187 = tpu.memref_slice %arg6[%multiple_of3A_184] : memref<2097152xf32, #tpu.memory_space<hbm>> -> memref<1024xf32, #tpu.memory_space<hbm>>
    %dma_wait3A_188 = arith.constant 0 : i32
    %dma_wait3A_189 = tpu.memref_slice %arg16[%dma_wait3A_188] : memref<4096xf32, #tpu.memory_space<vmem>> -> memref<1024xf32, #tpu.memory_space<vmem>>
    tpu.wait_dma2 semaphore(%arg23 : memref<!tpu.dma_semaphore, #tpu.memory_space<semaphore_mem>>) src(%dma_wait3A_189 : memref<1024xf32, #tpu.memory_space<vmem>>) dst(%dma_wait3A_187 : memref<1024xf32, #tpu.memory_space<hbm>>)
    %dma_wait3A_190 = arith.constant 0 : i32
    %dma_wait3A_191 = tpu.memref_slice %arg17[%dma_wait3A_190] : memref<4096xf32, #tpu.memory_space<vmem>> -> memref<1024xf32, #tpu.memory_space<vmem>>
    %dma_wait3A_192 = tpu.memref_slice %arg7[%multiple_of3A_184] : memref<2097152xf32, #tpu.memory_space<hbm>> -> memref<1024xf32, #tpu.memory_space<hbm>>
    %dma_wait3A_193 = tpu.memref_slice %arg7[%multiple_of3A_184] : memref<2097152xf32, #tpu.memory_space<hbm>> -> memref<1024xf32, #tpu.memory_space<hbm>>
    %dma_wait3A_194 = arith.constant 0 : i32
    %dma_wait3A_195 = tpu.memref_slice %arg17[%dma_wait3A_194] : memref<4096xf32, #tpu.memory_space<vmem>> -> memref<1024xf32, #tpu.memory_space<vmem>>
    tpu.wait_dma2 semaphore(%arg23 : memref<!tpu.dma_semaphore, #tpu.memory_space<semaphore_mem>>) src(%dma_wait3A_195 : memref<1024xf32, #tpu.memory_space<vmem>>) dst(%dma_wait3A_193 : memref<1024xf32, #tpu.memory_space<hbm>>)
    %add3A_196 = arith.constant 1 : i32
    %add3A_197 = arith.addi %mul3A_162, %add3A_196 : i32
    %mul3A_198 = arith.constant 128 : i32
    %mul3A_199 = arith.muli %add3A_197, %mul3A_198 : i32
    %add3A_200 = arith.addi %mul3A_199, %mul3A_164 : i32
    %mul3A_201 = arith.constant 128 : i32
    %mul3A_202 = arith.muli %add3A_200, %mul3A_201 : i32
    %multiple_of3A_203 = tpu.assume_multiple %mul3A_202, 8 : i32
    %dma_wait3A_204 = arith.constant 1024 : i32
    %dma_wait3A_205 = tpu.memref_slice %arg16[%dma_wait3A_204] : memref<4096xf32, #tpu.memory_space<vmem>> -> memref<1024xf32, #tpu.memory_space<vmem>>
    %dma_wait3A_206 = tpu.memref_slice %arg6[%multiple_of3A_203] : memref<2097152xf32, #tpu.memory_space<hbm>> -> memref<1024xf32, #tpu.memory_space<hbm>>
    %dma_wait3A_207 = tpu.memref_slice %arg6[%multiple_of3A_203] : memref<2097152xf32, #tpu.memory_space<hbm>> -> memref<1024xf32, #tpu.memory_space<hbm>>
    %dma_wait3A_208 = arith.constant 1024 : i32
    %dma_wait3A_209 = tpu.memref_slice %arg16[%dma_wait3A_208] : memref<4096xf32, #tpu.memory_space<vmem>> -> memref<1024xf32, #tpu.memory_space<vmem>>
    tpu.wait_dma2 semaphore(%arg23 : memref<!tpu.dma_semaphore, #tpu.memory_space<semaphore_mem>>) src(%dma_wait3A_209 : memref<1024xf32, #tpu.memory_space<vmem>>) dst(%dma_wait3A_207 : memref<1024xf32, #tpu.memory_space<hbm>>)
    %dma_wait3A_210 = arith.constant 1024 : i32
    %dma_wait3A_211 = tpu.memref_slice %arg17[%dma_wait3A_210] : memref<4096xf32, #tpu.memory_space<vmem>> -> memref<1024xf32, #tpu.memory_space<vmem>>
    %dma_wait3A_212 = tpu.memref_slice %arg7[%multiple_of3A_203] : memref<2097152xf32, #tpu.memory_space<hbm>> -> memref<1024xf32, #tpu.memory_space<hbm>>
    %dma_wait3A_213 = tpu.memref_slice %arg7[%multiple_of3A_203] : memref<2097152xf32, #tpu.memory_space<hbm>> -> memref<1024xf32, #tpu.memory_space<hbm>>
    %dma_wait3A_214 = arith.constant 1024 : i32
    %dma_wait3A_215 = tpu.memref_slice %arg17[%dma_wait3A_214] : memref<4096xf32, #tpu.memory_space<vmem>> -> memref<1024xf32, #tpu.memory_space<vmem>>
    tpu.wait_dma2 semaphore(%arg23 : memref<!tpu.dma_semaphore, #tpu.memory_space<semaphore_mem>>) src(%dma_wait3A_215 : memref<1024xf32, #tpu.memory_space<vmem>>) dst(%dma_wait3A_213 : memref<1024xf32, #tpu.memory_space<hbm>>)
    %add3A_216 = arith.constant 2 : i32
    %add3A_217 = arith.addi %mul3A_162, %add3A_216 : i32
    %mul3A_218 = arith.constant 128 : i32
    %mul3A_219 = arith.muli %add3A_217, %mul3A_218 : i32
    %add3A_220 = arith.addi %mul3A_219, %mul3A_164 : i32
    %mul3A_221 = arith.constant 128 : i32
    %mul3A_222 = arith.muli %add3A_220, %mul3A_221 : i32
    %multiple_of3A_223 = tpu.assume_multiple %mul3A_222, 8 : i32
    %dma_wait3A_224 = arith.constant 2048 : i32
    %dma_wait3A_225 = tpu.memref_slice %arg16[%dma_wait3A_224] : memref<4096xf32, #tpu.memory_space<vmem>> -> memref<1024xf32, #tpu.memory_space<vmem>>
    %dma_wait3A_226 = tpu.memref_slice %arg6[%multiple_of3A_223] : memref<2097152xf32, #tpu.memory_space<hbm>> -> memref<1024xf32, #tpu.memory_space<hbm>>
    %dma_wait3A_227 = tpu.memref_slice %arg6[%multiple_of3A_223] : memref<2097152xf32, #tpu.memory_space<hbm>> -> memref<1024xf32, #tpu.memory_space<hbm>>
    %dma_wait3A_228 = arith.constant 2048 : i32
    %dma_wait3A_229 = tpu.memref_slice %arg16[%dma_wait3A_228] : memref<4096xf32, #tpu.memory_space<vmem>> -> memref<1024xf32, #tpu.memory_space<vmem>>
    tpu.wait_dma2 semaphore(%arg23 : memref<!tpu.dma_semaphore, #tpu.memory_space<semaphore_mem>>) src(%dma_wait3A_229 : memref<1024xf32, #tpu.memory_space<vmem>>) dst(%dma_wait3A_227 : memref<1024xf32, #tpu.memory_space<hbm>>)
    %dma_wait3A_230 = arith.constant 2048 : i32
    %dma_wait3A_231 = tpu.memref_slice %arg17[%dma_wait3A_230] : memref<4096xf32, #tpu.memory_space<vmem>> -> memref<1024xf32, #tpu.memory_space<vmem>>
    %dma_wait3A_232 = tpu.memref_slice %arg7[%multiple_of3A_223] : memref<2097152xf32, #tpu.memory_space<hbm>> -> memref<1024xf32, #tpu.memory_space<hbm>>
    %dma_wait3A_233 = tpu.memref_slice %arg7[%multiple_of3A_223] : memref<2097152xf32, #tpu.memory_space<hbm>> -> memref<1024xf32, #tpu.memory_space<hbm>>
    %dma_wait3A_234 = arith.constant 2048 : i32
    %dma_wait3A_235 = tpu.memref_slice %arg17[%dma_wait3A_234] : memref<4096xf32, #tpu.memory_space<vmem>> -> memref<1024xf32, #tpu.memory_space<vmem>>
    tpu.wait_dma2 semaphore(%arg23 : memref<!tpu.dma_semaphore, #tpu.memory_space<semaphore_mem>>) src(%dma_wait3A_235 : memref<1024xf32, #tpu.memory_space<vmem>>) dst(%dma_wait3A_233 : memref<1024xf32, #tpu.memory_space<hbm>>)
    %add3A_236 = arith.constant 3 : i32
    %add3A_237 = arith.addi %mul3A_162, %add3A_236 : i32
    %mul3A_238 = arith.constant 128 : i32
    %mul3A_239 = arith.muli %add3A_237, %mul3A_238 : i32
    %add3A_240 = arith.addi %mul3A_239, %mul3A_164 : i32
    %mul3A_241 = arith.constant 128 : i32
    %mul3A_242 = arith.muli %add3A_240, %mul3A_241 : i32
    %multiple_of3A_243 = tpu.assume_multiple %mul3A_242, 8 : i32
    %dma_wait3A_244 = arith.constant 3072 : i32
    %dma_wait3A_245 = tpu.memref_slice %arg16[%dma_wait3A_244] : memref<4096xf32, #tpu.memory_space<vmem>> -> memref<1024xf32, #tpu.memory_space<vmem>>
    %dma_wait3A_246 = tpu.memref_slice %arg6[%multiple_of3A_243] : memref<2097152xf32, #tpu.memory_space<hbm>> -> memref<1024xf32, #tpu.memory_space<hbm>>
    %dma_wait3A_247 = tpu.memref_slice %arg6[%multiple_of3A_243] : memref<2097152xf32, #tpu.memory_space<hbm>> -> memref<1024xf32, #tpu.memory_space<hbm>>
    %dma_wait3A_248 = arith.constant 3072 : i32
    %dma_wait3A_249 = tpu.memref_slice %arg16[%dma_wait3A_248] : memref<4096xf32, #tpu.memory_space<vmem>> -> memref<1024xf32, #tpu.memory_space<vmem>>
    tpu.wait_dma2 semaphore(%arg23 : memref<!tpu.dma_semaphore, #tpu.memory_space<semaphore_mem>>) src(%dma_wait3A_249 : memref<1024xf32, #tpu.memory_space<vmem>>) dst(%dma_wait3A_247 : memref<1024xf32, #tpu.memory_space<hbm>>)
    %dma_wait3A_250 = arith.constant 3072 : i32
    %dma_wait3A_251 = tpu.memref_slice %arg17[%dma_wait3A_250] : memref<4096xf32, #tpu.memory_space<vmem>> -> memref<1024xf32, #tpu.memory_space<vmem>>
    %dma_wait3A_252 = tpu.memref_slice %arg7[%multiple_of3A_243] : memref<2097152xf32, #tpu.memory_space<hbm>> -> memref<1024xf32, #tpu.memory_space<hbm>>
    %dma_wait3A_253 = tpu.memref_slice %arg7[%multiple_of3A_243] : memref<2097152xf32, #tpu.memory_space<hbm>> -> memref<1024xf32, #tpu.memory_space<hbm>>
    %dma_wait3A_254 = arith.constant 3072 : i32
    %dma_wait3A_255 = tpu.memref_slice %arg17[%dma_wait3A_254] : memref<4096xf32, #tpu.memory_space<vmem>> -> memref<1024xf32, #tpu.memory_space<vmem>>
    tpu.wait_dma2 semaphore(%arg23 : memref<!tpu.dma_semaphore, #tpu.memory_space<semaphore_mem>>) src(%dma_wait3A_255 : memref<1024xf32, #tpu.memory_space<vmem>>) dst(%dma_wait3A_253 : memref<1024xf32, #tpu.memory_space<hbm>>)
    %mul3A_256 = arith.constant 16 : i32
    %mul3A_257 = arith.muli %add3A, %mul3A_256 : i32
    %add3A_258 = arith.constant 15 : i32
    %add3A_259 = arith.addi %mul3A_257, %add3A_258 : i32
    %shift_right_logical3A_260 = arith.constant 4 : i32
    %shift_right_logical3A_261 = arith.shrui %add3A_259, %shift_right_logical3A_260 : i32
    %and3A_262 = arith.constant 15 : i32
    %and3A_263 = arith.andi %add3A_259, %and3A_262 : i32
    %mul3A_264 = arith.constant 4 : i32
    %mul3A_265 = arith.muli %shift_right_logical3A_261, %mul3A_264 : i32
    %mul3A_266 = arith.constant 8 : i32
    %mul3A_267 = arith.muli %and3A_263, %mul3A_266 : i32
    %sub3A_268 = arith.constant 5 : i32
    %sub3A_269 = arith.subi %mul3A_265, %sub3A_268 : i32
    %max3A_270 = arith.constant 0 : i32
    %max3A_271 = arith.maxsi %sub3A_269, %max3A_270 : i32
    %min3A_272 = arith.constant 114 : i32
    %min3A_273 = arith.minsi %max3A_271, %min3A_272 : i32
    %sub3A_274 = arith.constant 5 : i32
    %sub3A_275 = arith.subi %mul3A_267, %sub3A_274 : i32
    %max3A_276 = arith.constant 0 : i32
    %max3A_277 = arith.maxsi %sub3A_275, %max3A_276 : i32
    %min3A_278 = arith.constant 110 : i32
    %min3A_279 = arith.minsi %max3A_277, %min3A_278 : i32
    %add3A_280 = arith.constant 0 : i32
    %add3A_281 = arith.addi %mul3A_265, %add3A_280 : i32
    %mul3A_282 = arith.constant 128 : i32
    %mul3A_283 = arith.muli %add3A_281, %mul3A_282 : i32
    %add3A_284 = arith.addi %mul3A_283, %mul3A_267 : i32
    %mul3A_285 = arith.constant 128 : i32
    %mul3A_286 = arith.muli %add3A_284, %mul3A_285 : i32
    %multiple_of3A_287 = tpu.assume_multiple %mul3A_286, 8 : i32
    %dma_wait3A_288 = arith.constant 0 : i32
    %dma_wait3A_289 = tpu.memref_slice %arg9[%dma_wait3A_288] : memref<4096xf32, #tpu.memory_space<vmem>> -> memref<1024xf32, #tpu.memory_space<vmem>>
    %dma_wait3A_290 = tpu.memref_slice %arg3[%multiple_of3A_287] : memref<2097168xf32, #tpu.memory_space<hbm>> -> memref<1024xf32, #tpu.memory_space<hbm>>
    %dma_wait3A_291 = arith.constant 0 : i32
    %dma_wait3A_292 = tpu.memref_slice %arg9[%dma_wait3A_291] : memref<4096xf32, #tpu.memory_space<vmem>> -> memref<1024xf32, #tpu.memory_space<vmem>>
    %dma_wait3A_293 = tpu.memref_slice %arg3[%multiple_of3A_287] : memref<2097168xf32, #tpu.memory_space<hbm>> -> memref<1024xf32, #tpu.memory_space<hbm>>
    tpu.wait_dma2 semaphore(%arg22 : memref<!tpu.dma_semaphore, #tpu.memory_space<semaphore_mem>>) src(%dma_wait3A_293 : memref<1024xf32, #tpu.memory_space<hbm>>) dst(%dma_wait3A_292 : memref<1024xf32, #tpu.memory_space<vmem>>)
    %dma_wait3A_294 = arith.constant 0 : i32
    %dma_wait3A_295 = tpu.memref_slice %arg10[%dma_wait3A_294] : memref<4096xf32, #tpu.memory_space<vmem>> -> memref<1024xf32, #tpu.memory_space<vmem>>
    %dma_wait3A_296 = tpu.memref_slice %arg4[%multiple_of3A_287] : memref<2097168xf32, #tpu.memory_space<hbm>> -> memref<1024xf32, #tpu.memory_space<hbm>>
    %dma_wait3A_297 = arith.constant 0 : i32
    %dma_wait3A_298 = tpu.memref_slice %arg10[%dma_wait3A_297] : memref<4096xf32, #tpu.memory_space<vmem>> -> memref<1024xf32, #tpu.memory_space<vmem>>
    %dma_wait3A_299 = tpu.memref_slice %arg4[%multiple_of3A_287] : memref<2097168xf32, #tpu.memory_space<hbm>> -> memref<1024xf32, #tpu.memory_space<hbm>>
    tpu.wait_dma2 semaphore(%arg22 : memref<!tpu.dma_semaphore, #tpu.memory_space<semaphore_mem>>) src(%dma_wait3A_299 : memref<1024xf32, #tpu.memory_space<hbm>>) dst(%dma_wait3A_298 : memref<1024xf32, #tpu.memory_space<vmem>>)
    %dma_wait3A_300 = arith.constant 0 : i32
    %dma_wait3A_301 = tpu.memref_slice %arg11[%dma_wait3A_300] : memref<4096xf32, #tpu.memory_space<vmem>> -> memref<1024xf32, #tpu.memory_space<vmem>>
    %dma_wait3A_302 = tpu.memref_slice %arg5[%multiple_of3A_287] : memref<2097168xf32, #tpu.memory_space<hbm>> -> memref<1024xf32, #tpu.memory_space<hbm>>
    %dma_wait3A_303 = arith.constant 0 : i32
    %dma_wait3A_304 = tpu.memref_slice %arg11[%dma_wait3A_303] : memref<4096xf32, #tpu.memory_space<vmem>> -> memref<1024xf32, #tpu.memory_space<vmem>>
    %dma_wait3A_305 = tpu.memref_slice %arg5[%multiple_of3A_287] : memref<2097168xf32, #tpu.memory_space<hbm>> -> memref<1024xf32, #tpu.memory_space<hbm>>
    tpu.wait_dma2 semaphore(%arg22 : memref<!tpu.dma_semaphore, #tpu.memory_space<semaphore_mem>>) src(%dma_wait3A_305 : memref<1024xf32, #tpu.memory_space<hbm>>) dst(%dma_wait3A_304 : memref<1024xf32, #tpu.memory_space<vmem>>)
    %add3A_306 = arith.constant 1 : i32
    %add3A_307 = arith.addi %mul3A_265, %add3A_306 : i32
    %mul3A_308 = arith.constant 128 : i32
    %mul3A_309 = arith.muli %add3A_307, %mul3A_308 : i32
    %add3A_310 = arith.addi %mul3A_309, %mul3A_267 : i32
    %mul3A_311 = arith.constant 128 : i32
    %mul3A_312 = arith.muli %add3A_310, %mul3A_311 : i32
    %multiple_of3A_313 = tpu.assume_multiple %mul3A_312, 8 : i32
    %dma_wait3A_314 = arith.constant 1024 : i32
    %dma_wait3A_315 = tpu.memref_slice %arg9[%dma_wait3A_314] : memref<4096xf32, #tpu.memory_space<vmem>> -> memref<1024xf32, #tpu.memory_space<vmem>>
    %dma_wait3A_316 = tpu.memref_slice %arg3[%multiple_of3A_313] : memref<2097168xf32, #tpu.memory_space<hbm>> -> memref<1024xf32, #tpu.memory_space<hbm>>
    %dma_wait3A_317 = arith.constant 1024 : i32
    %dma_wait3A_318 = tpu.memref_slice %arg9[%dma_wait3A_317] : memref<4096xf32, #tpu.memory_space<vmem>> -> memref<1024xf32, #tpu.memory_space<vmem>>
    %dma_wait3A_319 = tpu.memref_slice %arg3[%multiple_of3A_313] : memref<2097168xf32, #tpu.memory_space<hbm>> -> memref<1024xf32, #tpu.memory_space<hbm>>
    tpu.wait_dma2 semaphore(%arg22 : memref<!tpu.dma_semaphore, #tpu.memory_space<semaphore_mem>>) src(%dma_wait3A_319 : memref<1024xf32, #tpu.memory_space<hbm>>) dst(%dma_wait3A_318 : memref<1024xf32, #tpu.memory_space<vmem>>)
    %dma_wait3A_320 = arith.constant 1024 : i32
    %dma_wait3A_321 = tpu.memref_slice %arg10[%dma_wait3A_320] : memref<4096xf32, #tpu.memory_space<vmem>> -> memref<1024xf32, #tpu.memory_space<vmem>>
    %dma_wait3A_322 = tpu.memref_slice %arg4[%multiple_of3A_313] : memref<2097168xf32, #tpu.memory_space<hbm>> -> memref<1024xf32, #tpu.memory_space<hbm>>
    %dma_wait3A_323 = arith.constant 1024 : i32
    %dma_wait3A_324 = tpu.memref_slice %arg10[%dma_wait3A_323] : memref<4096xf32, #tpu.memory_space<vmem>> -> memref<1024xf32, #tpu.memory_space<vmem>>
    %dma_wait3A_325 = tpu.memref_slice %arg4[%multiple_of3A_313] : memref<2097168xf32, #tpu.memory_space<hbm>> -> memref<1024xf32, #tpu.memory_space<hbm>>
    tpu.wait_dma2 semaphore(%arg22 : memref<!tpu.dma_semaphore, #tpu.memory_space<semaphore_mem>>) src(%dma_wait3A_325 : memref<1024xf32, #tpu.memory_space<hbm>>) dst(%dma_wait3A_324 : memref<1024xf32, #tpu.memory_space<vmem>>)
    %dma_wait3A_326 = arith.constant 1024 : i32
    %dma_wait3A_327 = tpu.memref_slice %arg11[%dma_wait3A_326] : memref<4096xf32, #tpu.memory_space<vmem>> -> memref<1024xf32, #tpu.memory_space<vmem>>
    %dma_wait3A_328 = tpu.memref_slice %arg5[%multiple_of3A_313] : memref<2097168xf32, #tpu.memory_space<hbm>> -> memref<1024xf32, #tpu.memory_space<hbm>>
    %dma_wait3A_329 = arith.constant 1024 : i32
    %dma_wait3A_330 = tpu.memref_slice %arg11[%dma_wait3A_329] : memref<4096xf32, #tpu.memory_space<vmem>> -> memref<1024xf32, #tpu.memory_space<vmem>>
    %dma_wait3A_331 = tpu.memref_slice %arg5[%multiple_of3A_313] : memref<2097168xf32, #tpu.memory_space<hbm>> -> memref<1024xf32, #tpu.memory_space<hbm>>
    tpu.wait_dma2 semaphore(%arg22 : memref<!tpu.dma_semaphore, #tpu.memory_space<semaphore_mem>>) src(%dma_wait3A_331 : memref<1024xf32, #tpu.memory_space<hbm>>) dst(%dma_wait3A_330 : memref<1024xf32, #tpu.memory_space<vmem>>)
    %add3A_332 = arith.constant 2 : i32
    %add3A_333 = arith.addi %mul3A_265, %add3A_332 : i32
    %mul3A_334 = arith.constant 128 : i32
    %mul3A_335 = arith.muli %add3A_333, %mul3A_334 : i32
    %add3A_336 = arith.addi %mul3A_335, %mul3A_267 : i32
    %mul3A_337 = arith.constant 128 : i32
    %mul3A_338 = arith.muli %add3A_336, %mul3A_337 : i32
    %multiple_of3A_339 = tpu.assume_multiple %mul3A_338, 8 : i32
    %dma_wait3A_340 = arith.constant 2048 : i32
    %dma_wait3A_341 = tpu.memref_slice %arg9[%dma_wait3A_340] : memref<4096xf32, #tpu.memory_space<vmem>> -> memref<1024xf32, #tpu.memory_space<vmem>>
    %dma_wait3A_342 = tpu.memref_slice %arg3[%multiple_of3A_339] : memref<2097168xf32, #tpu.memory_space<hbm>> -> memref<1024xf32, #tpu.memory_space<hbm>>
    %dma_wait3A_343 = arith.constant 2048 : i32
    %dma_wait3A_344 = tpu.memref_slice %arg9[%dma_wait3A_343] : memref<4096xf32, #tpu.memory_space<vmem>> -> memref<1024xf32, #tpu.memory_space<vmem>>
    %dma_wait3A_345 = tpu.memref_slice %arg3[%multiple_of3A_339] : memref<2097168xf32, #tpu.memory_space<hbm>> -> memref<1024xf32, #tpu.memory_space<hbm>>
    tpu.wait_dma2 semaphore(%arg22 : memref<!tpu.dma_semaphore, #tpu.memory_space<semaphore_mem>>) src(%dma_wait3A_345 : memref<1024xf32, #tpu.memory_space<hbm>>) dst(%dma_wait3A_344 : memref<1024xf32, #tpu.memory_space<vmem>>)
    %dma_wait3A_346 = arith.constant 2048 : i32
    %dma_wait3A_347 = tpu.memref_slice %arg10[%dma_wait3A_346] : memref<4096xf32, #tpu.memory_space<vmem>> -> memref<1024xf32, #tpu.memory_space<vmem>>
    %dma_wait3A_348 = tpu.memref_slice %arg4[%multiple_of3A_339] : memref<2097168xf32, #tpu.memory_space<hbm>> -> memref<1024xf32, #tpu.memory_space<hbm>>
    %dma_wait3A_349 = arith.constant 2048 : i32
    %dma_wait3A_350 = tpu.memref_slice %arg10[%dma_wait3A_349] : memref<4096xf32, #tpu.memory_space<vmem>> -> memref<1024xf32, #tpu.memory_space<vmem>>
    %dma_wait3A_351 = tpu.memref_slice %arg4[%multiple_of3A_339] : memref<2097168xf32, #tpu.memory_space<hbm>> -> memref<1024xf32, #tpu.memory_space<hbm>>
    tpu.wait_dma2 semaphore(%arg22 : memref<!tpu.dma_semaphore, #tpu.memory_space<semaphore_mem>>) src(%dma_wait3A_351 : memref<1024xf32, #tpu.memory_space<hbm>>) dst(%dma_wait3A_350 : memref<1024xf32, #tpu.memory_space<vmem>>)
    %dma_wait3A_352 = arith.constant 2048 : i32
    %dma_wait3A_353 = tpu.memref_slice %arg11[%dma_wait3A_352] : memref<4096xf32, #tpu.memory_space<vmem>> -> memref<1024xf32, #tpu.memory_space<vmem>>
    %dma_wait3A_354 = tpu.memref_slice %arg5[%multiple_of3A_339] : memref<2097168xf32, #tpu.memory_space<hbm>> -> memref<1024xf32, #tpu.memory_space<hbm>>
    %dma_wait3A_355 = arith.constant 2048 : i32
    %dma_wait3A_356 = tpu.memref_slice %arg11[%dma_wait3A_355] : memref<4096xf32, #tpu.memory_space<vmem>> -> memref<1024xf32, #tpu.memory_space<vmem>>
    %dma_wait3A_357 = tpu.memref_slice %arg5[%multiple_of3A_339] : memref<2097168xf32, #tpu.memory_space<hbm>> -> memref<1024xf32, #tpu.memory_space<hbm>>
    tpu.wait_dma2 semaphore(%arg22 : memref<!tpu.dma_semaphore, #tpu.memory_space<semaphore_mem>>) src(%dma_wait3A_357 : memref<1024xf32, #tpu.memory_space<hbm>>) dst(%dma_wait3A_356 : memref<1024xf32, #tpu.memory_space<vmem>>)
    %add3A_358 = arith.constant 3 : i32
    %add3A_359 = arith.addi %mul3A_265, %add3A_358 : i32
    %mul3A_360 = arith.constant 128 : i32
    %mul3A_361 = arith.muli %add3A_359, %mul3A_360 : i32
    %add3A_362 = arith.addi %mul3A_361, %mul3A_267 : i32
    %mul3A_363 = arith.constant 128 : i32
    %mul3A_364 = arith.muli %add3A_362, %mul3A_363 : i32
    %multiple_of3A_365 = tpu.assume_multiple %mul3A_364, 8 : i32
    %dma_wait3A_366 = arith.constant 3072 : i32
    %dma_wait3A_367 = tpu.memref_slice %arg9[%dma_wait3A_366] : memref<4096xf32, #tpu.memory_space<vmem>> -> memref<1024xf32, #tpu.memory_space<vmem>>
    %dma_wait3A_368 = tpu.memref_slice %arg3[%multiple_of3A_365] : memref<2097168xf32, #tpu.memory_space<hbm>> -> memref<1024xf32, #tpu.memory_space<hbm>>
    %dma_wait3A_369 = arith.constant 3072 : i32
    %dma_wait3A_370 = tpu.memref_slice %arg9[%dma_wait3A_369] : memref<4096xf32, #tpu.memory_space<vmem>> -> memref<1024xf32, #tpu.memory_space<vmem>>
    %dma_wait3A_371 = tpu.memref_slice %arg3[%multiple_of3A_365] : memref<2097168xf32, #tpu.memory_space<hbm>> -> memref<1024xf32, #tpu.memory_space<hbm>>
    tpu.wait_dma2 semaphore(%arg22 : memref<!tpu.dma_semaphore, #tpu.memory_space<semaphore_mem>>) src(%dma_wait3A_371 : memref<1024xf32, #tpu.memory_space<hbm>>) dst(%dma_wait3A_370 : memref<1024xf32, #tpu.memory_space<vmem>>)
    %dma_wait3A_372 = arith.constant 3072 : i32
    %dma_wait3A_373 = tpu.memref_slice %arg10[%dma_wait3A_372] : memref<4096xf32, #tpu.memory_space<vmem>> -> memref<1024xf32, #tpu.memory_space<vmem>>
    %dma_wait3A_374 = tpu.memref_slice %arg4[%multiple_of3A_365] : memref<2097168xf32, #tpu.memory_space<hbm>> -> memref<1024xf32, #tpu.memory_space<hbm>>
    %dma_wait3A_375 = arith.constant 3072 : i32
    %dma_wait3A_376 = tpu.memref_slice %arg10[%dma_wait3A_375] : memref<4096xf32, #tpu.memory_space<vmem>> -> memref<1024xf32, #tpu.memory_space<vmem>>
    %dma_wait3A_377 = tpu.memref_slice %arg4[%multiple_of3A_365] : memref<2097168xf32, #tpu.memory_space<hbm>> -> memref<1024xf32, #tpu.memory_space<hbm>>
    tpu.wait_dma2 semaphore(%arg22 : memref<!tpu.dma_semaphore, #tpu.memory_space<semaphore_mem>>) src(%dma_wait3A_377 : memref<1024xf32, #tpu.memory_space<hbm>>) dst(%dma_wait3A_376 : memref<1024xf32, #tpu.memory_space<vmem>>)
    %dma_wait3A_378 = arith.constant 3072 : i32
    %dma_wait3A_379 = tpu.memref_slice %arg11[%dma_wait3A_378] : memref<4096xf32, #tpu.memory_space<vmem>> -> memref<1024xf32, #tpu.memory_space<vmem>>
    %dma_wait3A_380 = tpu.memref_slice %arg5[%multiple_of3A_365] : memref<2097168xf32, #tpu.memory_space<hbm>> -> memref<1024xf32, #tpu.memory_space<hbm>>
    %dma_wait3A_381 = arith.constant 3072 : i32
    %dma_wait3A_382 = tpu.memref_slice %arg11[%dma_wait3A_381] : memref<4096xf32, #tpu.memory_space<vmem>> -> memref<1024xf32, #tpu.memory_space<vmem>>
    %dma_wait3A_383 = tpu.memref_slice %arg5[%multiple_of3A_365] : memref<2097168xf32, #tpu.memory_space<hbm>> -> memref<1024xf32, #tpu.memory_space<hbm>>
    tpu.wait_dma2 semaphore(%arg22 : memref<!tpu.dma_semaphore, #tpu.memory_space<semaphore_mem>>) src(%dma_wait3A_383 : memref<1024xf32, #tpu.memory_space<hbm>>) dst(%dma_wait3A_382 : memref<1024xf32, #tpu.memory_space<vmem>>)
    return
  }
}

</mosaic_0001>

<sc_bundles>
// kernel: _warp.3.cloned.1.call-start
scs
__scs_entry_jumppad:
0x0: {  	(pc) =	sbr.rel $0x88, $3  }
0x1: {  	(tag) =	ssettag $0x0;
	lr =	simm.s32 $0x1  }
0x2: {  	[smem:$0x3F9D] =	sst lr;
	_ =	strace $0xD0000000  }
0x3: {  	_ = 	snop  }
0x4: {  	_ = 	snop  }
0x5: {  	_ = 	snop  }
0x6: {  	_ = 	snop  }
0x7: {  	_ = 	snop  }
__scs_overlays_trampoline_lowered:
0x8: {  	[smem:$0x3FAC] =	sst s0  }
0x9: {  	[smem:$0x3FAD] =	sst s1  }
0xa: {  	[smem:$0x3FAE] =	sst s2  }
0xb: {  	[smem:$0x3FAF] =	sst s3  }
0xc: {  	[smem:$0x3FB0] =	sst s4  }
0xd: {  	[smem:$0x3FB1] =	sst s5  }
0xe: {  	[smem:$0x3FB2] =	sst s6  }
0xf: {  	[smem:$0x3FB3] =	sst s7  }
0x10: {  	[smem:$0x3FB4] =	sst s8  }
0x11: {  	[smem:$0x3FB5] =	sst s9;
	s0 =	simm.s32 @!p0 $0x0  }
0x12: {  	s1 =	sld [smem:$0x3F9B];
	s0 =	simm.s32 @p0 $0x1  }
0x13: {  	[smem:$0x3FB6] =	sst s0;
	s0 =	simm.s32 @!p1 $0x0  }
0x14: {  	s2 =	sld [smem:$0x3F9A];
	s0 =	simm.s32 @p1 $0x1  }
0x15: {  	[smem:$0x3FB7] =	sst s0;
	s0 =	simm.s32 @!p2 $0x0  }
0x16: {  	s3 =	sld [smem:$0x3FDB];
	s0 =	simm.s32 @p2 $0x1  }
0x17: {  	s4 =	simm.s32 $0x1BF5;
	[smem:$0x3FB9] =	sst s0  }
0x18: {  	s0 =	sld [smem:$0x3F9C];
	_ =	swait.ge [sflag:s4], $0x0  }
0x19: {  	s7 =	sld [smem:$0x3F9D]  }
0x1a: {  	s8 =	sadd.s32 $0xFFFFE003, lr  }
0x1b: {  	s9 =	sadd.s32 $0xFFFFFEF7, lr;
	s5 =	simm.s32 $0xFFFFFFFF;
	p2 =	slt.u32 s8, $0xFFFFF086  }
0x1c: {  	p1 =	slt.u32 s9, $0xF7A;
	s5 =	simm.s32 @!p2 $0x0  }
0x1d: {  	s5 =	simm.s32 @p1 $0x1;
	p0 =	seq.s32 s7, s2  }
0x1e: {  	s7 =	smul.u32 @!p0 $0xF7A, s2;
	p2 =	seq.s32 @!p0 s5, $0x0  }
0x1f: {  	s9 =	smul.u32 $0xF7A, s1;
	s8 =	simm.s32 @!p0 $0x1BF5;
	p2 =	por !p2, p0  }
0x20: {  	[sflag:s8] =	ssyncset.s32 @!p0 $0xFFFFF086;
	s6 =	sadd.s32 @!p0 s3, s7;
	s7 =	simm.s32 @!p0 $0x108  }
0x21: {  	s3 =	sadd.s32 s3, s9;
	s6 =	sadd.s32 @!p0 $0x88, s6;
	s7 =	simm.s32 @p2 $0x1082  }
0x22: {  	[simem:s7], [sflag:s8] =	dma.local @!p0 [hbm:s6], $0xF7A  }
0x23: {  	s9 =	sor.u32 $0xD0000000, s2;
	s6 =	simm.s32 $0x108;
	_ =	swait.ge @!p0 [sflag:s8], $0x0  }
0x24: {  	s3 =	sadd.s32 $0x88, s3;
	s6 =	simm.s32 @!p1 $0x1082;
	[sflag:s4] =	ssyncset.s32 $0xFFFFF086  }
0x25: {  	[simem:s6], [sflag:s4] =	dma.local [hbm:s3], $0xF7A  }
0x26: {  	[smem:$0x3F9D] =	sst s1;
	(tag) =	ssettag s2;
	_ =	strace s9  }
0x27: {  	s1 =	sld [smem:$0x3FAD]  }
0x28: {  	s2 =	sld [smem:$0x3FAE]  }
0x29: {  	s4 =	sld [smem:$0x3FB0]  }
0x2a: {  	p0 =	seq.s32 s5, $0x0;
	s5 =	sld [smem:$0x3FB1]  }
0x2b: {  	s6 =	sld [smem:$0x3FB2]  }
0x2c: {  	s7 =	sld [smem:$0x3FB3]  }
0x2d: {  	s3 =	simm.s32 $0x108;
	s8 =	sld [smem:$0x3FB4]  }
0x2e: {  	s3 =	simm.s32 @!p0 $0x1082;
	s9 =	sld [smem:$0x3FB5]  }
0x2f: {  	lr =	sadd.s32 s0, s3;
	s0 =	sld [smem:$0x3FAC]  }
0x30: {  	s3 =	sld [smem:$0x3FAF]  }
0x31: {  	[smem:$0x3FB8] =	sst s10  }
0x32: {  	s10 =	sld [smem:$0x3FB6];
	_ =	sdelay $0x3  }
0x33: {  	p0 =	seq.s32 s10, $0x1;
	s10 =	sld [smem:$0x3FB8];
	_ =	sdelay $0x3  }
0x34: {  	[smem:$0x3FB8] =	sst s10  }
0x35: {  	s10 =	sld [smem:$0x3FB7];
	_ =	sdelay $0x3  }
0x36: {  	p1 =	seq.s32 s10, $0x1;
	s10 =	sld [smem:$0x3FB8];
	_ =	sdelay $0x3  }
0x37: {  	[smem:$0x3FB8] =	sst s10  }
0x38: {  	s10 =	sld [smem:$0x3FB9]  }
0x39: {  	_ = 	snop;
	(pc) =	sbr.ind lr, $3  }
0x3a: {  	_ = 	snop  }
0x3b: {  	_ = 	snop  }
0x3c: {  	p2 =	seq.s32 s10, $0x1;
	s10 =	sld [smem:$0x3FB8]  }
0x3d: {  	_ =	shalt  }
0x3e: {  	_ =	shalt  }
0x3f: {  	_ =	shalt  }
0x40: {  	_ =	shalt  }
0x41: {  	_ =	shalt  }
0x42: {  	_ =	shalt  }
0x43: {  	_ =	shalt  }
0x44: {  	_ =	shalt  }
0x45: {  	_ =	shalt  }
0x46: {  	_ =	shalt  }
0x47: {  	_ =	shalt  }
0x48: {  	_ =	shalt  }
0x49: {  	_ =	shalt  }
0x4a: {  	_ =	shalt  }
0x4b: {  	_ =	shalt  }
0x4c: {  	_ =	shalt  }
0x4d: {  	_ =	shalt  }
0x4e: {  	_ =	shalt  }
0x4f: {  	_ =	shalt  }
0x50: {  	_ =	shalt  }
0x51: {  	_ =	shalt  }
0x52: {  	_ =	shalt  }
0x53: {  	_ =	shalt  }
0x54: {  	_ =	shalt  }
0x55: {  	_ =	shalt  }
0x56: {  	_ =	shalt  }
0x57: {  	_ =	shalt  }
0x58: {  	_ =	shalt  }
0x59: {  	_ =	shalt  }
0x5a: {  	_ =	shalt  }
0x5b: {  	_ =	shalt  }
0x5c: {  	_ =	shalt  }
0x5d: {  	_ =	shalt  }
0x5e: {  	_ =	shalt  }
0x5f: {  	_ =	shalt  }
0x60: {  	_ =	shalt  }
0x61: {  	_ =	shalt  }
0x62: {  	_ =	shalt  }
0x63: {  	_ =	shalt  }
0x64: {  	_ =	shalt  }
0x65: {  	_ =	shalt  }
0x66: {  	_ =	shalt  }
0x67: {  	_ =	shalt  }
0x68: {  	_ =	shalt  }
0x69: {  	_ =	shalt  }
0x6a: {  	_ =	shalt  }
0x6b: {  	_ =	shalt  }
0x6c: {  	_ =	shalt  }
0x6d: {  	_ =	shalt  }
0x6e: {  	_ =	shalt  }
0x6f: {  	_ =	shalt  }
0x70: {  	_ =	shalt  }
0x71: {  	_ =	shalt  }
0x72: {  	_ =	shalt  }
0x73: {  	_ =	shalt  }
0x74: {  	_ =	shalt  }
0x75: {  	_ =	shalt  }
0x76: {  	_ =	shalt  }
0x77: {  	_ =	shalt  }
0x78: {  	_ =	shalt  }
0x79: {  	_ =	shalt  }
0x7a: {  	_ =	shalt  }
0x7b: {  	_ =	shalt  }
0x7c: {  	_ =	shalt  }
0x7d: {  	_ =	shalt  }
0x7e: {  	_ =	shalt  }
0x7f: {  	_ =	shalt  }
0x80: {  	_ =	shalt  }
0x81: {  	_ =	shalt  }
0x82: {  	_ =	shalt  }
0x83: {  	_ =	shalt  }
0x84: {  	_ =	shalt  }
0x85: {  	_ =	shalt  }
0x86: {  	_ =	shalt  }
0x87: {  	_ =	shalt  }
.Lfunc_end0:
.L_simem_size_0:
called_computation_lowered:
.L_overlay_start_0:
0x88: {  	s2 =	sld [smem:$0x3FD9]  }
0x89: {  	s3 =	sld [smem:$0x3FFE];
	_ =	sdelay $0x1  }
0x8a: {  	s1 =	srdreg.scid  }
0x8b: {  	s0 =	sand.u32 $0x1, s1  }
0x8c: {  	s15 =	sshll.u32 s0, $0xA;
	s2 =	sadd.s32 s3, s2  }
0x8d: {  	s2 =	sadd.s32 s2, s15  }
0x8e: {  	[smem:$0x3FC4] =	sst s2  }
0x8f: {  	_ = 	snop  }
0x90: {  	s2 =	sld [smem:$0x3FC9]  }
0x91: {  	s16 =	sld [smem:$0x3FD0]  }
0x92: {  	s4 =	sld [smem:$0x3FC8]  }
0x93: {  	s5 =	sld [smem:$0x3FC7]  }
0x94: {  	s7 =	simm.s32 $0xA;
	s8 =	simm.s32 $0x10;
	s6 =	sld [smem:$0x3FC6]  }
0x95: {  	[smem:s8], [sflag:s7] =	dma.local [hbm:s16], $0x1  }
0x96: {  	_ =	swait.eq [sflag:s7], $0x1  }
0x97: {  	[sflag:s7] =	ssyncset.done $0x0  }
0x98: {  	s17 =	sld [smem:$0x10];
	[sflag:s7] =	ssyncadd.s32 $0xFFFFFFFF  }
0x99: {  	s18 =	sld [smem:$0x11];
	(tm) =	ssettm $0x1  }
0x9a: {  	s19 =	sld [smem:$0x3FFB];
	_ =	sdelay $0x3  }
0x9b: {  	_ =	strace s19  }
0x9c: {  	s8 =	sld [smem:$0x3FFC];
	_ =	sdelay $0x3  }
0x9d: {  	_ =	strace s8  }
0x9e: {  	s8 =	sld [smem:$0x3FFD];
	_ =	sdelay $0x3  }
0x9f: {  	_ =	strace s8  }
0xa0: {  	_ =	strace $0x8FFFFFFF  }
0xa1: {  	s20 =	sld [smem:$0x3FDB];
	_ =	sdelay $0x1  }
0xa2: {  	s9 =	simm.s32 $_scs_section_size  }
0xa3: {  	s10 =	simm.s32 $_size__tile_overlayer_lowered;
	s11 =	simm.s32 $_tile_overlayer_lowered  }
0xa4: {  	s23 =	simm.s32 $0x1BFF;
	s22 =	sshll.u32 s11, $0x1;
	s8 =	sadd.s32 s9, s20  }
0xa5: {  	s12 =	simm.s32 $0x0;
	s21 =	sshll.u32 s10, $0x1;
	s10 =	sadd.s32 s22, s8  }
0xa6: {  	[timem:s12], [sflag:s23] =	dma.local [hbm:s10], s21  }
0xa7: {  	_ =	swait.ge [sflag:s23], s21  }
0xa8: {  	s9 =	ssub.s32 $0x0, s21;
	[sflag:s23] =	ssyncset.done $0x0  }
0xa9: {  	[sflag:s23] =	ssyncadd.s32 s9;
	_ =	sdelay $0x1  }
0xaa: {  	s24 =	simm.s32 $0x1B8B  }
0xab: {  	_ =	swait.ge [sflag:s24], $0x1  }
0xac: {  	[sflag:s24] =	ssyncset.done $0x0  }
0xad: {  	s25 =	simm.s32 $0x1B8E;
	[sflag:s24] =	ssyncadd.s32 $0xFFFFFFFF  }
0xae: {  	s26 =	simm.s32 $execute0_lowered;
	[smem:$0x3FD2] =	sst s25  }
0xaf: {  	s9 =	sshll.u32 s26, $0x1;
	_ =	strace $0x80000046;
	[dreg:$0x1] =	wrdreg $0xFFFFFFFF  }
0xb0: {  	s28 =	simm.s32 $_size_execute0_lowered;
	s8 =	sadd.s32 s8, s9;
	[dreg:$0x0] =	wrdreg $0x0  }
0xb1: {  	s9 =	sshll.u32 s28, $0x1;
	[dreg:$0x2] =	wrdreg s8  }
0xb2: {  	[dreg:$0x3] =	wrdreg s9  }
0xb3: {  	[dreg:$0x4] =	wrdreg $0xC0  }
0xb4: {  	_ =	task [dreg:s12], $0x5FFFF  }
0xb5: {  	[dreg:$0x1] =	wrdreg $0xFFFFFFFF  }
0xb6: {  	[dreg:$0x0] =	wrdreg $0x60  }
0xb7: {  	[dreg:$0x2] =	wrdreg s2  }
0xb8: {  	[dreg:$0x3] =	wrdreg s4  }
0xb9: {  	[dreg:$0x4] =	wrdreg s5  }
0xba: {  	[dreg:$0x5] =	wrdreg s6  }
0xbb: {  	[dreg:$0x6] =	wrdreg s17  }
0xbc: {  	[dreg:$0x7] =	wrdreg s18  }
0xbd: {  	[dreg:$0x8] =	wrdreg $0x9  }
0xbe: {  	_ =	task.clear_ibuf [dreg:s12], $0x9FFFF;
	_ =	strace $0x90000046  }
0xbf: {  	s29 =	simm.s32 $0x9;
	_ =	strace $0x80000048  }
0xc0: {  	_ =	swait.ge [sflag:s29], $0x1  }
0xc1: {  	[sflag:s29] =	ssyncadd.s32 $0xFFFFFFFF  }
0xc2: {  	_ =	strace $0x90000048  }
0xc3: {  	_ =	sfence  }
0xc4: {  	s30 =	sld [smem:$0x0];
	_ =	sdelay $0x2  }
0xc5: {  	s31 =	sshll.u32 s1, $0xD;
	s1 =	sshrl.u32 s1, $0x2  }
0xc6: {  	s3 =	sand.u32 $0x4000, s31;
	s1 =	sadd.s32 s1, s30  }
0xc7: {  	s0 =	sor.u32 s3, s0;
	s1 =	sshll.u32 s1, $0x11  }
0xc8: {  	s0 =	sor.u32 s1, s0  }
0xc9: {  	s0 =	sadd.s32 $0x8F2B, s0  }
0xca: {  	[sflag:s0] =	ssyncadd.remote.s32 $0x1  }
0xcb: {  	_ =	sfence.sel $0xFFFF  }
0xcc: {  	[dreg:$0x0] =	wrdreg $0xFFFFFFFF;
	(pc) =	sbr.abs _section_cstart, $3  }
0xcd: {  	[dreg:$0x1] =	wrdreg $0xFFFFFFFF  }
0xce: {  	_ =	task.clear_ibuf [dreg:s12], $0x2FFFF;
	_ =	strace $0x9FFFFFFF  }
0xcf: {  	(tm) =	ssettm $0x7FFFFFFF  }
tec
execute0_lowered:
.L_overlay_start_1:
0x0: {  	(tag) =	ssettag $0x1  }
0x1: {  	s0 =	rddreg [dreg:$0x0]  }
0x2: {  	s1 =	rddreg [dreg:$0x1]  }
0x3: {  	s2 =	rddreg [dreg:$0x2];
	s3 =	srdreg.scid  }
0x4: {  	s5 =	rddreg [dreg:$0x3];
	s4 =	stileid.u32;
	s3 =	sand.u32 $0x1, s3  }
0x5: {  	s8 =	simm.s32 $0x0;
	s4 =	sshll.u32 s4, $0x5;
	s6 =	sshll.u32 s3, $0x4  }
0x6: {  	[smem:$0x7FF] =	sst s8;
	s4 =	sor.u32 s6, s4  }
0x7: {  	s3 =	ssub.s32 $0x2, s3;
	_ =	strace $0x80000047;
	s15 =	sshll.u32 s4, $0x9  }
0x8: {  	s16 =	sshrl.u32 s3, $0x1;
	s7 =	sadd.s32 s1, s15;
	[smem:$0x7FD] =	sst s15  }
0x9: {  	s3 =	ssub.s32 s3, s16;
	s18 =	sadd.s32 s2, s15;
	[dreg:$0x7] =	wrdreg s7  }
0xa: {  	s3 =	smax.u32 s3, $0x1;
	[dreg:$0x8] =	wrdreg s18  }
0xb: {  	s17 =	sor.u32 $0x800, s15;
	s11 =	sadd.s32 s5, s15;
	[dreg:$0x13] =	wrdreg s3  }
0xc: {  	s19 =	sadd.s32 s1, s17;
	[dreg:$0x14] =	wrdreg s11  }
0xd: {  	s20 =	sadd.s32 s2, s17;
	[dreg:$0x9] =	wrdreg s19  }
0xe: {  	s21 =	sor.u32 $0x1000, s15;
	s6 =	sadd.s32 s5, s17;
	[dreg:$0xa] =	wrdreg s20  }
0xf: {  	s22 =	sadd.s32 s1, s21;
	[dreg:$0xb] =	wrdreg s6  }
0x10: {  	s25 =	sor.u32 $0x1800, s15;
	s23 =	sadd.s32 s2, s21;
	[dreg:$0xc] =	wrdreg s22  }
0x11: {  	s17 =	sshrl.u32 s4, $0x2;
	s24 =	sadd.s32 s5, s21;
	[dreg:$0xd] =	wrdreg s23  }
0x12: {  	s30 =	sadd.s32 s1, s25;
	[dreg:$0xe] =	wrdreg s24;
	s26 =	smax.u32 s17, $0x5  }
0x13: {  	s31 =	sadd.s32 s2, s25;
	[dreg:$0xf] =	wrdreg s30;
	s6 =	smin.u32 s26, $0x77  }
0x14: {  	s4 =	sadd.s32 s5, s25;
	[dreg:$0x10] =	wrdreg s31;
	s10 =	smul.u32 $0x82, s6  }
0x15: {  	[dreg:$0x11] =	wrdreg s4  }
0x16: {  	s12 =	sadd.s32 $0xFFFFFD76, s10;
	[dreg:$0x12] =	wrdreg s10  }
0x17: {  	s13 =	sadd.s32 $0xFFFFFDF8, s10;
	[dreg:$0x15] =	wrdreg s12  }
0x18: {  	s14 =	sadd.s32 $0xFFFFFE7A, s10;
	[dreg:$0x16] =	wrdreg s13  }
0x19: {  	s16 =	sadd.s32 $0xFFFFFEFC, s10;
	[dreg:$0x17] =	wrdreg s14  }
0x1a: {  	s18 =	sadd.s32 $0xFFFFFF7E, s10;
	[dreg:$0x18] =	wrdreg s16  }
0x1b: {  	s19 =	sadd.s32 $0x82, s10;
	[dreg:$0x19] =	wrdreg s18  }
0x1c: {  	v3 =	vlaneseq.u32;
	s20 =	sadd.s32 $0x104, s10;
	[dreg:$0x1a] =	wrdreg s19  }
0x1d: {  	v4 =	vimm.s32 $0x0;
	v5 =	vimm.s32 $0x108;
	v6 =	vimm.s32 $0x14A0;
	s21 =	sadd.s32 $0x186, s10;
	[dreg:$0x1b] =	wrdreg s20  }
0x1e: {  	vm0 =	vcmask $0x3F30;
	vm1 =	vcmask $0x3F20;
	vm2 =	vcmask $0x1710;
	s22 =	sadd.s32 $0x208, s10;
	[dreg:$0x1c] =	wrdreg s21  }
0x1f: {  	vm3 =	vcmask $0x700;
	vm4 =	vcmask $0xB08;
	vm5 =	vcmask $0x300;
	s28 =	simm.s32 $0x1D000;
	s23 =	sadd.s32 $0x28A, s10;
	[dreg:$0x1d] =	wrdreg s22  }
0x20: {  	s29 =	simm.s32 $0x1E000;
	vm2 =	vmor vm3, vm2;
	vm3 =	vmor vm5, vm4;
	vm4 =	vcmask $0x1310;
	s24 =	sadd.s32 $0x30C, s10;
	[dreg:$0x1e] =	wrdreg s23  }
0x21: {  	vm5 =	vcmask $0x2720;
	vm3 =	vmor vm3, vm4;
	vm4 =	vcmask $0x1B18;
	s4 =	simm.s32 $0x0;
	s25 =	sadd.s32 $0x38E, s10;
	[dreg:$0x1f] =	wrdreg s24  }
0x22: {  	vm2 =	vmor vm2, vm5;
	vm3 =	vmor vm3, vm4;
	vm4 =	vcmask $0x2320;
	s9 =	sadd.s32 $0xFFFFFFFB, s6;
	s26 =	sadd.s32 $0x410, s10;
	[smem:$0x7F9] =	sst s25  }
.Ltmp0:
0x23: {  	vm5 =	vcmask $0x3730;
	vm3 =	vmor vm3, vm4;
	vm4 =	vcmask $0x2B28;
	s30 =	sadd.s32 $0x492, s10;
	[smem:$0x7FA] =	sst s26;
	(pc) =	sbr.rel .LBB2_1-.Ltmp0, $4  }
0x24: {  	vm2 =	vmor vm2, vm5;
	vm5 =	vcmask $0x3330;
	vm4 =	vmor vm3, vm4;
	s6 =	sadd.s32 $0xA, s6;
	s31 =	sadd.s32 $0x514, s10;
	[smem:$0x7FB] =	sst s30  }
0x25: {  	v7 =	vand.u32 $0x1, v3;
	vm4 =	vmor vm4, vm5;
	vm5 =	vcmask $0x3B38;
	[smem:$0x7FC] =	sst s31;
	s18 =	simm.s32 $0x2;
	s19 =	simm.s32 $0x1  }
0x26: {  	vm3 =	vmmov $0xf;
	v2 =	vmov s17;
	vm4 =	vmor vm4, vm5;
	s20 =	simm.s32 $0x1C000;
	s21 =	simm.s32 $0x1F100;
	s23 =	simm.s32 $0x4  }
0x27: {  	vm5 =	vcmask $0x3F3C;
	v0 =	vmov s9;
	v1 =	vmov s6;
	s24 =	simm.s32 $0x10;
	s25 =	simm.s32 $0x1F000;
	s26 =	simm.s32 $0x1F080  }
.LBB2_14:
0x28: {  	s3 =	simm.s32 $0x3  }
0x29: {  	_ =	swait.ge [sflag:s3], $0x400  }
0x2a: {  	[sflag:s3] =	ssyncset.done $0x0  }
0x2b: {  	[sflag:s3] =	ssyncadd.s32 $0xFFFFFC00  }
0x2c: {  	_ =	swait.ge [sflag:s3], $0x400  }
0x2d: {  	[sflag:s3] =	ssyncset.done $0x0  }
0x2e: {  	[sflag:s3] =	ssyncadd.s32 $0xFFFFFC00  }
0x2f: {  	_ =	swait.ge [sflag:s3], $0x400  }
0x30: {  	[sflag:s3] =	ssyncset.done $0x0  }
0x31: {  	[sflag:s3] =	ssyncadd.s32 $0xFFFFFC00  }
0x32: {  	_ =	swait.ge [sflag:s3], $0x400  }
0x33: {  	[sflag:s3] =	ssyncset.done $0x0  }
0x34: {  	[sflag:s3] =	ssyncadd.s32 $0xFFFFFC00  }
0x35: {  	_ =	swait.ge [sflag:s3], $0x400  }
0x36: {  	[sflag:s3] =	ssyncset.done $0x0  }
0x37: {  	[sflag:s3] =	ssyncadd.s32 $0xFFFFFC00  }
0x38: {  	_ =	swait.ge [sflag:s3], $0x400  }
0x39: {  	[sflag:s3] =	ssyncset.done $0x0  }
0x3a: {  	[sflag:s3] =	ssyncadd.s32 $0xFFFFFC00  }
0x3b: {  	_ =	swait.ge [sflag:s3], $0x400  }
0x3c: {  	[sflag:s3] =	ssyncset.done $0x0  }
0x3d: {  	[sflag:s3] =	ssyncadd.s32 $0xFFFFFC00  }
0x3e: {  	_ =	swait.ge [sflag:s3], $0x400  }
0x3f: {  	[sflag:s3] =	ssyncset.done $0x0  }
0x40: {  	[sflag:s3] =	ssyncadd.s32 $0xFFFFFC00  }
0x41: {  	_ =	swait.ge [sflag:s18], $0x400  }
0x42: {  	[sflag:s18] =	ssyncset.done $0x0  }
0x43: {  	[sflag:s18] =	ssyncadd.s32 $0xFFFFFC00  }
0x44: {  	_ =	swait.ge [sflag:s18], $0x400  }
0x45: {  	[sflag:s18] =	ssyncset.done $0x0  }
0x46: {  	[sflag:s18] =	ssyncadd.s32 $0xFFFFFC00  }
0x47: {  	_ =	swait.ge [sflag:s18], $0x400  }
0x48: {  	[sflag:s18] =	ssyncset.done $0x0  }
0x49: {  	[sflag:s18] =	ssyncadd.s32 $0xFFFFFC00  }
0x4a: {  	_ =	swait.ge [sflag:s18], $0x400  }
0x4b: {  	[sflag:s18] =	ssyncset.done $0x0  }
0x4c: {  	[sflag:s18] =	ssyncadd.s32 $0xFFFFFC00  }
0x4d: {  	_ =	swait.ge [sflag:s18], $0x400  }
0x4e: {  	[sflag:s18] =	ssyncset.done $0x0  }
0x4f: {  	[sflag:s18] =	ssyncadd.s32 $0xFFFFFC00  }
0x50: {  	_ =	swait.ge [sflag:s18], $0x400  }
0x51: {  	[sflag:s18] =	ssyncset.done $0x0  }
0x52: {  	[sflag:s18] =	ssyncadd.s32 $0xFFFFFC00  }
0x53: {  	_ =	swait.ge [sflag:s18], $0x400  }
0x54: {  	[sflag:s18] =	ssyncset.done $0x0  }
0x55: {  	[sflag:s18] =	ssyncadd.s32 $0xFFFFFC00  }
0x56: {  	_ =	swait.ge [sflag:s18], $0x400  }
0x57: {  	[sflag:s18] =	ssyncset.done $0x0  }
0x58: {  	[sflag:s18] =	ssyncadd.s32 $0xFFFFFC00  }
0x59: {  	_ =	swait.ge [sflag:s18], $0x400  }
0x5a: {  	[sflag:s18] =	ssyncset.done $0x0  }
0x5b: {  	[sflag:s18] =	ssyncadd.s32 $0xFFFFFC00  }
0x5c: {  	_ =	swait.ge [sflag:s18], $0x400  }
0x5d: {  	[sflag:s18] =	ssyncset.done $0x0  }
0x5e: {  	[sflag:s18] =	ssyncadd.s32 $0xFFFFFC00  }
0x5f: {  	_ =	swait.ge [sflag:s18], $0x400  }
0x60: {  	[sflag:s18] =	ssyncset.done $0x0  }
0x61: {  	[sflag:s18] =	ssyncadd.s32 $0xFFFFFC00  }
0x62: {  	_ =	swait.ge [sflag:s18], $0x400  }
0x63: {  	s4 =	sld [smem:$0x7F8];
	_ =	sdelay $0x2  }
0x64: {  	s31 =	rddreg [dreg:$0x13];
	s4 =	sadd.s32 $0x1, s4  }
0x65: {  	p0 =	sne.s32 s4, s31  }
.Ltmp1:
0x66: {  	_ = 	snop;
	(pc) =	sbr.rel @!p0 .LBB2_15-.Ltmp1, $3  }
0x67: {  	_ =	sdelay $0x1  }
0x68: {  	[sflag:s18] =	ssyncset.done $0x0  }
0x69: {  	[sflag:s18] =	ssyncadd.s32 $0xFFFFFC00  }
.LBB2_1:
0x6a: {  	s3 =	rddreg [dreg:$0x7];
	s7 =	simm.s32 $0x16000  }
0x6b: {  	[tilespmem:s7], [sflag:$0x2] =	stream.linear.gather [hbm4b:s3+s8], $0x400, $0x38;
	[tilespmem:$0x1F180] =	vst v63  }
0x6c: {  	s9 =	rddreg [dreg:$0x8];
	s10 =	simm.s32 $0x17000  }
0x6d: {  	[tilespmem:s10], [sflag:$0x2] =	stream.linear.gather [hbm4b:s9+s8], $0x400, $0x38;
	[tilespmem:$0x1F180] =	vst v63  }
0x6e: {  	s11 =	rddreg [dreg:$0x14];
	s12 =	simm.s32 $0x18000  }
0x6f: {  	[tilespmem:s12], [sflag:$0x2] =	stream.linear.gather [hbm4b:s11+s8], $0x400, $0x38;
	[tilespmem:$0x1F180] =	vst v63  }
0x70: {  	s13 =	rddreg [dreg:$0x9];
	s14 =	simm.s32 $0x16400  }
0x71: {  	[tilespmem:s14], [sflag:$0x2] =	stream.linear.gather [hbm4b:s13+s8], $0x400, $0x38;
	[tilespmem:$0x1F180] =	vst v63  }
0x72: {  	s15 =	rddreg [dreg:$0xa];
	s16 =	simm.s32 $0x17400  }
0x73: {  	[tilespmem:s16], [sflag:$0x2] =	stream.linear.gather [hbm4b:s15+s8], $0x400, $0x38;
	[tilespmem:$0x1F180] =	vst v63  }
0x74: {  	s22 =	rddreg [dreg:$0xb];
	s31 =	simm.s32 $0x18400  }
0x75: {  	[tilespmem:s31], [sflag:$0x2] =	stream.linear.gather [hbm4b:s22+s8], $0x400, $0x38;
	[tilespmem:$0x1F180] =	vst v63  }
0x76: {  	s6 =	rddreg [dreg:$0xc];
	s7 =	simm.s32 $0x16800  }
0x77: {  	[tilespmem:s7], [sflag:$0x2] =	stream.linear.gather [hbm4b:s6+s8], $0x400, $0x38;
	[tilespmem:$0x1F180] =	vst v63  }
0x78: {  	s9 =	rddreg [dreg:$0xd];
	s10 =	simm.s32 $0x17800  }
0x79: {  	[tilespmem:s10], [sflag:$0x2] =	stream.linear.gather [hbm4b:s9+s8], $0x400, $0x38;
	[tilespmem:$0x1F180] =	vst v63  }
0x7a: {  	s11 =	rddreg [dreg:$0xe];
	s12 =	simm.s32 $0x18800  }
0x7b: {  	[tilespmem:s12], [sflag:$0x2] =	stream.linear.gather [hbm4b:s11+s8], $0x400, $0x38;
	[tilespmem:$0x1F180] =	vst v63  }
0x7c: {  	s13 =	rddreg [dreg:$0xf];
	s14 =	simm.s32 $0x16C00  }
0x7d: {  	[tilespmem:s14], [sflag:$0x2] =	stream.linear.gather [hbm4b:s13+s8], $0x400, $0x38;
	[tilespmem:$0x1F180] =	vst v63  }
.Ltmp2:
0x7e: {  	[smem:$0x7F8] =	sst s4;
	(pc) =	sbr.rel .LBB2_2-.Ltmp2, $4  }
0x7f: {  	s15 =	rddreg [dreg:$0x10];
	s16 =	simm.s32 $0x17C00  }
0x80: {  	[tilespmem:s16], [sflag:$0x2] =	stream.linear.gather [hbm4b:s15+s8], $0x400, $0x38;
	[tilespmem:$0x1F180] =	vst v63  }
0x81: {  	s30 =	simm.s32 $0x0;
	s22 =	rddreg [dreg:$0x11];
	s31 =	simm.s32 $0x18C00  }
0x82: {  	[tilespmem:s31], [sflag:$0x2] =	stream.linear.gather [hbm4b:s22+s8], $0x400, $0x38;
	[tilespmem:$0x1F180] =	vst v63  }
.LBB2_13:
0x83: {  	s3 =	sshll.u32 s16, $0x7  }
0x84: {  	s7 =	rddreg [dreg:$0x4];
	s3 =	sadd.s32 s15, s3  }
0x85: {  	s9 =	rddreg [dreg:$0x5];
	s4 =	sadd.s32 s7, s3  }
0x86: {  	[hbm4b:s4+s8] =	stream.linear.scatter [tilespmem:s28], [sflag:$0x3], $0x400, $0x38;
	[tilespmem:$0x1F180] =	vst v63  }
0x87: {  	s22 =	sadd.s32 s9, s3;
	s31 =	sor.u32 $0x800, s3  }
0x88: {  	[hbm4b:s22+s8] =	stream.linear.scatter [tilespmem:s29], [sflag:$0x3], $0x400, $0x38;
	[tilespmem:$0x1F180] =	vst v63  }
0x89: {  	s10 =	simm.s32 $0x1D400;
	s6 =	sadd.s32 s7, s31  }
0x8a: {  	[hbm4b:s6+s8] =	stream.linear.scatter [tilespmem:s10], [sflag:$0x3], $0x400, $0x38;
	[tilespmem:$0x1F180] =	vst v63  }
0x8b: {  	s11 =	simm.s32 $0x1E400;
	s12 =	sor.u32 $0x1000, s3;
	s4 =	sadd.s32 s9, s31  }
0x8c: {  	[hbm4b:s4+s8] =	stream.linear.scatter [tilespmem:s11], [sflag:$0x3], $0x400, $0x38;
	[tilespmem:$0x1F180] =	vst v63  }
0x8d: {  	s14 =	simm.s32 $0x1D800;
	s13 =	sadd.s32 s7, s12  }
0x8e: {  	[hbm4b:s13+s8] =	stream.linear.scatter [tilespmem:s14], [sflag:$0x3], $0x400, $0x38;
	[tilespmem:$0x1F180] =	vst v63  }
0x8f: {  	p0 =	sne.s32 s30, $0x10;
	s15 =	simm.s32 $0x1E800;
	s4 =	sadd.s32 s9, s12  }
0x90: {  	[hbm4b:s4+s8] =	stream.linear.scatter [tilespmem:s15], [sflag:$0x3], $0x400, $0x38;
	[tilespmem:$0x1F180] =	vst v63  }
.Ltmp3:
0x91: {  	s3 =	sor.u32 $0x1800, s3;
	(pc) =	sbr.rel @!p0 .LBB2_14-.Ltmp3, $4  }
0x92: {  	s16 =	sadd.s32 s7, s3;
	s22 =	simm.s32 $0x1DC00  }
0x93: {  	[hbm4b:s16+s8] =	stream.linear.scatter [tilespmem:s22], [sflag:$0x3], $0x400, $0x38;
	[tilespmem:$0x1F180] =	vst v63  }
0x94: {  	s3 =	sadd.s32 s9, s3;
	s31 =	simm.s32 $0x1EC00  }
0x95: {  	[hbm4b:s3+s8] =	stream.linear.scatter [tilespmem:s31], [sflag:$0x3], $0x400, $0x38;
	[tilespmem:$0x1F180] =	vst v63  }
.LBB2_2:
0x96: {  	s31 =	sshll.u32 s30, $0x3  }
0x97: {  	s4 =	smax.u32 s31, $0x5  }
0x98: {  	s7 =	smin.u32 s4, $0x73  }
0x99: {  	s11 =	rddreg [dreg:$0x15];
	s6 =	sadd.s32 $0xFFFFFFFB, s7  }
0x9a: {  	s9 =	rddreg [dreg:$0x16];
	s4 =	sadd.s32 s11, s6  }
0x9b: {  	s14 =	rddreg [dreg:$0x17];
	s10 =	sadd.s32 s9, s6;
	s4 =	smul.u32 $0x21, s4  }
0x9c: {  	s13 =	simm.s32 $0x14A0;
	s15 =	rddreg [dreg:$0x18];
	s10 =	smul.u32 $0x21, s10  }
0x9d: {  	s11 =	simm.s32 $0x0;
	s16 =	sadd.s32 s15, s6;
	s15 =	rddreg [dreg:$0x12]  }
0x9e: {  	s4 =	sadd.s32 s0, s4;
	s12 =	sadd.s32 s0, s10;
	s10 =	smul.u32 $0x21, s16  }
0x9f: {  	[tilespmem:s11], [sflag:$0x1] =	stream.linear.gather [hbm4b:s4+s11], $0x14A0, $0x38;
	[tilespmem:$0x1F180] =	vst v63  }
0xa0: {  	s16 =	sadd.s32 s15, s6;
	s15 =	rddreg [dreg:$0x1b];
	s4 =	sadd.s32 s14, s6  }
0xa1: {  	s22 =	simm.s32 $0x2940;
	s14 =	rddreg [dreg:$0x19];
	s4 =	smul.u32 $0x21, s4  }
0xa2: {  	[tilespmem:s13], [sflag:$0x1] =	stream.linear.gather [hbm4b:s12+s11], $0x14A0, $0x38;
	[tilespmem:$0x1F180] =	vst v63  }
0xa3: {  	s12 =	sadd.s32 s0, s10;
	s13 =	simm.s32 $0x3DE0;
	s4 =	sadd.s32 s0, s4  }
0xa4: {  	[tilespmem:s22], [sflag:$0x1] =	stream.linear.gather [hbm4b:s4+s11], $0x14A0, $0x38;
	[tilespmem:$0x1F180] =	vst v63  }
0xa5: {  	s10 =	smul.u32 $0x21, s16;
	s16 =	sadd.s32 s15, s6;
	s4 =	sadd.s32 s14, s6  }
0xa6: {  	s15 =	rddreg [dreg:$0x1d];
	s22 =	simm.s32 $0x5280;
	s4 =	smul.u32 $0x21, s4  }
0xa7: {  	[tilespmem:s13], [sflag:$0x1] =	stream.linear.gather [hbm4b:s12+s11], $0x14A0, $0x38;
	[tilespmem:$0x1F180] =	vst v63  }
0xa8: {  	s14 =	rddreg [dreg:$0x1a];
	s12 =	sadd.s32 s0, s10;
	s4 =	sadd.s32 s0, s4  }
0xa9: {  	[tilespmem:s22], [sflag:$0x1] =	stream.linear.gather [hbm4b:s4+s11], $0x14A0, $0x38;
	[tilespmem:$0x1F180] =	vst v63  }
0xaa: {  	s13 =	simm.s32 $0x6720;
	s10 =	smul.u32 $0x21, s16;
	s4 =	sadd.s32 s14, s6  }
0xab: {  	s16 =	sadd.s32 s15, s6;
	s15 =	rddreg [dreg:$0x1f];
	s4 =	smul.u32 $0x21, s4  }
0xac: {  	[tilespmem:s13], [sflag:$0x1] =	stream.linear.gather [hbm4b:s12+s11], $0x14A0, $0x38;
	[tilespmem:$0x1F180] =	vst v63  }
0xad: {  	s22 =	simm.s32 $0x7BC0;
	s14 =	rddreg [dreg:$0x1c];
	s4 =	sadd.s32 s0, s4  }
0xae: {  	[tilespmem:s22], [sflag:$0x1] =	stream.linear.gather [hbm4b:s4+s11], $0x14A0, $0x38;
	[tilespmem:$0x1F180] =	vst v63  }
0xaf: {  	s12 =	sadd.s32 s0, s10;
	s10 =	smul.u32 $0x21, s16;
	s4 =	sadd.s32 s14, s6  }
0xb0: {  	s13 =	simm.s32 $0x9060;
	s16 =	sadd.s32 s15, s6;
	s4 =	smul.u32 $0x21, s4  }
0xb1: {  	[tilespmem:s13], [sflag:$0x1] =	stream.linear.gather [hbm4b:s12+s11], $0x14A0, $0x38;
	[tilespmem:$0x1F180] =	vst v63  }
0xb2: {  	s22 =	simm.s32 $0xA500;
	s14 =	rddreg [dreg:$0x1e];
	s4 =	sadd.s32 s0, s4  }
0xb3: {  	[tilespmem:s22], [sflag:$0x1] =	stream.linear.gather [hbm4b:s4+s11], $0x14A0, $0x38;
	[tilespmem:$0x1F180] =	vst v63  }
0xb4: {  	s15 =	sld [smem:$0x7FA];
	s12 =	sadd.s32 s0, s10;
	s4 =	sadd.s32 s14, s6  }
0xb5: {  	s13 =	simm.s32 $0xB9A0;
	s14 =	sld [smem:$0x7F9];
	s4 =	smul.u32 $0x21, s4  }
0xb6: {  	[tilespmem:s13], [sflag:$0x1] =	stream.linear.gather [hbm4b:s12+s11], $0x14A0, $0x38;
	[tilespmem:$0x1F180] =	vst v63  }
0xb7: {  	s10 =	smul.u32 $0x21, s16;
	s22 =	simm.s32 $0xCE40;
	s4 =	sadd.s32 s0, s4  }
0xb8: {  	[tilespmem:s22], [sflag:$0x1] =	stream.linear.gather [hbm4b:s4+s11], $0x14A0, $0x38;
	[tilespmem:$0x1F180] =	vst v63  }
0xb9: {  	s16 =	sadd.s32 s15, s6;
	s4 =	sadd.s32 s14, s6  }
0xba: {  	s12 =	sadd.s32 s0, s10;
	s13 =	simm.s32 $0xE2E0;
	s4 =	smul.u32 $0x21, s4  }
0xbb: {  	[tilespmem:s13], [sflag:$0x1] =	stream.linear.gather [hbm4b:s12+s11], $0x14A0, $0x38;
	[tilespmem:$0x1F180] =	vst v63  }
0xbc: {  	s10 =	smul.u32 $0x21, s16;
	s12 =	sld [smem:$0x7FB]  }
0xbd: {  	s22 =	simm.s32 $0xF780;
	s13 =	sld [smem:$0x7FC];
	s4 =	sadd.s32 s0, s4  }
0xbe: {  	[tilespmem:s22], [sflag:$0x1] =	stream.linear.gather [hbm4b:s4+s11], $0x14A0, $0x38;
	[tilespmem:$0x1F180] =	vst v63  }
0xbf: {  	s9 =	sadd.s32 s0, s10;
	s4 =	sadd.s32 s12, s6  }
0xc0: {  	s10 =	simm.s32 $0x10C20;
	s14 =	sadd.s32 s13, s6;
	s4 =	smul.u32 $0x21, s4  }
0xc1: {  	[tilespmem:s10], [sflag:$0x1] =	stream.linear.gather [hbm4b:s9+s11], $0x14A0, $0x38;
	[tilespmem:$0x1F180] =	vst v63  }
0xc2: {  	s15 =	simm.s32 $0x120C0;
	s10 =	smul.u32 $0x21, s14;
	s4 =	sadd.s32 s0, s4  }
0xc3: {  	[tilespmem:s15], [sflag:$0x1] =	stream.linear.gather [hbm4b:s4+s11], $0x14A0, $0x38;
	[tilespmem:$0x1F180] =	vst v63  }
0xc4: {  	s22 =	simm.s32 $0x13560;
	s16 =	sadd.s32 s0, s10  }
0xc5: {  	[tilespmem:s22], [sflag:$0x1] =	stream.linear.gather [hbm4b:s16+s11], $0x14A0, $0x38;
	[tilespmem:$0x1F180] =	vst v63  }
0xc6: {  	_ =	swait.ge [sflag:s18], $0x400  }
0xc7: {  	[sflag:s18] =	ssyncset.done $0x0  }
0xc8: {  	[sflag:s18] =	ssyncadd.s32 $0xFFFFFC00  }
0xc9: {  	_ =	swait.ge [sflag:s18], $0x400  }
0xca: {  	[sflag:s18] =	ssyncset.done $0x0  }
0xcb: {  	[sflag:s18] =	ssyncadd.s32 $0xFFFFFC00  }
0xcc: {  	_ =	swait.ge [sflag:s18], $0x400  }
0xcd: {  	[sflag:s18] =	ssyncset.done $0x0  }
0xce: {  	[sflag:s18] =	ssyncadd.s32 $0xFFFFFC00  }
0xcf: {  	_ =	swait.ge [sflag:s18], $0x400  }
0xd0: {  	[sflag:s18] =	ssyncset.done $0x0  }
0xd1: {  	[sflag:s18] =	ssyncadd.s32 $0xFFFFFC00  }
0xd2: {  	_ =	swait.ge [sflag:s18], $0x400  }
0xd3: {  	[sflag:s18] =	ssyncset.done $0x0  }
0xd4: {  	[sflag:s18] =	ssyncadd.s32 $0xFFFFFC00  }
0xd5: {  	_ =	swait.ge [sflag:s18], $0x400  }
0xd6: {  	[sflag:s18] =	ssyncset.done $0x0  }
0xd7: {  	[sflag:s18] =	ssyncadd.s32 $0xFFFFFC00  }
0xd8: {  	_ =	swait.ge [sflag:s18], $0x400  }
0xd9: {  	[sflag:s18] =	ssyncset.done $0x0  }
0xda: {  	[sflag:s18] =	ssyncadd.s32 $0xFFFFFC00  }
0xdb: {  	_ =	swait.ge [sflag:s18], $0x400  }
0xdc: {  	[sflag:s18] =	ssyncset.done $0x0  }
0xdd: {  	[sflag:s18] =	ssyncadd.s32 $0xFFFFFC00  }
0xde: {  	_ =	swait.ge [sflag:s18], $0x400  }
0xdf: {  	[sflag:s18] =	ssyncset.done $0x0  }
0xe0: {  	[sflag:s18] =	ssyncadd.s32 $0xFFFFFC00  }
0xe1: {  	_ =	swait.ge [sflag:s18], $0x400  }
0xe2: {  	[sflag:s18] =	ssyncset.done $0x0  }
0xe3: {  	[sflag:s18] =	ssyncadd.s32 $0xFFFFFC00  }
0xe4: {  	_ =	swait.ge [sflag:s18], $0x400  }
0xe5: {  	[sflag:s18] =	ssyncset.done $0x0  }
0xe6: {  	[sflag:s18] =	ssyncadd.s32 $0xFFFFFC00  }
0xe7: {  	_ =	swait.ge [sflag:s18], $0x400  }
0xe8: {  	[sflag:s18] =	ssyncset.done $0x0  }
0xe9: {  	s4 =	simm.s32 $0x17000;
	[sflag:s18] =	ssyncadd.s32 $0xFFFFFC00  }
0xea: {  	v8 =	vmov s11;
	s10 =	simm.s32 $0x16000;
	v9 =	vld [tilespmem:s4+$0x0]  }
0xeb: {  	v11 =	vshrl.u32 v8, $0xA;
	v8 =	vshrl.u32 v8, $0x7;
	v12 =	vld [tilespmem:s10+$0x0]  }
0xec: {  	v10 =	vmov s31;
	v8 =	vand.u32 $0x7, v8  }
0xed: {  	v11 =	vor.u32 v2, v11;
	v8 =	vor.u32 v10, v8  }
0xee: {  	s3 =	smov.u32 s30;
	s30 =	simm.s32 $0x18000;
	v11 =	vcvt.s32.f32 v11;
	v8 =	vcvt.s32.f32 v8  }
0xef: {  	v14 =	vor.u32 s11, v3;
	v13 =	vld [tilespmem:s30+$0x0]  }
0xf0: {  	v9 =	vadd.f32 v11, v9;
	v11 =	vand.u32 $0x7F, v14;
	v14 =	vadd.f32 v8, v12;
	_ =	sdelay $0x1  }
0xf1: {  	s7 =	sadd.s32 $0xE, s7;
	v15 =	vcvt.s32.f32 v11;
	v12 =	vadd.f32 $1.000000000e+00, v9;
	v17 =	vadd.f32 $1.000000000e+00, v14  }
0xf2: {  	v8 =	vmov s6;
	v11 =	vmov s7  }
0xf3: {  	v13 =	vadd.f32 v15, v13;
	v14 =	vtrunc.f32 v12;
	v15 =	vtrunc.f32 v17  }
0xf4: {  	v16 =	vcvt.f32.s32 v14;
	vm6 =	vlt.f32 v12, v14;
	v14 =	vcvt.f32.s32 v15  }
0xf5: {  	vm7 =	vlt.f32 v17, v15;
	v13 =	vadd.f32 $1.000000000e+00, v13;
	v15 =	vsel vm6, $0xFFFFFFFF, v4  }
0xf6: {  	v9 =	vimm.s32 $0x0;
	v18 =	vsel vm7, $0xFFFFFFFF, v4;
	v15 =	vadd.s32 v16, v15  }
0xf7: {  	v14 =	vadd.s32 v14, v18;
	v16 =	vtrunc.f32 v13;
	vm6 =	vgt.s32 v15, $0x0  }
0xf8: {  	vm7 =	vgt.s32 v14, $0x0;
	v19 =	vadd.s32 $0x1, v14;
	v20 =	vcvt.f32.s32 v16  }
0xf9: {  	vm8 =	vlt.f32 v13, v16;
	v14 =	vnsel vm7, $0x0, v14;
	vm7 =	vgt.s32 v19, $0x0  }
0xfa: {  	v18 =	vadd.s32 $0x1, v15;
	v21 =	vsel vm8, $0xFFFFFFFF, v4;
	v16 =	vnsel vm7, $0x0, v19  }
0xfb: {  	v19 =	vnsel vm6, $0x0, v15;
	v15 =	vmin.u32 v14, $0x81;
	v20 =	vadd.s32 v20, v21  }
0xfc: {  	vm6 =	vgt.s32 v18, $0x0;
	v16 =	vmin.u32 v16, $0x81;
	v14 =	vmin.u32 v19, $0x81  }
0xfd: {  	vm9 =	vgt.s32 v20, $0x0;
	v19 =	vadd.s32 $0x1, v20;
	v18 =	vnsel vm6, $0x0, v18  }
0xfe: {  	vm8 =	vlt.s32 v15, v8;
	vm7 =	vgt.u32 v16, v11;
	vm6 =	vlt.s32 v14, v0  }
0xff: {  	v21 =	vnsel vm9, $0x0, v20;
	vm9 =	vgt.s32 v19, $0x0;
	v20 =	vcvt.s32.f32 v16  }
0x100: {  	s13 =	simm.s32 $0x1A000;
	s12 =	simm.s32 $0x1B000;
	s14 =	simm.s32 $0x19000;
	v23 =	vmin.u32 v18, $0x81;
	v18 =	vshll.u32 v15, $0x8;
	v19 =	vnsel vm9, $0x0, v19  }
0x101: {  	s15 =	simm.s32 $0x10;
	s11 =	simm.s32 $0x1C000;
	s16 =	simm.s32 $0x1C010;
	v22 =	vmin.u32 v21, $0x81;
	vm9 =	vgt.u32 v23, v1;
	v19 =	vmin.u32 v19, $0x81  }
0x102: {  	s22 =	simm.s32 $0x19010;
	s6 =	simm.s32 $0x1A010;
	s7 =	simm.s32 $0x1B010;
	v17 =	vsub.f32 v20, v17;
	v20 =	vsub.s32 v23, v14;
	v21 =	vcvt.s32.f32 v19  }
.LBB2_3:
0x103: {  	v23 =	vcvt.s32.f32 v23;
	v15 =	vsub.s32 v16, v15;
	vm7 =	vmor vm8, vm7;
	s10 =	sadd.s32 $0x10, s10;
	s4 =	sadd.s32 $0x10, s4;
	s30 =	sadd.s32 $0x10, s30  }
0x104: {  	p0 =	sne.s32 s15, $0xFF0;
	v16 =	vshll.u32 v22, $0x10;
	s9 =	smov.u32 s15;
	s15 =	sadd.s32 $0x10, s15;
	v13 =	vsub.f32 v21, v13;
	v15 =	vshll.u32 v15, $0x18  }
0x105: {  	v19 =	vsub.s32 v19, v22;
	v16 =	vor.u32 v18, v16;
	v18 =	vshll.u32 v20, $0x19  }
0x106: {  	vm6 =	vmor vm6, vm9;
	v12 =	vsub.f32 v23, v12;
	v15 =	vor.u32 v15, v16  }
0x107: {  	vm6 =	vmor vm7, vm6;
	v16 =	vshll.u32 v19, $0x1A;
	v15 =	vor.u32 v15, v18;
	[tilespmem:s14+$0x0] =	vst v17;
	s14 =	smov.u32 s22  }
0x108: {  	v17 =	vsel vm6, $0x8000000, v4;
	v15 =	vor.u32 v16, v15;
	[tilespmem:s13+$0x0] =	vst v12;
	v12 =	vsel vm6, $0x1, v4;
	s13 =	smov.u32 s6  }
0x109: {  	[tilespmem:s12+$0x0] =	vst v13;
	v13 =	vor.u32 v17, v15;
	v9 =	vor.u32 v12, v9;
	s12 =	smov.u32 s7  }
0x10a: {  	v12 =	vor.u32 v14, v13  }
0x10b: {  	[tilespmem:s11+$0x0] =	vst v12;
	s11 =	smov.u32 s16  }
0x10c: {  	v12 =	vmov s9;
	v13 =	vld [tilespmem:s4+$0x0]  }
0x10d: {  	v14 =	vshrl.u32 v12, $0xA;
	v12 =	vshrl.u32 v12, $0x7;
	v15 =	vld [tilespmem:s10+$0x0]  }
0x10e: {  	v12 =	vand.u32 $0x7, v12;
	v14 =	vor.u32 v2, v14  }
0x10f: {  	v12 =	vor.u32 v10, v12;
	v14 =	vcvt.s32.f32 v14;
	v16 =	vld [tilespmem:s30+$0x0]  }
0x110: {  	v17 =	vor.u32 s9, v3;
	v12 =	vcvt.s32.f32 v12  }
0x111: {  	v17 =	vand.u32 $0x7F, v17;
	v13 =	vadd.f32 v14, v13  }
0x112: {  	v14 =	vadd.f32 v12, v15;
	v15 =	vcvt.s32.f32 v17  }
0x113: {  	v12 =	vadd.f32 $1.000000000e+00, v13  }
0x114: {  	v17 =	vadd.f32 $1.000000000e+00, v14;
	v13 =	vadd.f32 v15, v16  }
0x115: {  	v14 =	vtrunc.f32 v12  }
0x116: {  	v15 =	vtrunc.f32 v17;
	v16 =	vcvt.f32.s32 v14;
	vm6 =	vlt.f32 v12, v14  }
0x117: {  	v14 =	vcvt.f32.s32 v15;
	vm7 =	vlt.f32 v17, v15;
	v15 =	vsel vm6, $0xFFFFFFFF, v4  }
0x118: {  	v13 =	vadd.f32 $1.000000000e+00, v13;
	v18 =	vsel vm7, $0xFFFFFFFF, v4;
	v15 =	vadd.s32 v16, v15  }
0x119: {  	v14 =	vadd.s32 v14, v18;
	vm6 =	vgt.s32 v15, $0x0;
	v18 =	vadd.s32 $0x1, v15  }
0x11a: {  	v16 =	vtrunc.f32 v13;
	vm7 =	vgt.s32 v14, $0x0;
	v19 =	vadd.s32 $0x1, v14  }
0x11b: {  	v20 =	vcvt.f32.s32 v16;
	v14 =	vnsel vm7, $0x0, v14;
	vm7 =	vgt.s32 v19, $0x0  }
0x11c: {  	vm8 =	vlt.f32 v13, v16;
	v16 =	vnsel vm7, $0x0, v19;
	v19 =	vnsel vm6, $0x0, v15  }
0x11d: {  	v21 =	vsel vm8, $0xFFFFFFFF, v4;
	v15 =	vmin.u32 v14, $0x81;
	v16 =	vmin.u32 v16, $0x81  }
0x11e: {  	v20 =	vadd.s32 v20, v21;
	v14 =	vmin.u32 v19, $0x81;
	vm7 =	vgt.u32 v16, v11  }
0x11f: {  	vm6 =	vgt.s32 v18, $0x0;
	vm9 =	vgt.s32 v20, $0x0;
	v19 =	vadd.s32 $0x1, v20  }
.Ltmp4:
0x120: {  	v18 =	vnsel vm6, $0x0, v18;
	vm8 =	vlt.s32 v15, v8;
	vm6 =	vlt.s32 v14, v0;
	(pc) =	sbr.rel @p0 .LBB2_3-.Ltmp4, $4  }
0x121: {  	v21 =	vnsel vm9, $0x0, v20;
	vm9 =	vgt.s32 v19, $0x0;
	v20 =	vcvt.s32.f32 v16  }
0x122: {  	v23 =	vmin.u32 v18, $0x81;
	v18 =	vshll.u32 v15, $0x8;
	v19 =	vnsel vm9, $0x0, v19  }
0x123: {  	s16 =	sadd.s32 $0x10, s16;
	v19 =	vmin.u32 v19, $0x81;
	v17 =	vsub.f32 v20, v17;
	v20 =	vsub.s32 v23, v14  }
0x124: {  	s22 =	sadd.s32 $0x10, s22;
	s6 =	sadd.s32 $0x10, s6;
	s7 =	sadd.s32 $0x10, s7;
	v22 =	vmin.u32 v21, $0x81;
	vm9 =	vgt.u32 v23, v1;
	v21 =	vcvt.s32.f32 v19  }
0x125: {  	v10 =	vcvt.s32.f32 v23;
	v11 =	vsub.s32 v16, v15  }
0x126: {  	vm7 =	vmor vm8, vm7;
	v15 =	vshll.u32 v22, $0x10;
	v16 =	vsub.s32 v19, v22  }
0x127: {  	vm6 =	vmor vm6, vm9;
	v11 =	vshll.u32 v11, $0x18;
	v15 =	vor.u32 v18, v15  }
0x128: {  	s30 =	sadd.s32 $0x1, s3;
	v18 =	vshll.u32 v20, $0x19;
	vm6 =	vmor vm7, vm6;
	v11 =	vor.u32 v11, v15  }
0x129: {  	s15 =	sld [smem:$0x7FD];
	p0 =	slt.s32 s30, $0xF;
	s4 =	smov.u32 s30;
	v10 =	vsub.f32 v10, v12;
	v12 =	vshll.u32 v16, $0x1A;
	v11 =	vor.u32 v11, v18  }
0x12a: {  	[tilespmem:s14+$0x0] =	vst v17;
	v13 =	vsub.f32 v21, v13;
	v15 =	vsel vm6, $0x8000000, v4;
	s4 =	simm.s32 @!p0 $0xF;
	v11 =	vor.u32 v12, v11  }
0x12b: {  	s4 =	sshll.u32 s4, $0x7;
	[tilespmem:s13+$0x0] =	vst v10;
	v10 =	vor.u32 v15, v11  }
0x12c: {  	s4 =	sor.u32 s15, s4;
	[tilespmem:s12+$0x0] =	vst v13;
	v10 =	vor.u32 v14, v10  }
0x12d: {  	s10 =	simm.s32 $0x16000;
	s6 =	sadd.s32 s1, s4;
	[tilespmem:s11+$0x0] =	vst v10  }
0x12e: {  	[tilespmem:s10], [sflag:$0x2] =	stream.linear.gather [hbm4b:s6+s8], $0x400, $0x38;
	[tilespmem:$0x1F180] =	vst v63  }
0x12f: {  	s12 =	simm.s32 $0x17000;
	s11 =	sadd.s32 s2, s4  }
0x130: {  	[tilespmem:s12], [sflag:$0x2] =	stream.linear.gather [hbm4b:s11+s8], $0x400, $0x38;
	[tilespmem:$0x1F180] =	vst v63  }
0x131: {  	s14 =	simm.s32 $0x18000;
	s13 =	sadd.s32 s5, s4;
	s22 =	sor.u32 $0x800, s4  }
0x132: {  	[tilespmem:s14], [sflag:$0x2] =	stream.linear.gather [hbm4b:s13+s8], $0x400, $0x38;
	[tilespmem:$0x1F180] =	vst v63  }
0x133: {  	s9 =	simm.s32 $0x16400;
	s7 =	sadd.s32 s1, s22  }
0x134: {  	[tilespmem:s9], [sflag:$0x2] =	stream.linear.gather [hbm4b:s7+s8], $0x400, $0x38;
	[tilespmem:$0x1F180] =	vst v63  }
0x135: {  	s10 =	sadd.s32 s2, s22;
	s11 =	simm.s32 $0x17400  }
0x136: {  	[tilespmem:s11], [sflag:$0x2] =	stream.linear.gather [hbm4b:s10+s8], $0x400, $0x38;
	[tilespmem:$0x1F180] =	vst v63  }
0x137: {  	s6 =	sadd.s32 s5, s22;
	s12 =	simm.s32 $0x18400;
	s13 =	sor.u32 $0x1000, s4  }
0x138: {  	[tilespmem:s12], [sflag:$0x2] =	stream.linear.gather [hbm4b:s6+s8], $0x400, $0x38;
	[tilespmem:$0x1F180] =	vst v63  }
0x139: {  	s22 =	simm.s32 $0x16800;
	s14 =	sadd.s32 s1, s13  }
0x13a: {  	[tilespmem:s22], [sflag:$0x2] =	stream.linear.gather [hbm4b:s14+s8], $0x400, $0x38;
	[tilespmem:$0x1F180] =	vst v63  }
0x13b: {  	s16 =	smov.u32 s3;
	s3 =	sadd.s32 s2, s13;
	s9 =	simm.s32 $0x17800  }
0x13c: {  	[tilespmem:s9], [sflag:$0x2] =	stream.linear.gather [hbm4b:s3+s8], $0x400, $0x38;
	[tilespmem:$0x1F180] =	vst v63  }
0x13d: {  	s4 =	sor.u32 $0x1800, s4;
	s10 =	simm.s32 $0x18800;
	s6 =	sadd.s32 s5, s13  }
0x13e: {  	[tilespmem:s10], [sflag:$0x2] =	stream.linear.gather [hbm4b:s6+s8], $0x400, $0x38;
	[tilespmem:$0x1F180] =	vst v63  }
0x13f: {  	s11 =	sadd.s32 s1, s4;
	s12 =	simm.s32 $0x16C00  }
0x140: {  	[tilespmem:s12], [sflag:$0x2] =	stream.linear.gather [hbm4b:s11+s8], $0x400, $0x38;
	[tilespmem:$0x1F180] =	vst v63  }
0x141: {  	s13 =	sadd.s32 s2, s4;
	s14 =	simm.s32 $0x17C00  }
0x142: {  	[tilespmem:s14], [sflag:$0x2] =	stream.linear.gather [hbm4b:s13+s8], $0x400, $0x38;
	[tilespmem:$0x1F180] =	vst v63  }
0x143: {  	p0 =	seq.s32 s16, $0x0;
	s4 =	sadd.s32 s5, s4;
	s22 =	simm.s32 $0x18C00  }
0x144: {  	[tilespmem:s22], [sflag:$0x2] =	stream.linear.gather [hbm4b:s4+s8], $0x400, $0x38;
	[tilespmem:$0x1F180] =	vst v63  }
0x145: {  	s4 =	simm.s32 @!p0 $0x3  }
0x146: {  	_ =	swait.ge @!p0 [sflag:s4], $0x400  }
0x147: {  	[sflag:s4] =	ssyncset.done @!p0 $0x0  }
0x148: {  	[sflag:s4] =	ssyncadd.s32 @!p0 $0xFFFFFC00  }
0x149: {  	_ =	swait.ge @!p0 [sflag:s4], $0x400  }
0x14a: {  	[sflag:s4] =	ssyncset.done @!p0 $0x0  }
0x14b: {  	[sflag:s4] =	ssyncadd.s32 @!p0 $0xFFFFFC00  }
0x14c: {  	_ =	swait.ge @!p0 [sflag:s4], $0x400  }
0x14d: {  	[sflag:s4] =	ssyncset.done @!p0 $0x0  }
0x14e: {  	[sflag:s4] =	ssyncadd.s32 @!p0 $0xFFFFFC00  }
0x14f: {  	_ =	swait.ge @!p0 [sflag:s4], $0x400  }
0x150: {  	[sflag:s4] =	ssyncset.done @!p0 $0x0  }
0x151: {  	[sflag:s4] =	ssyncadd.s32 @!p0 $0xFFFFFC00  }
0x152: {  	_ =	swait.ge @!p0 [sflag:s4], $0x400  }
0x153: {  	[sflag:s4] =	ssyncset.done @!p0 $0x0  }
0x154: {  	[sflag:s4] =	ssyncadd.s32 @!p0 $0xFFFFFC00  }
0x155: {  	_ =	swait.ge @!p0 [sflag:s4], $0x400  }
0x156: {  	[sflag:s4] =	ssyncset.done @!p0 $0x0  }
0x157: {  	[sflag:s4] =	ssyncadd.s32 @!p0 $0xFFFFFC00  }
0x158: {  	_ =	swait.ge @!p0 [sflag:s4], $0x400  }
0x159: {  	[sflag:s4] =	ssyncset.done @!p0 $0x0  }
0x15a: {  	[sflag:s4] =	ssyncadd.s32 @!p0 $0xFFFFFC00  }
0x15b: {  	_ =	swait.ge @!p0 [sflag:s4], $0x400  }
0x15c: {  	[sflag:s4] =	ssyncset.done @!p0 $0x0  }
0x15d: {  	[sflag:s4] =	ssyncadd.s32 @!p0 $0xFFFFFC00  }
0x15e: {  	_ =	swait.ge [sflag:s19], $0x14A0  }
0x15f: {  	[sflag:s19] =	ssyncset.done $0x0  }
0x160: {  	[sflag:s19] =	ssyncadd.s32 $0xFFFFEB60  }
0x161: {  	_ =	swait.ge [sflag:s19], $0x14A0  }
0x162: {  	[sflag:s19] =	ssyncset.done $0x0  }
0x163: {  	[sflag:s19] =	ssyncadd.s32 $0xFFFFEB60  }
0x164: {  	_ =	swait.ge [sflag:s19], $0x14A0  }
0x165: {  	[sflag:s19] =	ssyncset.done $0x0  }
0x166: {  	[sflag:s19] =	ssyncadd.s32 $0xFFFFEB60  }
0x167: {  	_ =	swait.ge [sflag:s19], $0x14A0  }
0x168: {  	[sflag:s19] =	ssyncset.done $0x0  }
0x169: {  	[sflag:s19] =	ssyncadd.s32 $0xFFFFEB60  }
0x16a: {  	_ =	swait.ge [sflag:s19], $0x14A0  }
0x16b: {  	[sflag:s19] =	ssyncset.done $0x0  }
0x16c: {  	[sflag:s19] =	ssyncadd.s32 $0xFFFFEB60  }
0x16d: {  	_ =	swait.ge [sflag:s19], $0x14A0  }
0x16e: {  	[sflag:s19] =	ssyncset.done $0x0  }
0x16f: {  	[sflag:s19] =	ssyncadd.s32 $0xFFFFEB60  }
0x170: {  	_ =	swait.ge [sflag:s19], $0x14A0  }
0x171: {  	[sflag:s19] =	ssyncset.done $0x0  }
0x172: {  	[sflag:s19] =	ssyncadd.s32 $0xFFFFEB60  }
0x173: {  	_ =	swait.ge [sflag:s19], $0x14A0  }
0x174: {  	[sflag:s19] =	ssyncset.done $0x0  }
0x175: {  	[sflag:s19] =	ssyncadd.s32 $0xFFFFEB60  }
0x176: {  	_ =	swait.ge [sflag:s19], $0x14A0  }
0x177: {  	[sflag:s19] =	ssyncset.done $0x0  }
0x178: {  	[sflag:s19] =	ssyncadd.s32 $0xFFFFEB60  }
0x179: {  	_ =	swait.ge [sflag:s19], $0x14A0  }
0x17a: {  	[sflag:s19] =	ssyncset.done $0x0  }
0x17b: {  	[sflag:s19] =	ssyncadd.s32 $0xFFFFEB60  }
0x17c: {  	_ =	swait.ge [sflag:s19], $0x14A0  }
0x17d: {  	[sflag:s19] =	ssyncset.done $0x0  }
0x17e: {  	[sflag:s19] =	ssyncadd.s32 $0xFFFFEB60  }
0x17f: {  	_ =	swait.ge [sflag:s19], $0x14A0  }
0x180: {  	[sflag:s19] =	ssyncset.done $0x0  }
0x181: {  	[sflag:s19] =	ssyncadd.s32 $0xFFFFEB60  }
0x182: {  	_ =	swait.ge [sflag:s19], $0x14A0  }
0x183: {  	[sflag:s19] =	ssyncset.done $0x0  }
0x184: {  	[sflag:s19] =	ssyncadd.s32 $0xFFFFEB60  }
0x185: {  	_ =	swait.ge [sflag:s19], $0x14A0  }
0x186: {  	[sflag:s19] =	ssyncset.done $0x0  }
0x187: {  	[sflag:s19] =	ssyncadd.s32 $0xFFFFEB60  }
0x188: {  	_ =	swait.ge [sflag:s19], $0x14A0  }
0x189: {  	[sflag:s19] =	ssyncset.done $0x0  }
0x18a: {  	[sflag:s19] =	ssyncadd.s32 $0xFFFFEB60  }
0x18b: {  	_ =	swait.ge [sflag:s19], $0x14A0  }
0x18c: {  	[sflag:s19] =	ssyncset.done $0x0  }
0x18d: {  	s10 =	simm.s32 $0x0;
	[sflag:s19] =	ssyncadd.s32 $0xFFFFEB60  }
0x18e: {  	v10 =	vld [tilespmem:s10+$0x1C000]  }
0x18f: {  	v11 =	vld [tilespmem:s10+$0x1A000]  }
0x190: {  	s4 =	simm.s32 $0x10;
	v12 =	vld [tilespmem:s10+$0x19000]  }
0x191: {  	v21 =	vld [tilespmem:s4+$0x19000]  }
0x192: {  	v27 =	vld [tilespmem:s4+$0x1C000]  }
0x193: {  	v31 =	vld [tilespmem:s10+$0x1B000];
	_ =	sdelay $0x1  }
0x194: {  	v14 =	vsel vm6, $0x1, v4  }
0x195: {  	v9 =	vor.u32 v14, v9;
	v13 =	vand.u32 $0xFF, v10;
	v15 =	vshrl.u32 v10, $0x8  }
0x196: {  	v16 =	vmul.f32 v11, v12;
	v17 =	vsub.f32 $1.000000000e+00, v12;
	v30 =	vsub.f32 $1.000000000e+00, v21  }
0x197: {  	v32 =	vand.u32 $0x1000000, v27;
	v36 =	vshrl.u32 v27, $0xF;
	v40 =	vsub.f32 $1.000000000e+00, v31  }
0x198: {  	v13 =	vsub.s32 v13, v0;
	v14 =	vand.u32 $0xFF, v15;
	v15 =	vsub.f32 $1.000000000e+00, v11  }
0x199: {  	vm6 =	vgt.s32 v13, $0x0;
	v14 =	vsub.s32 v14, v8;
	v19 =	vmul.f32 v11, v17  }
0x19a: {  	v42 =	vmul.f32 v16, v31;
	v13 =	vnsel vm6, $0x0, v13;
	vm6 =	vgt.s32 v14, $0x0  }
0x19b: {  	v18 =	vmul.f32 v15, v12;
	v12 =	vand.u32 $0x1000000, v10;
	v13 =	vmin.u32 v13, $0xF  }
0x19c: {  	v15 =	vmul.f32 v15, v17;
	v17 =	vld [tilespmem:s4+$0x1A000];
	v14 =	vnsel vm6, $0x0, v14;
	v13 =	vmul.u32 $0x14, v13  }
0x19d: {  	v49 =	vmul.f32 v40, v16;
	vm6 =	veq.s32 v12, $0x0;
	v14 =	vmin.u32 v14, $0x13  }
0x19e: {  	v11 =	vadd.s32 v14, v13;
	v13 =	vshrl.u32 v10, $0xF;
	v14 =	vand.u32 $0x2000000, v10  }
0x19f: {  	v10 =	vshrl.u32 v10, $0x19;
	v11 =	vmul.u32 $0x108, v11;
	vm7 =	veq.s32 v14, $0x0  }
0x1a0: {  	v12 =	vand.u32 $0x1FE, v13;
	v13 =	vsel vm6, $0x0, v5;
	v10 =	vand.u32 $0x2, v10  }
0x1a1: {  	v14 =	vadd.s32 v12, v11;
	v11 =	vsel vm7, $0x0, v6;
	v12 =	vmul.f32 v17, v21  }
0x1a2: {  	v20 =	vor.u32 $0x1, v14;
	v22 =	vadd.s32 v10, v14;
	v23 =	vadd.s32 v13, v14  }
0x1a3: {  	v25 =	vadd.s32 v11, v14;
	v28 =	vor.u32 $0x1, v22;
	v29 =	vadd.s32 v10, v23  }
0x1a4: {  	v33 =	vadd.s32 v10, v25;
	v34 =	vor.u32 $0x1, v25;
	v38 =	vadd.s32 v13, v25  }
0x1a5: {  	v24 =	vor.u32 $0x1, v23;
	v13 =	vsub.f32 $1.000000000e+00, v17;
	v35 =	vor.u32 $0x1, v33  }
0x1a6: {  	v41 =	vor.u32 $0x1, v29;
	v43 =	vadd.s32 v10, v38;
	v26 =	vor.u32 $0x1, v38  }
0x1a7: {  	v10 =	vmul.f32 v17, v30;
	v17 =	vand.u32 $0xFF, v27;
	v11 =	vmul.f32 v13, v21  }
0x1a8: {  	v21 =	vshrl.u32 v27, $0x8;
	v46 =	vor.u32 $0x1, v43;
	v13 =	vmul.f32 v13, v30;
	v44 =	vld.idx.msk [tilespmem:v14+s8+$0x0], $0xffff  }
0x1a9: {  	v17 =	vsub.s32 v17, v0;
	v30 =	vmul.f32 v18, v31;
	v21 =	vand.u32 $0xFF, v21;
	v50 =	vld.idx.msk [tilespmem:v22+s8+$0x0], $0xffff  }
0x1aa: {  	v18 =	vmul.f32 v18, v40;
	vm6 =	vgt.s32 v17, $0x0;
	v21 =	vsub.s32 v21, v8;
	v39 =	vld.idx.msk [tilespmem:v24+s8+$0x0], $0xffff  }
0x1ab: {  	v17 =	vnsel vm6, $0x0, v17;
	vm6 =	vgt.s32 v21, $0x0;
	v24 =	vmul.f32 v15, v40;
	v47 =	vld.idx.msk [tilespmem:v33+s8+$0x0], $0xffff  }
0x1ac: {  	v17 =	vmin.u32 v17, $0xF;
	v33 =	vmul.f32 v40, v19;
	v37 =	vld.idx.msk [tilespmem:v26+s8+$0x0], $0xffff;
	v21 =	vnsel vm6, $0x0, v21  }
0x1ad: {  	v14 =	vmul.u32 $0x14, v17;
	vm6 =	veq.s32 v32, $0x0;
	v26 =	vmul.f32 v15, v31;
	v15 =	vld.idx.msk [tilespmem:v25+s8+$0x0], $0xffff  }
0x1ae: {  	v32 =	vmul.f32 v19, v31;
	v25 =	vld.idx.msk [tilespmem:v28+s8+$0x0], $0xffff;
	v17 =	vmin.u32 v21, $0x13;
	v21 =	vand.u32 $0x2000000, v27  }
0x1af: {  	v35 =	vld.idx.msk [tilespmem:v35+s8+$0x0], $0xffff;
	v45 =	vsel vm6, $0x0, v5;
	v27 =	vshrl.u32 v27, $0x19;
	v14 =	vadd.s32 v17, v14  }
0x1b0: {  	vm7 =	veq.s32 v21, $0x0;
	v17 =	vld.idx.msk [tilespmem:v20+s8+$0x0], $0xffff;
	v20 =	vand.u32 $0x1FE, v36;
	v14 =	vmul.u32 $0x108, v14  }
0x1b1: {  	v48 =	vand.u32 $0x2, v27;
	v51 =	vmul.f32 v44, v42;
	v31 =	vmul.f32 v39, v32  }
0x1b2: {  	v43 =	vld.idx.msk [tilespmem:v43+s8+$0x0], $0xffff;
	v28 =	vmul.f32 v37, v26;
	v21 =	vadd.s32 v20, v14;
	v37 =	vmul.f32 v15, v30  }
0x1b3: {  	v36 =	vld.idx.msk [tilespmem:v34+s8+$0x0], $0xffff;
	v20 =	vmul.f32 v25, v49;
	v25 =	vsel vm7, $0x0, v6;
	v49 =	vmul.f32 v50, v49  }
0x1b4: {  	v34 =	vld.idx.msk [tilespmem:v38+s8+$0x0], $0xffff;
	v44 =	vmul.f32 v35, v18;
	v19 =	vor.u32 $0x1, v21;
	v16 =	vadd.s32 v48, v21  }
0x1b5: {  	v39 =	vld.idx.msk [tilespmem:v23+s8+$0x0], $0xffff;
	v14 =	vadd.s32 v45, v21;
	v27 =	vadd.s32 v25, v21;
	v22 =	vor.u32 $0x1, v16  }
0x1b6: {  	v15 =	vadd.s32 v48, v14;
	v17 =	vmul.f32 v17, v42;
	v25 =	vor.u32 $0x1, v27;
	v42 =	vld.idx.msk [tilespmem:v41+s8+$0x0], $0xffff  }
0x1b7: {  	v38 =	vld.idx.msk [tilespmem:v29+s8+$0x0], $0xffff;
	v29 =	vadd.s32 v48, v27;
	v23 =	vadd.s32 v45, v27;
	v45 =	vmul.f32 v47, v18  }
0x1b8: {  	v41 =	vld.idx.msk [tilespmem:v46+s8+$0x0], $0xffff;
	v35 =	vor.u32 $0x1, v14;
	v46 =	vadd.f32 v49, v51;
	v18 =	vadd.s32 v48, v23  }
0x1b9: {  	s11 =	simm.s32 $0x80;
	v40 =	vadd.f32 v20, v17;
	v20 =	vor.u32 $0x1, v29;
	v17 =	vor.u32 $0x1, v15  }
.LBB2_5:
0x1ba: {  	s6 =	sshra.s32 s11, $0x2;
	p0 =	sne.s32 s11, $0x3FC0;
	s11 =	sadd.s32 $0x40, s11;
	v30 =	vmul.f32 v36, v30;
	v32 =	vmul.f32 v39, v32  }
0x1bb: {  	v37 =	vadd.f32 v45, v37;
	v42 =	vmul.f32 v42, v33;
	v36 =	vld [tilespmem:s6+$0x1A000];
	v39 =	vadd.f32 $0.0e+00, v46  }
0x1bc: {  	v40 =	vadd.f32 $0.0e+00, v40;
	v46 =	vor.u32 $0x1, v23;
	v43 =	vmul.f32 v43, v24;
	v45 =	vld [tilespmem:s6+$0x19000]  }
0x1bd: {  	v33 =	vmul.f32 v38, v33;
	v30 =	vadd.f32 v44, v30;
	v37 =	vadd.f32 v37, v39  }
0x1be: {  	v26 =	vmul.f32 v34, v26;
	v31 =	vadd.f32 v42, v31;
	v24 =	vmul.f32 v41, v24  }
0x1bf: {  	v32 =	vadd.f32 v33, v32;
	v30 =	vadd.f32 v30, v40;
	v34 =	vld [tilespmem:s6+$0x1C000]  }
0x1c0: {  	v26 =	vadd.f32 v43, v26;
	v24 =	vadd.f32 v24, v28  }
0x1c1: {  	v32 =	vadd.f32 v32, v37;
	v28 =	vsub.f32 $1.000000000e+00, v36;
	v38 =	vmul.f32 v36, v45  }
0x1c2: {  	v30 =	vadd.f32 v31, v30;
	v33 =	vsub.f32 $1.000000000e+00, v45;
	v37 =	vld [tilespmem:s4+$0x1B000]  }
0x1c3: {  	v26 =	vadd.f32 v26, v32;
	v41 =	vmul.f32 v28, v45  }
0x1c4: {  	v44 =	vor.u32 $0x1, v18;
	v24 =	vadd.f32 v24, v30;
	v31 =	vshrl.u32 v34, $0x8  }
0x1c5: {  	v39 =	vmul.f32 v36, v33;
	v28 =	vmul.f32 v28, v33;
	v32 =	vand.u32 $0x1000000, v34;
	[tilespmem:s10+$0x1D000] =	vst v26  }
0x1c6: {  	v33 =	vshrl.u32 v34, $0xF;
	v26 =	vand.u32 $0xFF, v34;
	[tilespmem:s10+$0x1E000] =	vst v24;
	s10 =	smov.u32 s4;
	s4 =	smov.u32 s6  }
0x1c7: {  	v24 =	vand.u32 $0xFF, v31;
	v26 =	vsub.s32 v26, v0;
	v40 =	vsub.f32 $1.000000000e+00, v37;
	v31 =	vld.idx.msk [tilespmem:v46+s8+$0x0], $0xffff  }
0x1c8: {  	vm6 =	vgt.s32 v26, $0x0;
	v30 =	vsub.s32 v24, v8;
	v42 =	vmul.f32 v12, v37;
	v35 =	vld.idx.msk [tilespmem:v35+s8+$0x0], $0xffff  }
0x1c9: {  	v26 =	vnsel vm6, $0x0, v26;
	vm6 =	vgt.s32 v30, $0x0;
	v43 =	vld.idx.msk [tilespmem:v21+s8+$0x0], $0xffff;
	v24 =	vmul.f32 v13, v40  }
0x1ca: {  	v21 =	vmin.u32 v26, $0xF;
	v36 =	vnsel vm6, $0x0, v30;
	v30 =	vmul.f32 v11, v37;
	v45 =	vld.idx.msk [tilespmem:v29+s8+$0x0], $0xffff  }
0x1cb: {  	vm6 =	veq.s32 v32, $0x0;
	v26 =	vmul.f32 v13, v37;
	v13 =	vmovc v28;
	v21 =	vmul.u32 $0x14, v21;
	v27 =	vld.idx.msk [tilespmem:v27+s8+$0x0], $0xffff  }
0x1cc: {  	v32 =	vmul.f32 v10, v37;
	v28 =	vmin.u32 v36, $0x13;
	v29 =	vand.u32 $0x2000000, v34;
	v46 =	vld.idx.msk [tilespmem:v22+s8+$0x0], $0xffff  }
0x1cd: {  	vm7 =	veq.s32 v29, $0x0;
	v21 =	vadd.s32 v28, v21;
	v28 =	vmul.f32 v31, v26;
	v29 =	vld.idx.msk [tilespmem:v19+s8+$0x0], $0xffff  }
0x1ce: {  	v47 =	vsel vm6, $0x0, v5;
	v19 =	vmul.u32 $0x108, v21;
	v31 =	vmul.f32 v35, v32;
	v36 =	vld.idx.msk [tilespmem:v25+s8+$0x0], $0xffff  }
0x1cf: {  	v22 =	vshrl.u32 v34, $0x19;
	v21 =	vand.u32 $0x1FE, v33;
	v33 =	vmul.f32 v40, v10;
	v10 =	vmovc v39;
	v34 =	vld.idx.msk [tilespmem:v23+s8+$0x0], $0xffff  }
0x1d0: {  	v48 =	vand.u32 $0x2, v22;
	v35 =	vmul.f32 v40, v12;
	v12 =	vmovc v38;
	v21 =	vadd.s32 v21, v19;
	v23 =	vld.idx.msk [tilespmem:v16+s8+$0x0], $0xffff  }
0x1d1: {  	v19 =	vor.u32 $0x1, v21;
	v16 =	vadd.s32 v48, v21;
	v37 =	vmul.f32 v27, v30;
	v49 =	vld.idx.msk [tilespmem:v20+s8+$0x0], $0xffff  }
0x1d2: {  	v22 =	vor.u32 $0x1, v16;
	v20 =	vmul.f32 v46, v35;
	v39 =	vld.idx.msk [tilespmem:v14+s8+$0x0], $0xffff;
	v14 =	vadd.s32 v47, v21  }
0x1d3: {  	v25 =	vsel vm7, $0x0, v6;
	v46 =	vmul.f32 v29, v42;
	v38 =	vld.idx.msk [tilespmem:v15+s8+$0x0], $0xffff;
	v15 =	vadd.s32 v48, v14  }
.Ltmp5:
0x1d4: {  	v51 =	vmul.f32 v11, v40;
	v50 =	vmul.f32 v43, v42;
	v27 =	vadd.s32 v25, v21;
	v42 =	vld.idx.msk [tilespmem:v17+s8+$0x0], $0xffff;
	(pc) =	sbr.rel @p0 .LBB2_5-.Ltmp5, $4  }
0x1d5: {  	v11 =	vmovc v41;
	v25 =	vor.u32 $0x1, v27;
	v29 =	vadd.s32 v48, v27;
	v40 =	vadd.f32 v20, v46;
	v43 =	vld.idx.msk [tilespmem:v18+s8+$0x0], $0xffff  }
0x1d6: {  	v20 =	vor.u32 $0x1, v29;
	v17 =	vor.u32 $0x1, v15;
	v46 =	vmul.f32 v23, v35;
	v41 =	vld.idx.msk [tilespmem:v44+s8+$0x0], $0xffff  }
0x1d7: {  	v45 =	vmul.f32 v45, v51;
	v23 =	vadd.s32 v47, v27;
	v44 =	vmul.f32 v49, v51  }
0x1d8: {  	v35 =	vor.u32 $0x1, v14;
	v18 =	vadd.s32 v48, v23;
	v46 =	vadd.f32 v46, v50  }
0x1d9: {  	v8 =	vmul.f32 v36, v30;
	v57 =	vmul.f32 v39, v32;
	v59 =	vadd.f32 v45, v37  }
0x1da: {  	v60 =	vmul.f32 v42, v33;
	v61 =	vmul.f32 v38, v33;
	v58 =	vadd.f32 $0.0e+00, v46  }
0x1db: {  	v62 =	vadd.f32 $0.0e+00, v40;
	v26 =	vmul.f32 v34, v26;
	v8 =	vadd.f32 v44, v8  }
0x1dc: {  	v63 =	vmul.f32 v43, v24;
	v30 =	vadd.f32 v61, v57;
	v32 =	vadd.f32 v59, v58  }
0x1dd: {  	v31 =	vadd.f32 v60, v31;
	v37 =	vmul.f32 v41, v24;
	v8 =	vadd.f32 v8, v62  }
0x1de: {  	v26 =	vadd.f32 v63, v26;
	v30 =	vadd.f32 v30, v32  }
0x1df: {  	v38 =	vor.u32 $0x1, v23;
	v24 =	vadd.f32 v37, v28;
	v8 =	vadd.f32 v31, v8  }
0x1e0: {  	v26 =	vadd.f32 v26, v30  }
0x1e1: {  	v9 =	vxor.u32 $0x80000000, v9;
	v8 =	vadd.f32 v24, v8  }
0x1e2: {  	v39 =	vld [tilespmem:s4+$0x1B000];
	(xrf0) =	vmax.scan.msk.u32 $0xffff, v9;
	[tilespmem:s10+$0x1D000] =	vst v26  }
0x1e3: {  	[tilespmem:s10+$0x1E000] =	vst v8  }
0x1e4: {  	v8 =	vld.idx.msk [tilespmem:v38+s8+$0x0], $0xffff  }
0x1e5: {  	v40 =	vld.idx.msk [tilespmem:v35+s8+$0x0], $0xffff  }
0x1e6: {  	v21 =	vld.idx.msk [tilespmem:v21+s8+$0x0], $0xffff  }
0x1e7: {  	v41 =	vld.idx.msk [tilespmem:v29+s8+$0x0], $0xffff  }
0x1e8: {  	v46, _, _ =	vpop (xrf0);
	v26 =	vld.idx.msk [tilespmem:v27+s8+$0x0], $0xffff  }
0x1e9: {  	(v2sf) =	vpush v46, $0xF;
	v22 =	vld.idx.msk [tilespmem:v22+s8+$0x0], $0xffff  }
0x1ea: {  	v19 =	vld.idx.msk [tilespmem:v19+s8+$0x0], $0xffff  }
0x1eb: {  	v42 =	vsub.f32 $1.000000000e+00, v39;
	v43 =	vmul.f32 v12, v39;
	v45 =	vmul.f32 v13, v39;
	v16 =	vld.idx.msk [tilespmem:v16+s8+$0x0], $0xffff  }
0x1ec: {  	v47 =	vmul.f32 v10, v39;
	v28 =	vmul.f32 v11, v39;
	v25 =	vld.idx.msk [tilespmem:v25+s8+$0x0], $0xffff  }
0x1ed: {  	v44 =	vmul.f32 v13, v42;
	v48 =	vmul.f32 v42, v12;
	v20 =	vld.idx.msk [tilespmem:v20+s8+$0x0], $0xffff  }
0x1ee: {  	v49 =	vor.u32 $0x1, v18;
	v51 =	vmul.f32 v11, v42;
	v53 =	vmul.f32 v42, v10;
	v14 =	vld.idx.msk [tilespmem:v14+s8+$0x0], $0xffff  }
0x1ef: {  	v17 =	vld.idx.msk [tilespmem:v17+s8+$0x0], $0xffff;
	v8 =	vmul.f32 v8, v45;
	v24 =	vmul.f32 v40, v47  }
0x1f0: {  	v15 =	vld.idx.msk [tilespmem:v15+s8+$0x0], $0xffff;
	v22 =	vmul.f32 v22, v48;
	v21 =	vmul.f32 v21, v43  }
0x1f1: {  	v52 =	vld.idx.msk [tilespmem:v18+s8+$0x0], $0xffff;
	v12 =	vmul.f32 v16, v48;
	v50 =	vmul.f32 v19, v43  }
0x1f2: {  	v54 =	vld.idx.msk [tilespmem:v23+s8+$0x0], $0xffff;
	v55 =	vmul.f32 v26, v28;
	v9 =	vmul.f32 v41, v51  }
0x1f3: {  	v56 =	vld.idx.msk [tilespmem:v49+s8+$0x0], $0xffff;
	v11 =	vmul.f32 v20, v51;
	v57 =	vmul.f32 v25, v28;
	v12 =	vadd.f32 v12, v21  }
0x1f4: {  	v14 =	vmul.f32 v14, v47;
	v17 =	vmul.f32 v17, v53;
	v16 =	vadd.f32 v22, v50  }
0x1f5: {  	v10 =	vmul.f32 v15, v53;
	v9 =	vadd.f32 v9, v55;
	v12 =	vadd.f32 $0.0e+00, v12  }
0x1f6: {  	v59 =	vmul.f32 v52, v44;
	v11 =	vadd.f32 v11, v57;
	v58 =	vadd.f32 $0.0e+00, v16  }
0x1f7: {  	v60 =	vmul.f32 v54, v45;
	v10 =	vadd.f32 v10, v14;
	v9 =	vadd.f32 v9, v12  }
0x1f8: {  	v62 =	vmul.f32 v56, v44;
	v61 =	vadd.f32 v17, v24;
	v11 =	vadd.f32 v11, v58;
	s6 =	spop (v2sf)  }
0x1f9: {  	v12 =	vadd.f32 v59, v60;
	v9 =	vadd.f32 v10, v9;
	p0 =	slt.u32 s6, $0x80000001  }
.Ltmp6:
0x1fa: {  	v8 =	vadd.f32 v62, v8;
	v63 =	vadd.f32 v61, v11;
	(pc) =	sbr.rel @p0 .LBB2_13-.Ltmp6, $4  }
.Ltmp7:
0x1fb: {  	v9 =	vadd.f32 v12, v9;
	(pc) =	sbr.rel @!p0 .LBB2_7-.Ltmp7, $4  }
0x1fc: {  	v8 =	vadd.f32 v8, v63  }
0x1fd: {  	[tilespmem:s4+$0x1D000] =	vst v9  }
0x1fe: {  	s11 =	simm.s32 $0x0;
	s10 =	simm.s32 $0x0;
	[tilespmem:s4+$0x1E000] =	vst v8;
	s4 =	simm.s32 $0x0  }
0x1ff: {  	_ = 	snop  }
.LBB2_12:
0x200: {  	s11 =	sadd.s32 $0x1, s11  }
0x201: {  	p0 =	sne.s32 s11, $0x100  }
.Ltmp8:
0x202: {  	_ = 	snop;
	(pc) =	sbr.rel @!p0 .LBB2_13-.Ltmp8, $2  }
0x203: {  	_ =	sdelay $0x2  }
0x204: {  	s10 =	sadd.s32 $0x10, s10;
	s4 =	sadd.s32 $0x10, s4  }
.LBB2_7:
0x205: {  	s6 =	sshll.u32 s11, $0x4  }
0x206: {  	v8 =	vld [tilespmem:s6+$0x1C000];
	_ =	sdelay $0x4  }
0x207: {  	v8 =	vshrl.u32 v8, $0x1B  }
0x208: {  	v8 =	vand.u32 $0x1, v8  }
0x209: {  	v8 =	vor.u32 $0x80000000, v8  }
0x20a: {  	(xrf0) =	vmax.scan.msk.u32 $0xffff, v8;
	_ =	sdelay $0x5  }
0x20b: {  	v8, _, _ =	vpop (xrf0)  }
0x20c: {  	(v2sf) =	vpush v8, $0xF;
	_ =	sdelay $0xe  }
0x20d: {  	s22 =	spop (v2sf)  }
0x20e: {  	p0 =	sne.s32 s22, $0x80000001  }
.Ltmp9:
0x20f: {  	_ = 	snop;
	(pc) =	sbr.rel @p0 .LBB2_12-.Ltmp9, $1  }
0x210: {  	_ =	sdelay $0x3  }
0x211: {  	s6 =	sshrl.u32 s11, $0x3  }
.Ltmp10:
0x212: {  	s7 =	sshrl.u32 s11, $0x6;
	s6 =	sand.u32 $0x7, s6;
	(pc) =	sbr.rel .LBB2_9-.Ltmp10, $4  }
0x213: {  	s7 =	sor.u32 s17, s7;
	s6 =	sor.u32 s31, s6  }
0x214: {  	s14 =	scvt.s32.f32 s7;
	s9 =	scvt.s32.f32 s6  }
0x215: {  	s7 =	sshll.u32 s7, $0xE;
	s6 =	sshll.u32 s6, $0x7  }
0x216: {  	s12 =	sand.u32 $0x7F, s4;
	s13 =	sadd.s32 s7, s6;
	v9 =	vmov s14;
	s14 =	simm.s32 $0x0;
	v8 =	vmov s9  }
.LBB2_11:
0x217: {  	s14 =	sadd.s32 $0x1, s14  }
0x218: {  	p0 =	sne.s32 s14, $0x10  }
.Ltmp11:
0x219: {  	_ = 	snop;
	(pc) =	sbr.rel @!p0 .LBB2_12-.Ltmp11, $1  }
0x21a: {  	_ =	sdelay $0x3  }
.LBB2_9:
0x21b: {  	s6 =	sadd.s32 s14, s10  }
0x21c: {  	v10 =	vmov s6;
	_ =	sdelay $0x4  }
0x21d: {  	v11 =	vld.idx.msk [tilespmem:v10+s20+$0x0], $0xffff;
	_ =	sdelay $0x4  }
0x21e: {  	v11 =	vshrl.u32 v11, $0x1B  }
0x21f: {  	v11 =	vand.u32 $0x1, v11  }
0x220: {  	v11 =	vor.u32 $0x80000000, v11  }
0x221: {  	(xrf0) =	vmax.scan.msk.u32 $0xffff, v11;
	_ =	sdelay $0x5  }
0x222: {  	v11, _, _ =	vpop (xrf0)  }
0x223: {  	(v2sf) =	vpush v11, $0xF;
	_ =	sdelay $0xe  }
0x224: {  	s7 =	spop (v2sf)  }
0x225: {  	p0 =	sne.s32 s7, $0x80000001  }
.Ltmp12:
0x226: {  	_ = 	snop;
	(pc) =	sbr.rel @p0 .LBB2_11-.Ltmp12, $1  }
0x227: {  	_ =	sdelay $0x3  }
0x228: {  	s6 =	sand.u32 $0x78, s6  }
0x229: {  	s6 =	sor.u32 s13, s6  }
0x22a: {  	s7 =	sand.u32 $0x7, s14;
	s6 =	sshrl.u32 s6, $0x3  }
0x22b: {  	v11 =	vmov s7;
	s3 =	sadd.s32 s1, s6  }
0x22c: {  	[tilespmem:s21], [sflag:$0x4] =	stream.linear.gather [hbm4b:s3+s8], $0x10, $0x38;
	[tilespmem:$0x1F180] =	vst v63  }
0x22d: {  	_ =	swait.ge [sflag:s23], $0x10  }
0x22e: {  	[sflag:s23] =	ssyncset.done $0x0  }
0x22f: {  	s9 =	sadd.s32 s2, s6;
	[sflag:s23] =	ssyncadd.s32 $0xFFFFFFF0  }
0x230: {  	v12 =	vld.idx.msk [tilespmem:v11+s21+$0x0], $0xffff;
	[tilespmem:s21], [sflag:$0x4] =	stream.linear.gather [hbm4b:s9+s8], $0x10, $0x38  }
0x231: {  	_ =	swait.ge [sflag:s23], $0x10  }
0x232: {  	[sflag:s23] =	ssyncset.done $0x0  }
0x233: {  	s6 =	sadd.s32 s5, s6;
	[sflag:s23] =	ssyncadd.s32 $0xFFFFFFF0  }
0x234: {  	v13 =	vld.idx.msk [tilespmem:v11+s21+$0x0], $0xffff;
	[tilespmem:s21], [sflag:$0x4] =	stream.linear.gather [hbm4b:s6+s8], $0x10, $0x38  }
0x235: {  	_ =	swait.ge [sflag:s23], $0x10  }
0x236: {  	[sflag:s23] =	ssyncset.done $0x0  }
0x237: {  	v12 =	vadd.f32 v12, v8;
	[sflag:s23] =	ssyncadd.s32 $0xFFFFFFF0  }
0x238: {  	v11 =	vld.idx.msk [tilespmem:v11+s21+$0x0], $0xffff  }
0x239: {  	v12 =	vadd.f32 $1.000000000e+00, v12;
	v13 =	vadd.f32 v13, v9  }
0x23a: {  	s22 =	sadd.s32 s14, s12  }
0x23b: {  	s6 =	scvt.s32.f32 s22;
	v14 =	vtrunc.f32 v12;
	v13 =	vadd.f32 $1.000000000e+00, v13  }
0x23c: {  	v15 =	vcvt.f32.s32 v14  }
0x23d: {  	vm6 =	vlt.f32 v12, v14;
	v11 =	vadd.f32 s6, v11;
	v16 =	vtrunc.f32 v13  }
0x23e: {  	v49 =	vsel vm6, $0xFFFFFFFF, v4;
	v48 =	vcvt.f32.s32 v16;
	vm7 =	vlt.f32 v13, v16  }
0x23f: {  	v15 =	vadd.s32 v15, v49;
	v11 =	vadd.f32 $1.000000000e+00, v11;
	v17 =	vsel vm7, $0xFFFFFFFF, v4  }
0x240: {  	vm7 =	vgt.s32 v15, $0x0;
	v14 =	vadd.s32 v48, v17  }
0x241: {  	v18 =	vnsel vm7, $0x0, v15;
	v15 =	vadd.s32 $0x1, v15;
	v50 =	vtrunc.f32 v11  }
0x242: {  	vm7 =	vgt.s32 v14, $0x0;
	v19 =	vadd.s32 $0x1, v14;
	v52 =	vmin.u32 v18, $0x81  }
0x243: {  	v51 =	vcvt.f32.s32 v50;
	vm6 =	vlt.f32 v11, v50;
	v14 =	vnsel vm7, $0x0, v14  }
0x244: {  	v16 =	vsel vm6, $0xFFFFFFFF, v4;
	vm6 =	vgt.s32 v15, $0x0;
	v14 =	vmin.u32 v14, $0x81  }
0x245: {  	v15 =	vnsel vm6, $0x0, v15;
	vm6 =	vgt.s32 v19, $0x0;
	v16 =	vadd.s32 v51, v16  }
0x246: {  	v14 =	vmul.u32 $0x82, v14;
	v53 =	vnsel vm6, $0x0, v19;
	vm6 =	vgt.s32 v16, $0x0  }
0x247: {  	v54 =	vadd.s32 $0x1, v16;
	v15 =	vmin.u32 v15, $0x81;
	v18 =	vmin.u32 v53, $0x81  }
0x248: {  	v16 =	vnsel vm6, $0x0, v16;
	vm6 =	vgt.s32 v54, $0x0;
	v20 =	vmul.u32 $0x82, v18  }
0x249: {  	v21 =	vadd.s32 v15, v14;
	v14 =	vadd.s32 v52, v14;
	v19 =	vnsel vm6, $0x0, v54  }
0x24a: {  	v16 =	vmin.u32 v16, $0x81;
	v21 =	vmul.u32 $0x108, v21;
	v22 =	vadd.s32 v15, v20  }
0x24b: {  	v14 =	vmul.u32 $0x108, v14;
	v17 =	vadd.s32 v52, v20;
	v22 =	vmul.u32 $0x108, v22  }
0x24c: {  	v18 =	vcvt.s32.f32 v18;
	v55 =	vshll.u32 v16, $0x1;
	v17 =	vmul.u32 $0x108, v17  }
0x24d: {  	v19 =	vmin.u32 v19, $0x81;
	v21 =	vadd.s32 v21, v55;
	v22 =	vadd.s32 v22, v55  }
0x24e: {  	v16 =	vsub.s32 v19, v16;
	v17 =	vadd.s32 v17, v55;
	v21 =	vsel vm0, v22, v21  }
0x24f: {  	v14 =	vadd.s32 v14, v55;
	v16 =	vshll.u32 v16, $0x1;
	v17 =	vsel vm1, v21, v17  }
0x250: {  	v15 =	vcvt.s32.f32 v15;
	v16 =	vsel vm2, $0x0, v16;
	v14 =	vsel vm3, v14, v17  }
0x251: {  	v14 =	vadd.s32 v16, v14  }
0x252: {  	v13 =	vsub.f32 v18, v13;
	v12 =	vsub.f32 v15, v12;
	v14 =	vor.u32 v7, v14  }
0x253: {  	[tilespmem:$0x1F000] =	vst v14  }
0x254: {  	v56 =	vcvt.s32.f32 v19;
	v57 =	vsub.f32 $1.000000000e+00, v13;
	v15 =	vsub.f32 $1.000000000e+00, v12;
	[tilespmem:s26], [sflag:$0x4] =	stream.indirect.gather [hbm4b:s0+s24], $0x1, s25, s24, $0xb8;
	[tilespmem:$0x1F180] =	vst v63  }
0x255: {  	_ =	swait.ge [sflag:s23], $0x10  }
0x256: {  	v11 =	vsub.f32 v56, v11;
	v58 =	vmul.f32 v13, v15;
	v15 =	vmul.f32 v57, v15;
	[sflag:s23] =	ssyncset.done $0x0  }
0x257: {  	v16 =	vmul.f32 v57, v12;
	[sflag:s23] =	ssyncadd.s32 $0xFFFFFFF0  }
0x258: {  	v60 =	vsub.f32 $1.000000000e+00, v11;
	v12 =	vmul.f32 v13, v12;
	v61 =	vsel vm0, v15, v58;
	v59 =	vld [tilespmem:$0x1F080]  }
0x259: {  	v13 =	vsel vm1, v61, v16  }
0x25a: {  	v11 =	vsel vm2, v11, v60;
	v12 =	vsel vm3, v12, v13  }
0x25b: {  	v11 =	vmul.f32 v11, v12;
	_ =	sdelay $0x1  }
0x25c: {  	v11 =	vmul.f32 v11, v59;
	_ =	sdelay $0x1  }
0x25d: {  	v62 =	vnsel vm4, $0x0, v11  }
0x25e: {  	v11 =	vsel vm4, $0x0, v11;
	(xrf2) =	vadd.scan.msk.f32 $0xffff, v62  }
0x25f: {  	(xrf2) =	vadd.scan.msk.f32 $0xffff, v11;
	_ =	sdelay $0x6  }
.Ltmp13:
0x260: {  	_ = 	snop;
	(pc) =	sbr.rel .LBB2_11-.Ltmp13, $4  }
0x261: {  	_ = 	snop  }
0x262: {  	v11, _, _ =	vpop (xrf2)  }
0x263: {  	v63, _, _ =	vpop (xrf2);
	[tilespmem:v10+s28+$0x0] =	vst.idx.msk vm5, v11  }
0x264: {  	[tilespmem:v10+s29+$0x0] =	vst.idx.msk vm5, v63  }
.LBB2_15:
0x265: {  	_ =	sfence.sel $0x180000  }
0x266: {  	[bflag:$0x0] =	sbarrier.arrive $0xFFFF  }
0x267: {  	_ =	strace $0x90000047  }
0x268: {  	s0 =	stileid.u32;
	[bflag:$0x2] =	sbarrier.arrive $0xFFFF  }
0x269: {  	p0 =	sne.s32 s0, $0x0;
	s0 =	rddreg [dreg:$0x6]  }
0x26a: {  	s0 =	sadd.s32 @!p0 $0x100000, s0  }
0x26b: {  	[sflag:s0] =	ssyncadd.tile.s32 @!p0 $0x1;
	_ =	shalt  }
.Lfunc_end2:
_tile_overlayer_lowered:
.L_overlay_start_2:
0x26c: {  	(tag) =	ssettag $0x2  }
0x26d: {  	s0 =	rddreg [dreg:$0x0];
	s2 =	stileid.u32  }
0x26e: {  	s1 =	rddreg [dreg:$0x1];
	p0 =	sne.s32 s2, $0x0  }
0x26f: {  	s3 =	rddreg [dreg:$0x2];
	[bflag:$0x3] =	sbarrier.arrive $0xFFFF;
	s2 =	simm.s32 @!p0 $0x1C05  }
0x270: {  	[timem:s3], [sflag:s2] =	dma.local @!p0 [hbm:s0], s1  }
0x271: {  	s0 =	simm.s32 @!p0 $0x5  }
0x272: {  	_ =	swait.ge @!p0 [sflag:s0], s1  }
0x273: {  	s1 =	ssub.s32 @!p0 $0x0, s1;
	[sflag:s0] =	ssyncset.done @!p0 $0x0  }
0x274: {  	[sflag:s0] =	ssyncadd.s32 @!p0 s1  }
0x275: {  	[bflag:$0x3] =	sbarrier.arrive $0xFFFF  }
0x276: {  	_ =	shalt  }

</sc_bundles>
